<compile_context>
chip_gen: v7x
topology: tpu7x:2x2x1
jax: 0.10.2.dev20260603
libtpu: 0.0.44.dev20260713+nightly
codegen_flags: <defaults>
</compile_context>

<pallas_src>
import jax
import jax.numpy as jnp
from jax import lax
from jax.experimental import pallas as pl
from jax.experimental.pallas import tpu as pltpu
from jax.experimental.pallas import tpu_sc as plsc

_N, _L, _V = 8, 512, 32000
_B = _N * _L
_NC = 2
_NS = 16
_NW = _NC * _NS
_CHUNK = _B // _NW
_LANES = 16
_TILE_R, _TILE_C = 8, 128
_TCOLS = _V // _TILE_C
_NROWS = (_B // _TILE_R) * _TCOLS * _TILE_R


def _partials_body(lp_hbm, tgt_hbm, msk_hbm, out_hbm,
                   tgt_v, msk_v, idx_v, gran_v, part_v, sem_a):
    wid = lax.axis_index("s") * _NC + lax.axis_index("c")
    n = wid & (_N - 1)
    lwin = lax.shift_right_logical(wid, 3)
    col_base = pl.multiple_of(lwin * _CHUNK, _CHUNK)
    base = n * _L + lwin * _CHUNK

    pltpu.sync_copy(tgt_hbm.at[:, pl.ds(col_base, _CHUNK)], tgt_v)
    pltpu.sync_copy(msk_hbm.at[:, pl.ds(col_base, _CHUNK)], msk_v)

    lane = lax.iota(jnp.int32, _LANES)
    for j in range(_CHUNK // _LANES):
        g = j * _LANES
        tv = tgt_v[n, pl.ds(g, _LANES)]
        row = base + g + lane
        idx_v[pl.ds(g, _LANES)] = (
            (lax.shift_right_logical(row, 3) * _TCOLS
             + lax.shift_right_logical(tv, 7)) * _TILE_R + (row & (_TILE_R - 1)))

    pltpu.async_copy(lp_hbm.at[idx_v], gran_v.at[pl.ds(0, _CHUNK)],
                     sem_a).wait()

    accw = jnp.zeros((_LANES,), jnp.float32)
    accm = jnp.zeros((_LANES,), jnp.float32)
    for j in range(_CHUNK // _LANES):
        g = j * _LANES
        tv = tgt_v[n, pl.ds(g, _LANES)]
        cols = tv & (_TILE_C - 1)
        vacc = jnp.zeros((_LANES,), jnp.float32)
        for i in range(_LANES):
            start = cols[i] - i
            v16 = gran_v[g + i, pl.ds(start, _LANES)]
            vacc = jnp.where(lane == i, v16, vacc)
        m = msk_v[n, pl.ds(g, _LANES)]
        accw = accw + vacc * m
        accm = accm + m
    part_v[0, :] = accw
    part_v[1, :] = accm
    pltpu.sync_copy(part_v, out_hbm.at[wid])


def _finalize_body(parts_ref, out_ref):
    ws = jnp.sum(parts_ref[:, 0, :])
    ms = jnp.sum(parts_ref[:, 1, :])
    out_ref[...] = jnp.full((1, 1), -ws / (ms + 1e-6), jnp.float32)


def kernel(logprobs, target, mask):
    lp = (logprobs.reshape(_B // _TILE_R, _TILE_R, _TCOLS, _TILE_C)
          .transpose(0, 2, 1, 3)
          .reshape(_NROWS, _TILE_C))
    tgt = target.astype(jnp.int32)
    msk = mask.astype(jnp.float32)

    mesh = plsc.VectorSubcoreMesh(core_axis_name="c", subcore_axis_name="s")
    parts = pl.kernel(
        _partials_body,
        out_type=jax.ShapeDtypeStruct((_NW, 2, _LANES), jnp.float32),
        mesh=mesh,
        scratch_types=[
            pltpu.VMEM((_N, _CHUNK), jnp.int32),
            pltpu.VMEM((_N, _CHUNK), jnp.float32),
            pltpu.VMEM((_CHUNK,), jnp.int32),
            pltpu.VMEM((_CHUNK + 1, _TILE_C), jnp.float32),
            pltpu.VMEM((2, _LANES), jnp.float32),
            pltpu.SemaphoreType.DMA,
        ],
    )(lp, tgt, msk)

    out = pl.pallas_call(
        _finalize_body,
        out_shape=jax.ShapeDtypeStruct((1, 1), jnp.float32),
    )(parts)
    return out[0, 0]

# --- scband reference (transcript-rebuilt; emitter-appended) ---
"""Pipeline reference for scband-seq-model-criterion-29094108463884 (READ-ONLY COPY).

The authoritative reference and input builder live on the scoring server;
editing this copy changes nothing except your own understanding.
"""

import jax, jax.numpy as jnp
import numpy as np

def setup_inputs(seed: int = 0) -> dict:
    key = jax.random.key(seed)
    k1, k2 = jax.random.split(key, 2)
    n, L, V = 8, 512, 32000
    logprobs = jax.random.normal(k1, (n, L, V), dtype=jnp.float32)
    target = jax.random.randint(k2, (n, L), 0, V, dtype=jnp.int64)
    mask = jnp.ones((n, L), dtype=jnp.float32)
    return {"logprobs": logprobs, "target": target, "mask": mask}

def reference(logprobs, target, mask):
    # output = -logprobs.gather(2, target.unsqueeze(2)).squeeze(2)
    gathered = jnp.take_along_axis(logprobs, target[:, :, None], axis=2)[:, :, 0]
    output = -gathered
    output = output * mask
    output = jnp.sum(output) / (jnp.sum(mask) + 1e-06)
    return output

if __name__ == "__main__":
    import jax
    _d = setup_inputs()
    print(jax.jit(kernel)(*tuple(_d.values())))

</pallas_src>

<mosaic_0001>
#map = affine_map<(d0, d1) -> (0, 0)>
#map1 = affine_map<(d0, d1) -> (0, 0, 0)>
module attributes {stable_mosaic.version = 14 : i64} {
  func.func @_partials_body(%arg0: i32, %arg1: i32, %arg2: memref<1024000x128xf32, #tpu.memory_space<hbm>>, %arg3: memref<8x512xi32, #tpu.memory_space<hbm>>, %arg4: memref<8x512xf32, #tpu.memory_space<hbm>>, %arg5: memref<32x2x16xf32, #tpu.memory_space<hbm>>, %arg6: memref<8x128xi32, #tpu.memory_space<vmem>>, %arg7: memref<8x128xf32, #tpu.memory_space<vmem>>, %arg8: memref<128xi32, #tpu.memory_space<vmem>>, %arg9: memref<129x128xf32, #tpu.memory_space<vmem>>, %arg10: memref<2x16xf32, #tpu.memory_space<vmem>>, %arg11: memref<!tpu.dma_semaphore, #tpu.memory_space<semaphore_mem>>) attributes {dimension_semantics = [#tpu.dimension_semantics<core_parallel>, #tpu.dimension_semantics<subcore_parallel>], iteration_bounds = array<i64: 2, 16>, scalar_prefetch = 0 : i64, scratch_operands = 6 : i64, tpu.core_type = #tpu.core_type<sc_vector_subcore>, window_params = [{transform_indices = #map}, {transform_indices = #map}, {transform_indices = #map}, {transform_indices = #map1}]} {
    %mul3A = arith.constant 2 : i32
    %mul3A_0 = arith.muli %arg1, %mul3A : i32
    %add3A = arith.addi %mul3A_0, %arg0 : i32
    %and3A = arith.constant 7 : i32
    %and3A_1 = arith.andi %add3A, %and3A : i32
    %shift_right_logical3A = arith.constant 3 : i32
    %shift_right_logical3A_2 = arith.shrui %add3A, %shift_right_logical3A : i32
    %mul3A_3 = arith.constant 128 : i32
    %mul3A_4 = arith.muli %shift_right_logical3A_2, %mul3A_3 : i32
    %multiple_of3A = tpu.assume_multiple %mul3A_4, 128 : i32
    %mul3A_5 = arith.constant 512 : i32
    %mul3A_6 = arith.muli %and3A_1, %mul3A_5 : i32
    %mul3A_7 = arith.constant 128 : i32
    %mul3A_8 = arith.muli %shift_right_logical3A_2, %mul3A_7 : i32
    %add3A_9 = arith.addi %mul3A_6, %mul3A_8 : i32
    "tpu.region"() ({
      %run_scoped3A = tpu.sem_alloc : memref<!tpu.dma_semaphore, #tpu.memory_space<semaphore_mem>>
      %dma_start3A_2052 = arith.constant 0 : i32
      %dma_start3A_2053 = tpu.memref_slice %arg3[%dma_start3A_2052, %multiple_of3A] : memref<8x512xi32, #tpu.memory_space<hbm>> -> memref<8x128xi32, #tpu.memory_space<hbm>>
      %dma_start3A_2054 = arith.constant 0 : i32
      %dma_start3A_2055 = tpu.memref_slice %arg3[%dma_start3A_2054, %multiple_of3A] : memref<8x512xi32, #tpu.memory_space<hbm>> -> memref<8x128xi32, #tpu.memory_space<hbm>>
      tpu.enqueue_dma source(%dma_start3A_2055 : memref<8x128xi32, #tpu.memory_space<hbm>>) target(%arg6 : memref<8x128xi32, #tpu.memory_space<vmem>>) target_semaphore(%run_scoped3A : memref<!tpu.dma_semaphore, #tpu.memory_space<semaphore_mem>>)
      %dma_wait3A_2056 = arith.constant 0 : i32
      %dma_wait3A_2057 = tpu.memref_slice %arg3[%dma_wait3A_2056, %multiple_of3A] : memref<8x512xi32, #tpu.memory_space<hbm>> -> memref<8x128xi32, #tpu.memory_space<hbm>>
      %dma_wait3A_2058 = arith.constant 0 : i32
      %dma_wait3A_2059 = tpu.memref_slice %arg3[%dma_wait3A_2058, %multiple_of3A] : memref<8x512xi32, #tpu.memory_space<hbm>> -> memref<8x128xi32, #tpu.memory_space<hbm>>
      tpu.wait_dma2 semaphore(%run_scoped3A : memref<!tpu.dma_semaphore, #tpu.memory_space<semaphore_mem>>) src(%dma_wait3A_2059 : memref<8x128xi32, #tpu.memory_space<hbm>>) dst(%arg6 : memref<8x128xi32, #tpu.memory_space<vmem>>)
      tpu.yield
    }) : () -> ()
    "tpu.region"() ({
      %run_scoped3A = tpu.sem_alloc : memref<!tpu.dma_semaphore, #tpu.memory_space<semaphore_mem>>
      %dma_start3A_2052 = arith.constant 0 : i32
      %dma_start3A_2053 = tpu.memref_slice %arg4[%dma_start3A_2052, %multiple_of3A] : memref<8x512xf32, #tpu.memory_space<hbm>> -> memref<8x128xf32, #tpu.memory_space<hbm>>
      %dma_start3A_2054 = arith.constant 0 : i32
      %dma_start3A_2055 = tpu.memref_slice %arg4[%dma_start3A_2054, %multiple_of3A] : memref<8x512xf32, #tpu.memory_space<hbm>> -> memref<8x128xf32, #tpu.memory_space<hbm>>
      tpu.enqueue_dma source(%dma_start3A_2055 : memref<8x128xf32, #tpu.memory_space<hbm>>) target(%arg7 : memref<8x128xf32, #tpu.memory_space<vmem>>) target_semaphore(%run_scoped3A : memref<!tpu.dma_semaphore, #tpu.memory_space<semaphore_mem>>)
      %dma_wait3A_2056 = arith.constant 0 : i32
      %dma_wait3A_2057 = tpu.memref_slice %arg4[%dma_wait3A_2056, %multiple_of3A] : memref<8x512xf32, #tpu.memory_space<hbm>> -> memref<8x128xf32, #tpu.memory_space<hbm>>
      %dma_wait3A_2058 = arith.constant 0 : i32
      %dma_wait3A_2059 = tpu.memref_slice %arg4[%dma_wait3A_2058, %multiple_of3A] : memref<8x512xf32, #tpu.memory_space<hbm>> -> memref<8x128xf32, #tpu.memory_space<hbm>>
      tpu.wait_dma2 semaphore(%run_scoped3A : memref<!tpu.dma_semaphore, #tpu.memory_space<semaphore_mem>>) src(%dma_wait3A_2059 : memref<8x128xf32, #tpu.memory_space<hbm>>) dst(%arg7 : memref<8x128xf32, #tpu.memory_space<vmem>>)
      tpu.yield
    }) : () -> ()
    %iota3A = tpu.iota {dimensions = array<i32: 0>} : vector<16xi32>
    %get3A = arith.index_cast %and3A_1 : i32 to index
    %get3A_10 = arith.constant 0 : index
    %get3A_11 = tpu.vector_load %arg6[%get3A, %get3A_10] {strides = array<i32>} : memref<8x128xi32, #tpu.memory_space<vmem>>, vector<1x16xi32>,
    %get3A_12 = vector.shape_cast %get3A_11 : vector<1x16xi32> to vector<16xi32>
    %add3A_13 = arith.constant 0 : i32
    %add3A_14 = arith.addi %add3A_9, %add3A_13 : i32
    %add3A_15 = vector.broadcast %add3A_14 : i32 to vector<16xi32>
    %add3A_16 = arith.addi %add3A_15, %iota3A : vector<16xi32>
    %shift_right_logical3A_17 = arith.constant 3 : i32
    %shift_right_logical3A_18 = vector.broadcast %shift_right_logical3A_17 : i32 to vector<16xi32>
    %shift_right_logical3A_19 = arith.shrui %add3A_16, %shift_right_logical3A_18 : vector<16xi32>
    %mul3A_20 = arith.constant 250 : i32
    %mul3A_21 = vector.broadcast %mul3A_20 : i32 to vector<16xi32>
    %mul3A_22 = arith.muli %shift_right_logical3A_19, %mul3A_21 : vector<16xi32>
    %shift_right_logical3A_23 = arith.constant 7 : i32
    %shift_right_logical3A_24 = vector.broadcast %shift_right_logical3A_23 : i32 to vector<16xi32>
    %shift_right_logical3A_25 = arith.shrui %get3A_12, %shift_right_logical3A_24 : vector<16xi32>
    %add3A_26 = arith.addi %mul3A_22, %shift_right_logical3A_25 : vector<16xi32>
    %mul3A_27 = arith.constant 8 : i32
    %mul3A_28 = vector.broadcast %mul3A_27 : i32 to vector<16xi32>
    %mul3A_29 = arith.muli %add3A_26, %mul3A_28 : vector<16xi32>
    %and3A_30 = arith.constant 7 : i32
    %and3A_31 = vector.broadcast %and3A_30 : i32 to vector<16xi32>
    %and3A_32 = arith.andi %add3A_16, %and3A_31 : vector<16xi32>
    %add3A_33 = arith.addi %mul3A_29, %and3A_32 : vector<16xi32>
    %swap3A = arith.constant 0 : index
    %swap3A_34 = tpu.vector_load %arg8[%swap3A] {strides = array<i32>} : memref<128xi32, #tpu.memory_space<vmem>>, vector<16xi32>,
    %swap3A_35 = vector.shape_cast %swap3A_34 : vector<16xi32> to vector<16xi32>
    %swap3A_36 = vector.shape_cast %add3A_33 : vector<16xi32> to vector<16xi32>
    tpu.vector_store %arg8[%swap3A], %swap3A_36 {strides = array<i32>} : memref<128xi32, #tpu.memory_space<vmem>>, vector<16xi32>,
    %get3A_37 = arith.index_cast %and3A_1 : i32 to index
    %get3A_38 = arith.constant 16 : index
    %get3A_39 = tpu.vector_load %arg6[%get3A_37, %get3A_38] {strides = array<i32>} : memref<8x128xi32, #tpu.memory_space<vmem>>, vector<1x16xi32>,
    %get3A_40 = vector.shape_cast %get3A_39 : vector<1x16xi32> to vector<16xi32>
    %add3A_41 = arith.constant 16 : i32
    %add3A_42 = arith.addi %add3A_9, %add3A_41 : i32
    %add3A_43 = vector.broadcast %add3A_42 : i32 to vector<16xi32>
    %add3A_44 = arith.addi %add3A_43, %iota3A : vector<16xi32>
    %shift_right_logical3A_45 = arith.constant 3 : i32
    %shift_right_logical3A_46 = vector.broadcast %shift_right_logical3A_45 : i32 to vector<16xi32>
    %shift_right_logical3A_47 = arith.shrui %add3A_44, %shift_right_logical3A_46 : vector<16xi32>
    %mul3A_48 = arith.constant 250 : i32
    %mul3A_49 = vector.broadcast %mul3A_48 : i32 to vector<16xi32>
    %mul3A_50 = arith.muli %shift_right_logical3A_47, %mul3A_49 : vector<16xi32>
    %shift_right_logical3A_51 = arith.constant 7 : i32
    %shift_right_logical3A_52 = vector.broadcast %shift_right_logical3A_51 : i32 to vector<16xi32>
    %shift_right_logical3A_53 = arith.shrui %get3A_40, %shift_right_logical3A_52 : vector<16xi32>
    %add3A_54 = arith.addi %mul3A_50, %shift_right_logical3A_53 : vector<16xi32>
    %mul3A_55 = arith.constant 8 : i32
    %mul3A_56 = vector.broadcast %mul3A_55 : i32 to vector<16xi32>
    %mul3A_57 = arith.muli %add3A_54, %mul3A_56 : vector<16xi32>
    %and3A_58 = arith.constant 7 : i32
    %and3A_59 = vector.broadcast %and3A_58 : i32 to vector<16xi32>
    %and3A_60 = arith.andi %add3A_44, %and3A_59 : vector<16xi32>
    %add3A_61 = arith.addi %mul3A_57, %and3A_60 : vector<16xi32>
    %swap3A_62 = arith.constant 16 : index
    %swap3A_63 = tpu.vector_load %arg8[%swap3A_62] {strides = array<i32>} : memref<128xi32, #tpu.memory_space<vmem>>, vector<16xi32>,
    %swap3A_64 = vector.shape_cast %swap3A_63 : vector<16xi32> to vector<16xi32>
    %swap3A_65 = vector.shape_cast %add3A_61 : vector<16xi32> to vector<16xi32>
    tpu.vector_store %arg8[%swap3A_62], %swap3A_65 {strides = array<i32>} : memref<128xi32, #tpu.memory_space<vmem>>, vector<16xi32>,
    %get3A_66 = arith.index_cast %and3A_1 : i32 to index
    %get3A_67 = arith.constant 32 : index
    %get3A_68 = tpu.vector_load %arg6[%get3A_66, %get3A_67] {strides = array<i32>} : memref<8x128xi32, #tpu.memory_space<vmem>>, vector<1x16xi32>,
    %get3A_69 = vector.shape_cast %get3A_68 : vector<1x16xi32> to vector<16xi32>
    %add3A_70 = arith.constant 32 : i32
    %add3A_71 = arith.addi %add3A_9, %add3A_70 : i32
    %add3A_72 = vector.broadcast %add3A_71 : i32 to vector<16xi32>
    %add3A_73 = arith.addi %add3A_72, %iota3A : vector<16xi32>
    %shift_right_logical3A_74 = arith.constant 3 : i32
    %shift_right_logical3A_75 = vector.broadcast %shift_right_logical3A_74 : i32 to vector<16xi32>
    %shift_right_logical3A_76 = arith.shrui %add3A_73, %shift_right_logical3A_75 : vector<16xi32>
    %mul3A_77 = arith.constant 250 : i32
    %mul3A_78 = vector.broadcast %mul3A_77 : i32 to vector<16xi32>
    %mul3A_79 = arith.muli %shift_right_logical3A_76, %mul3A_78 : vector<16xi32>
    %shift_right_logical3A_80 = arith.constant 7 : i32
    %shift_right_logical3A_81 = vector.broadcast %shift_right_logical3A_80 : i32 to vector<16xi32>
    %shift_right_logical3A_82 = arith.shrui %get3A_69, %shift_right_logical3A_81 : vector<16xi32>
    %add3A_83 = arith.addi %mul3A_79, %shift_right_logical3A_82 : vector<16xi32>
    %mul3A_84 = arith.constant 8 : i32
    %mul3A_85 = vector.broadcast %mul3A_84 : i32 to vector<16xi32>
    %mul3A_86 = arith.muli %add3A_83, %mul3A_85 : vector<16xi32>
    %and3A_87 = arith.constant 7 : i32
    %and3A_88 = vector.broadcast %and3A_87 : i32 to vector<16xi32>
    %and3A_89 = arith.andi %add3A_73, %and3A_88 : vector<16xi32>
    %add3A_90 = arith.addi %mul3A_86, %and3A_89 : vector<16xi32>
    %swap3A_91 = arith.constant 32 : index
    %swap3A_92 = tpu.vector_load %arg8[%swap3A_91] {strides = array<i32>} : memref<128xi32, #tpu.memory_space<vmem>>, vector<16xi32>,
    %swap3A_93 = vector.shape_cast %swap3A_92 : vector<16xi32> to vector<16xi32>
    %swap3A_94 = vector.shape_cast %add3A_90 : vector<16xi32> to vector<16xi32>
    tpu.vector_store %arg8[%swap3A_91], %swap3A_94 {strides = array<i32>} : memref<128xi32, #tpu.memory_space<vmem>>, vector<16xi32>,
    %get3A_95 = arith.index_cast %and3A_1 : i32 to index
    %get3A_96 = arith.constant 48 : index
    %get3A_97 = tpu.vector_load %arg6[%get3A_95, %get3A_96] {strides = array<i32>} : memref<8x128xi32, #tpu.memory_space<vmem>>, vector<1x16xi32>,
    %get3A_98 = vector.shape_cast %get3A_97 : vector<1x16xi32> to vector<16xi32>
    %add3A_99 = arith.constant 48 : i32
    %add3A_100 = arith.addi %add3A_9, %add3A_99 : i32
    %add3A_101 = vector.broadcast %add3A_100 : i32 to vector<16xi32>
    %add3A_102 = arith.addi %add3A_101, %iota3A : vector<16xi32>
    %shift_right_logical3A_103 = arith.constant 3 : i32
    %shift_right_logical3A_104 = vector.broadcast %shift_right_logical3A_103 : i32 to vector<16xi32>
    %shift_right_logical3A_105 = arith.shrui %add3A_102, %shift_right_logical3A_104 : vector<16xi32>
    %mul3A_106 = arith.constant 250 : i32
    %mul3A_107 = vector.broadcast %mul3A_106 : i32 to vector<16xi32>
    %mul3A_108 = arith.muli %shift_right_logical3A_105, %mul3A_107 : vector<16xi32>
    %shift_right_logical3A_109 = arith.constant 7 : i32
    %shift_right_logical3A_110 = vector.broadcast %shift_right_logical3A_109 : i32 to vector<16xi32>
    %shift_right_logical3A_111 = arith.shrui %get3A_98, %shift_right_logical3A_110 : vector<16xi32>
    %add3A_112 = arith.addi %mul3A_108, %shift_right_logical3A_111 : vector<16xi32>
    %mul3A_113 = arith.constant 8 : i32
    %mul3A_114 = vector.broadcast %mul3A_113 : i32 to vector<16xi32>
    %mul3A_115 = arith.muli %add3A_112, %mul3A_114 : vector<16xi32>
    %and3A_116 = arith.constant 7 : i32
    %and3A_117 = vector.broadcast %and3A_116 : i32 to vector<16xi32>
    %and3A_118 = arith.andi %add3A_102, %and3A_117 : vector<16xi32>
    %add3A_119 = arith.addi %mul3A_115, %and3A_118 : vector<16xi32>
    %swap3A_120 = arith.constant 48 : index
    %swap3A_121 = tpu.vector_load %arg8[%swap3A_120] {strides = array<i32>} : memref<128xi32, #tpu.memory_space<vmem>>, vector<16xi32>,
    %swap3A_122 = vector.shape_cast %swap3A_121 : vector<16xi32> to vector<16xi32>
    %swap3A_123 = vector.shape_cast %add3A_119 : vector<16xi32> to vector<16xi32>
    tpu.vector_store %arg8[%swap3A_120], %swap3A_123 {strides = array<i32>} : memref<128xi32, #tpu.memory_space<vmem>>, vector<16xi32>,
    %get3A_124 = arith.index_cast %and3A_1 : i32 to index
    %get3A_125 = arith.constant 64 : index
    %get3A_126 = tpu.vector_load %arg6[%get3A_124, %get3A_125] {strides = array<i32>} : memref<8x128xi32, #tpu.memory_space<vmem>>, vector<1x16xi32>,
    %get3A_127 = vector.shape_cast %get3A_126 : vector<1x16xi32> to vector<16xi32>
    %add3A_128 = arith.constant 64 : i32
    %add3A_129 = arith.addi %add3A_9, %add3A_128 : i32
    %add3A_130 = vector.broadcast %add3A_129 : i32 to vector<16xi32>
    %add3A_131 = arith.addi %add3A_130, %iota3A : vector<16xi32>
    %shift_right_logical3A_132 = arith.constant 3 : i32
    %shift_right_logical3A_133 = vector.broadcast %shift_right_logical3A_132 : i32 to vector<16xi32>
    %shift_right_logical3A_134 = arith.shrui %add3A_131, %shift_right_logical3A_133 : vector<16xi32>
    %mul3A_135 = arith.constant 250 : i32
    %mul3A_136 = vector.broadcast %mul3A_135 : i32 to vector<16xi32>
    %mul3A_137 = arith.muli %shift_right_logical3A_134, %mul3A_136 : vector<16xi32>
    %shift_right_logical3A_138 = arith.constant 7 : i32
    %shift_right_logical3A_139 = vector.broadcast %shift_right_logical3A_138 : i32 to vector<16xi32>
    %shift_right_logical3A_140 = arith.shrui %get3A_127, %shift_right_logical3A_139 : vector<16xi32>
    %add3A_141 = arith.addi %mul3A_137, %shift_right_logical3A_140 : vector<16xi32>
    %mul3A_142 = arith.constant 8 : i32
    %mul3A_143 = vector.broadcast %mul3A_142 : i32 to vector<16xi32>
    %mul3A_144 = arith.muli %add3A_141, %mul3A_143 : vector<16xi32>
    %and3A_145 = arith.constant 7 : i32
    %and3A_146 = vector.broadcast %and3A_145 : i32 to vector<16xi32>
    %and3A_147 = arith.andi %add3A_131, %and3A_146 : vector<16xi32>
    %add3A_148 = arith.addi %mul3A_144, %and3A_147 : vector<16xi32>
    %swap3A_149 = arith.constant 64 : index
    %swap3A_150 = tpu.vector_load %arg8[%swap3A_149] {strides = array<i32>} : memref<128xi32, #tpu.memory_space<vmem>>, vector<16xi32>,
    %swap3A_151 = vector.shape_cast %swap3A_150 : vector<16xi32> to vector<16xi32>
    %swap3A_152 = vector.shape_cast %add3A_148 : vector<16xi32> to vector<16xi32>
    tpu.vector_store %arg8[%swap3A_149], %swap3A_152 {strides = array<i32>} : memref<128xi32, #tpu.memory_space<vmem>>, vector<16xi32>,
    %get3A_153 = arith.index_cast %and3A_1 : i32 to index
    %get3A_154 = arith.constant 80 : index
    %get3A_155 = tpu.vector_load %arg6[%get3A_153, %get3A_154] {strides = array<i32>} : memref<8x128xi32, #tpu.memory_space<vmem>>, vector<1x16xi32>,
    %get3A_156 = vector.shape_cast %get3A_155 : vector<1x16xi32> to vector<16xi32>
    %add3A_157 = arith.constant 80 : i32
    %add3A_158 = arith.addi %add3A_9, %add3A_157 : i32
    %add3A_159 = vector.broadcast %add3A_158 : i32 to vector<16xi32>
    %add3A_160 = arith.addi %add3A_159, %iota3A : vector<16xi32>
    %shift_right_logical3A_161 = arith.constant 3 : i32
    %shift_right_logical3A_162 = vector.broadcast %shift_right_logical3A_161 : i32 to vector<16xi32>
    %shift_right_logical3A_163 = arith.shrui %add3A_160, %shift_right_logical3A_162 : vector<16xi32>
    %mul3A_164 = arith.constant 250 : i32
    %mul3A_165 = vector.broadcast %mul3A_164 : i32 to vector<16xi32>
    %mul3A_166 = arith.muli %shift_right_logical3A_163, %mul3A_165 : vector<16xi32>
    %shift_right_logical3A_167 = arith.constant 7 : i32
    %shift_right_logical3A_168 = vector.broadcast %shift_right_logical3A_167 : i32 to vector<16xi32>
    %shift_right_logical3A_169 = arith.shrui %get3A_156, %shift_right_logical3A_168 : vector<16xi32>
    %add3A_170 = arith.addi %mul3A_166, %shift_right_logical3A_169 : vector<16xi32>
    %mul3A_171 = arith.constant 8 : i32
    %mul3A_172 = vector.broadcast %mul3A_171 : i32 to vector<16xi32>
    %mul3A_173 = arith.muli %add3A_170, %mul3A_172 : vector<16xi32>
    %and3A_174 = arith.constant 7 : i32
    %and3A_175 = vector.broadcast %and3A_174 : i32 to vector<16xi32>
    %and3A_176 = arith.andi %add3A_160, %and3A_175 : vector<16xi32>
    %add3A_177 = arith.addi %mul3A_173, %and3A_176 : vector<16xi32>
    %swap3A_178 = arith.constant 80 : index
    %swap3A_179 = tpu.vector_load %arg8[%swap3A_178] {strides = array<i32>} : memref<128xi32, #tpu.memory_space<vmem>>, vector<16xi32>,
    %swap3A_180 = vector.shape_cast %swap3A_179 : vector<16xi32> to vector<16xi32>
    %swap3A_181 = vector.shape_cast %add3A_177 : vector<16xi32> to vector<16xi32>
    tpu.vector_store %arg8[%swap3A_178], %swap3A_181 {strides = array<i32>} : memref<128xi32, #tpu.memory_space<vmem>>, vector<16xi32>,
    %get3A_182 = arith.index_cast %and3A_1 : i32 to index
    %get3A_183 = arith.constant 96 : index
    %get3A_184 = tpu.vector_load %arg6[%get3A_182, %get3A_183] {strides = array<i32>} : memref<8x128xi32, #tpu.memory_space<vmem>>, vector<1x16xi32>,
    %get3A_185 = vector.shape_cast %get3A_184 : vector<1x16xi32> to vector<16xi32>
    %add3A_186 = arith.constant 96 : i32
    %add3A_187 = arith.addi %add3A_9, %add3A_186 : i32
    %add3A_188 = vector.broadcast %add3A_187 : i32 to vector<16xi32>
    %add3A_189 = arith.addi %add3A_188, %iota3A : vector<16xi32>
    %shift_right_logical3A_190 = arith.constant 3 : i32
    %shift_right_logical3A_191 = vector.broadcast %shift_right_logical3A_190 : i32 to vector<16xi32>
    %shift_right_logical3A_192 = arith.shrui %add3A_189, %shift_right_logical3A_191 : vector<16xi32>
    %mul3A_193 = arith.constant 250 : i32
    %mul3A_194 = vector.broadcast %mul3A_193 : i32 to vector<16xi32>
    %mul3A_195 = arith.muli %shift_right_logical3A_192, %mul3A_194 : vector<16xi32>
    %shift_right_logical3A_196 = arith.constant 7 : i32
    %shift_right_logical3A_197 = vector.broadcast %shift_right_logical3A_196 : i32 to vector<16xi32>
    %shift_right_logical3A_198 = arith.shrui %get3A_185, %shift_right_logical3A_197 : vector<16xi32>
    %add3A_199 = arith.addi %mul3A_195, %shift_right_logical3A_198 : vector<16xi32>
    %mul3A_200 = arith.constant 8 : i32
    %mul3A_201 = vector.broadcast %mul3A_200 : i32 to vector<16xi32>
    %mul3A_202 = arith.muli %add3A_199, %mul3A_201 : vector<16xi32>
    %and3A_203 = arith.constant 7 : i32
    %and3A_204 = vector.broadcast %and3A_203 : i32 to vector<16xi32>
    %and3A_205 = arith.andi %add3A_189, %and3A_204 : vector<16xi32>
    %add3A_206 = arith.addi %mul3A_202, %and3A_205 : vector<16xi32>
    %swap3A_207 = arith.constant 96 : index
    %swap3A_208 = tpu.vector_load %arg8[%swap3A_207] {strides = array<i32>} : memref<128xi32, #tpu.memory_space<vmem>>, vector<16xi32>,
    %swap3A_209 = vector.shape_cast %swap3A_208 : vector<16xi32> to vector<16xi32>
    %swap3A_210 = vector.shape_cast %add3A_206 : vector<16xi32> to vector<16xi32>
    tpu.vector_store %arg8[%swap3A_207], %swap3A_210 {strides = array<i32>} : memref<128xi32, #tpu.memory_space<vmem>>, vector<16xi32>,
    %get3A_211 = arith.index_cast %and3A_1 : i32 to index
    %get3A_212 = arith.constant 112 : index
    %get3A_213 = tpu.vector_load %arg6[%get3A_211, %get3A_212] {strides = array<i32>} : memref<8x128xi32, #tpu.memory_space<vmem>>, vector<1x16xi32>,
    %get3A_214 = vector.shape_cast %get3A_213 : vector<1x16xi32> to vector<16xi32>
    %add3A_215 = arith.constant 112 : i32
    %add3A_216 = arith.addi %add3A_9, %add3A_215 : i32
    %add3A_217 = vector.broadcast %add3A_216 : i32 to vector<16xi32>
    %add3A_218 = arith.addi %add3A_217, %iota3A : vector<16xi32>
    %shift_right_logical3A_219 = arith.constant 3 : i32
    %shift_right_logical3A_220 = vector.broadcast %shift_right_logical3A_219 : i32 to vector<16xi32>
    %shift_right_logical3A_221 = arith.shrui %add3A_218, %shift_right_logical3A_220 : vector<16xi32>
    %mul3A_222 = arith.constant 250 : i32
    %mul3A_223 = vector.broadcast %mul3A_222 : i32 to vector<16xi32>
    %mul3A_224 = arith.muli %shift_right_logical3A_221, %mul3A_223 : vector<16xi32>
    %shift_right_logical3A_225 = arith.constant 7 : i32
    %shift_right_logical3A_226 = vector.broadcast %shift_right_logical3A_225 : i32 to vector<16xi32>
    %shift_right_logical3A_227 = arith.shrui %get3A_214, %shift_right_logical3A_226 : vector<16xi32>
    %add3A_228 = arith.addi %mul3A_224, %shift_right_logical3A_227 : vector<16xi32>
    %mul3A_229 = arith.constant 8 : i32
    %mul3A_230 = vector.broadcast %mul3A_229 : i32 to vector<16xi32>
    %mul3A_231 = arith.muli %add3A_228, %mul3A_230 : vector<16xi32>
    %and3A_232 = arith.constant 7 : i32
    %and3A_233 = vector.broadcast %and3A_232 : i32 to vector<16xi32>
    %and3A_234 = arith.andi %add3A_218, %and3A_233 : vector<16xi32>
    %add3A_235 = arith.addi %mul3A_231, %and3A_234 : vector<16xi32>
    %swap3A_236 = arith.constant 112 : index
    %swap3A_237 = tpu.vector_load %arg8[%swap3A_236] {strides = array<i32>} : memref<128xi32, #tpu.memory_space<vmem>>, vector<16xi32>,
    %swap3A_238 = vector.shape_cast %swap3A_237 : vector<16xi32> to vector<16xi32>
    %swap3A_239 = vector.shape_cast %add3A_235 : vector<16xi32> to vector<16xi32>
    tpu.vector_store %arg8[%swap3A_236], %swap3A_239 {strides = array<i32>} : memref<128xi32, #tpu.memory_space<vmem>>, vector<16xi32>,
    %dma_start3A = arith.constant 0 : i32
    %dma_start3A_240 = arith.constant 0 : i32
    %dma_start3A_241 = tpu.memref_slice %arg9[%dma_start3A, %dma_start3A_240] : memref<129x128xf32, #tpu.memory_space<vmem>> -> memref<128x128xf32, #tpu.memory_space<vmem>>
    %dma_start3A_242 = arith.constant 0 : i32
    %dma_start3A_243 = arith.constant 0 : i32
    %dma_start3A_244 = tpu.memref_slice %arg2[%dma_start3A_242, %dma_start3A_243] : memref<1024000x128xf32, #tpu.memory_space<hbm>> -> memref<1024000x128xf32, #tpu.memory_space<hbm>>
    tpu.enqueue_indirect_dma source(%dma_start3A_244 : memref<1024000x128xf32, #tpu.memory_space<hbm>>) target(%dma_start3A_241 : memref<128x128xf32, #tpu.memory_space<vmem>>) offsets(%arg8 : memref<128xi32, #tpu.memory_space<vmem>>) semaphore(%arg11 : memref<!tpu.dma_semaphore, #tpu.memory_space<semaphore_mem>>)
    %dma_wait3A = arith.constant 0 : i32
    %dma_wait3A_245 = arith.constant 0 : i32
    %dma_wait3A_246 = tpu.memref_slice %arg9[%dma_wait3A, %dma_wait3A_245] : memref<129x128xf32, #tpu.memory_space<vmem>> -> memref<128x128xf32, #tpu.memory_space<vmem>>
    %dma_wait3A_247 = arith.constant 0 : i32
    %dma_wait3A_248 = arith.constant 0 : i32
    %dma_wait3A_249 = tpu.memref_slice %arg2[%dma_wait3A_247, %dma_wait3A_248] : memref<1024000x128xf32, #tpu.memory_space<hbm>> -> memref<1024000x128xf32, #tpu.memory_space<hbm>>
    tpu.wait_indirect_dma semaphore(%arg11 : memref<!tpu.dma_semaphore, #tpu.memory_space<semaphore_mem>>) src(%dma_wait3A_249 : memref<1024000x128xf32, #tpu.memory_space<hbm>>) dst(%dma_wait3A_246 : memref<128x128xf32, #tpu.memory_space<vmem>>)
    %broadcast_in_dim3A = arith.constant 0.000000e+00 : f32
    %broadcast_in_dim3A_250 = vector.broadcast %broadcast_in_dim3A : f32 to vector<16xf32>
    %broadcast_in_dim3A_251 = arith.constant 0.000000e+00 : f32
    %broadcast_in_dim3A_252 = vector.broadcast %broadcast_in_dim3A_251 : f32 to vector<16xf32>
    %get3A_253 = arith.index_cast %and3A_1 : i32 to index
    %get3A_254 = arith.constant 0 : index
    %get3A_255 = tpu.vector_load %arg6[%get3A_253, %get3A_254] {strides = array<i32>} : memref<8x128xi32, #tpu.memory_space<vmem>>, vector<1x16xi32>,
    %get3A_256 = vector.shape_cast %get3A_255 : vector<1x16xi32> to vector<16xi32>
    %and3A_257 = arith.constant 127 : i32
    %and3A_258 = vector.broadcast %and3A_257 : i32 to vector<16xi32>
    %and3A_259 = arith.andi %get3A_256, %and3A_258 : vector<16xi32>
    %broadcast_in_dim3A_260 = arith.constant 0.000000e+00 : f32
    %broadcast_in_dim3A_261 = vector.broadcast %broadcast_in_dim3A_260 : f32 to vector<16xf32>
    %slice3A = vector.extract_strided_slice %and3A_259 {offsets = [0], sizes = [1], strides = [1]} : vector<16xi32> to vector<1xi32>
    %squeeze3A = vector.extract %slice3A[0] : i32 from vector<1xi32>
    %sub3A = arith.constant 0 : i32
    %sub3A_262 = arith.subi %squeeze3A, %sub3A : i32
    %get3A_263 = arith.constant 0 : i32
    %get3A_264 = arith.index_cast %get3A_263 : i32 to index
    %get3A_265 = arith.index_cast %sub3A_262 : i32 to index
    %get3A_266 = tpu.vector_load %arg9[%get3A_264, %get3A_265] {strides = array<i32>} : memref<129x128xf32, #tpu.memory_space<vmem>>, vector<1x16xf32>,
    %get3A_267 = vector.shape_cast %get3A_266 : vector<1x16xf32> to vector<16xf32>
    %eq3A = arith.constant 0 : i32
    %eq3A_268 = vector.broadcast %eq3A : i32 to vector<16xi32>
    %eq3A_269 = arith.cmpi eq, %iota3A, %eq3A_268 : vector<16xi32>
    %select_n3A = arith.select %eq3A_269, %get3A_267, %broadcast_in_dim3A_261 : vector<16xi1>, vector<16xf32>
    %slice3A_270 = vector.extract_strided_slice %and3A_259 {offsets = [1], sizes = [1], strides = [1]} : vector<16xi32> to vector<1xi32>
    %squeeze3A_271 = vector.extract %slice3A_270[0] : i32 from vector<1xi32>
    %sub3A_272 = arith.constant 1 : i32
    %sub3A_273 = arith.subi %squeeze3A_271, %sub3A_272 : i32
    %get3A_274 = arith.constant 1 : i32
    %get3A_275 = arith.index_cast %get3A_274 : i32 to index
    %get3A_276 = arith.index_cast %sub3A_273 : i32 to index
    %get3A_277 = tpu.vector_load %arg9[%get3A_275, %get3A_276] {strides = array<i32>} : memref<129x128xf32, #tpu.memory_space<vmem>>, vector<1x16xf32>,
    %get3A_278 = vector.shape_cast %get3A_277 : vector<1x16xf32> to vector<16xf32>
    %eq3A_279 = arith.constant 1 : i32
    %eq3A_280 = vector.broadcast %eq3A_279 : i32 to vector<16xi32>
    %eq3A_281 = arith.cmpi eq, %iota3A, %eq3A_280 : vector<16xi32>
    %select_n3A_282 = arith.select %eq3A_281, %get3A_278, %select_n3A : vector<16xi1>, vector<16xf32>
    %slice3A_283 = vector.extract_strided_slice %and3A_259 {offsets = [2], sizes = [1], strides = [1]} : vector<16xi32> to vector<1xi32>
    %squeeze3A_284 = vector.extract %slice3A_283[0] : i32 from vector<1xi32>
    %sub3A_285 = arith.constant 2 : i32
    %sub3A_286 = arith.subi %squeeze3A_284, %sub3A_285 : i32
    %get3A_287 = arith.constant 2 : i32
    %get3A_288 = arith.index_cast %get3A_287 : i32 to index
    %get3A_289 = arith.index_cast %sub3A_286 : i32 to index
    %get3A_290 = tpu.vector_load %arg9[%get3A_288, %get3A_289] {strides = array<i32>} : memref<129x128xf32, #tpu.memory_space<vmem>>, vector<1x16xf32>,
    %get3A_291 = vector.shape_cast %get3A_290 : vector<1x16xf32> to vector<16xf32>
    %eq3A_292 = arith.constant 2 : i32
    %eq3A_293 = vector.broadcast %eq3A_292 : i32 to vector<16xi32>
    %eq3A_294 = arith.cmpi eq, %iota3A, %eq3A_293 : vector<16xi32>
    %select_n3A_295 = arith.select %eq3A_294, %get3A_291, %select_n3A_282 : vector<16xi1>, vector<16xf32>
    %slice3A_296 = vector.extract_strided_slice %and3A_259 {offsets = [3], sizes = [1], strides = [1]} : vector<16xi32> to vector<1xi32>
    %squeeze3A_297 = vector.extract %slice3A_296[0] : i32 from vector<1xi32>
    %sub3A_298 = arith.constant 3 : i32
    %sub3A_299 = arith.subi %squeeze3A_297, %sub3A_298 : i32
    %get3A_300 = arith.constant 3 : i32
    %get3A_301 = arith.index_cast %get3A_300 : i32 to index
    %get3A_302 = arith.index_cast %sub3A_299 : i32 to index
    %get3A_303 = tpu.vector_load %arg9[%get3A_301, %get3A_302] {strides = array<i32>} : memref<129x128xf32, #tpu.memory_space<vmem>>, vector<1x16xf32>,
    %get3A_304 = vector.shape_cast %get3A_303 : vector<1x16xf32> to vector<16xf32>
    %eq3A_305 = arith.constant 3 : i32
    %eq3A_306 = vector.broadcast %eq3A_305 : i32 to vector<16xi32>
    %eq3A_307 = arith.cmpi eq, %iota3A, %eq3A_306 : vector<16xi32>
    %select_n3A_308 = arith.select %eq3A_307, %get3A_304, %select_n3A_295 : vector<16xi1>, vector<16xf32>
    %slice3A_309 = vector.extract_strided_slice %and3A_259 {offsets = [4], sizes = [1], strides = [1]} : vector<16xi32> to vector<1xi32>
    %squeeze3A_310 = vector.extract %slice3A_309[0] : i32 from vector<1xi32>
    %sub3A_311 = arith.constant 4 : i32
    %sub3A_312 = arith.subi %squeeze3A_310, %sub3A_311 : i32
    %get3A_313 = arith.constant 4 : i32
    %get3A_314 = arith.index_cast %get3A_313 : i32 to index
    %get3A_315 = arith.index_cast %sub3A_312 : i32 to index
    %get3A_316 = tpu.vector_load %arg9[%get3A_314, %get3A_315] {strides = array<i32>} : memref<129x128xf32, #tpu.memory_space<vmem>>, vector<1x16xf32>,
    %get3A_317 = vector.shape_cast %get3A_316 : vector<1x16xf32> to vector<16xf32>
    %eq3A_318 = arith.constant 4 : i32
    %eq3A_319 = vector.broadcast %eq3A_318 : i32 to vector<16xi32>
    %eq3A_320 = arith.cmpi eq, %iota3A, %eq3A_319 : vector<16xi32>
    %select_n3A_321 = arith.select %eq3A_320, %get3A_317, %select_n3A_308 : vector<16xi1>, vector<16xf32>
    %slice3A_322 = vector.extract_strided_slice %and3A_259 {offsets = [5], sizes = [1], strides = [1]} : vector<16xi32> to vector<1xi32>
    %squeeze3A_323 = vector.extract %slice3A_322[0] : i32 from vector<1xi32>
    %sub3A_324 = arith.constant 5 : i32
    %sub3A_325 = arith.subi %squeeze3A_323, %sub3A_324 : i32
    %get3A_326 = arith.constant 5 : i32
    %get3A_327 = arith.index_cast %get3A_326 : i32 to index
    %get3A_328 = arith.index_cast %sub3A_325 : i32 to index
    %get3A_329 = tpu.vector_load %arg9[%get3A_327, %get3A_328] {strides = array<i32>} : memref<129x128xf32, #tpu.memory_space<vmem>>, vector<1x16xf32>,
    %get3A_330 = vector.shape_cast %get3A_329 : vector<1x16xf32> to vector<16xf32>
    %eq3A_331 = arith.constant 5 : i32
    %eq3A_332 = vector.broadcast %eq3A_331 : i32 to vector<16xi32>
    %eq3A_333 = arith.cmpi eq, %iota3A, %eq3A_332 : vector<16xi32>
    %select_n3A_334 = arith.select %eq3A_333, %get3A_330, %select_n3A_321 : vector<16xi1>, vector<16xf32>
    %slice3A_335 = vector.extract_strided_slice %and3A_259 {offsets = [6], sizes = [1], strides = [1]} : vector<16xi32> to vector<1xi32>
    %squeeze3A_336 = vector.extract %slice3A_335[0] : i32 from vector<1xi32>
    %sub3A_337 = arith.constant 6 : i32
    %sub3A_338 = arith.subi %squeeze3A_336, %sub3A_337 : i32
    %get3A_339 = arith.constant 6 : i32
    %get3A_340 = arith.index_cast %get3A_339 : i32 to index
    %get3A_341 = arith.index_cast %sub3A_338 : i32 to index
    %get3A_342 = tpu.vector_load %arg9[%get3A_340, %get3A_341] {strides = array<i32>} : memref<129x128xf32, #tpu.memory_space<vmem>>, vector<1x16xf32>,
    %get3A_343 = vector.shape_cast %get3A_342 : vector<1x16xf32> to vector<16xf32>
    %eq3A_344 = arith.constant 6 : i32
    %eq3A_345 = vector.broadcast %eq3A_344 : i32 to vector<16xi32>
    %eq3A_346 = arith.cmpi eq, %iota3A, %eq3A_345 : vector<16xi32>
    %select_n3A_347 = arith.select %eq3A_346, %get3A_343, %select_n3A_334 : vector<16xi1>, vector<16xf32>
    %slice3A_348 = vector.extract_strided_slice %and3A_259 {offsets = [7], sizes = [1], strides = [1]} : vector<16xi32> to vector<1xi32>
    %squeeze3A_349 = vector.extract %slice3A_348[0] : i32 from vector<1xi32>
    %sub3A_350 = arith.constant 7 : i32
    %sub3A_351 = arith.subi %squeeze3A_349, %sub3A_350 : i32
    %get3A_352 = arith.constant 7 : i32
    %get3A_353 = arith.index_cast %get3A_352 : i32 to index
    %get3A_354 = arith.index_cast %sub3A_351 : i32 to index
    %get3A_355 = tpu.vector_load %arg9[%get3A_353, %get3A_354] {strides = array<i32>} : memref<129x128xf32, #tpu.memory_space<vmem>>, vector<1x16xf32>,
    %get3A_356 = vector.shape_cast %get3A_355 : vector<1x16xf32> to vector<16xf32>
    %eq3A_357 = arith.constant 7 : i32
    %eq3A_358 = vector.broadcast %eq3A_357 : i32 to vector<16xi32>
    %eq3A_359 = arith.cmpi eq, %iota3A, %eq3A_358 : vector<16xi32>
    %select_n3A_360 = arith.select %eq3A_359, %get3A_356, %select_n3A_347 : vector<16xi1>, vector<16xf32>
    %slice3A_361 = vector.extract_strided_slice %and3A_259 {offsets = [8], sizes = [1], strides = [1]} : vector<16xi32> to vector<1xi32>
    %squeeze3A_362 = vector.extract %slice3A_361[0] : i32 from vector<1xi32>
    %sub3A_363 = arith.constant 8 : i32
    %sub3A_364 = arith.subi %squeeze3A_362, %sub3A_363 : i32
    %get3A_365 = arith.constant 8 : i32
    %get3A_366 = arith.index_cast %get3A_365 : i32 to index
    %get3A_367 = arith.index_cast %sub3A_364 : i32 to index
    %get3A_368 = tpu.vector_load %arg9[%get3A_366, %get3A_367] {strides = array<i32>} : memref<129x128xf32, #tpu.memory_space<vmem>>, vector<1x16xf32>,
    %get3A_369 = vector.shape_cast %get3A_368 : vector<1x16xf32> to vector<16xf32>
    %eq3A_370 = arith.constant 8 : i32
    %eq3A_371 = vector.broadcast %eq3A_370 : i32 to vector<16xi32>
    %eq3A_372 = arith.cmpi eq, %iota3A, %eq3A_371 : vector<16xi32>
    %select_n3A_373 = arith.select %eq3A_372, %get3A_369, %select_n3A_360 : vector<16xi1>, vector<16xf32>
    %slice3A_374 = vector.extract_strided_slice %and3A_259 {offsets = [9], sizes = [1], strides = [1]} : vector<16xi32> to vector<1xi32>
    %squeeze3A_375 = vector.extract %slice3A_374[0] : i32 from vector<1xi32>
    %sub3A_376 = arith.constant 9 : i32
    %sub3A_377 = arith.subi %squeeze3A_375, %sub3A_376 : i32
    %get3A_378 = arith.constant 9 : i32
    %get3A_379 = arith.index_cast %get3A_378 : i32 to index
    %get3A_380 = arith.index_cast %sub3A_377 : i32 to index
    %get3A_381 = tpu.vector_load %arg9[%get3A_379, %get3A_380] {strides = array<i32>} : memref<129x128xf32, #tpu.memory_space<vmem>>, vector<1x16xf32>,
    %get3A_382 = vector.shape_cast %get3A_381 : vector<1x16xf32> to vector<16xf32>
    %eq3A_383 = arith.constant 9 : i32
    %eq3A_384 = vector.broadcast %eq3A_383 : i32 to vector<16xi32>
    %eq3A_385 = arith.cmpi eq, %iota3A, %eq3A_384 : vector<16xi32>
    %select_n3A_386 = arith.select %eq3A_385, %get3A_382, %select_n3A_373 : vector<16xi1>, vector<16xf32>
    %slice3A_387 = vector.extract_strided_slice %and3A_259 {offsets = [10], sizes = [1], strides = [1]} : vector<16xi32> to vector<1xi32>
    %squeeze3A_388 = vector.extract %slice3A_387[0] : i32 from vector<1xi32>
    %sub3A_389 = arith.constant 10 : i32
    %sub3A_390 = arith.subi %squeeze3A_388, %sub3A_389 : i32
    %get3A_391 = arith.constant 10 : i32
    %get3A_392 = arith.index_cast %get3A_391 : i32 to index
    %get3A_393 = arith.index_cast %sub3A_390 : i32 to index
    %get3A_394 = tpu.vector_load %arg9[%get3A_392, %get3A_393] {strides = array<i32>} : memref<129x128xf32, #tpu.memory_space<vmem>>, vector<1x16xf32>,
    %get3A_395 = vector.shape_cast %get3A_394 : vector<1x16xf32> to vector<16xf32>
    %eq3A_396 = arith.constant 10 : i32
    %eq3A_397 = vector.broadcast %eq3A_396 : i32 to vector<16xi32>
    %eq3A_398 = arith.cmpi eq, %iota3A, %eq3A_397 : vector<16xi32>
    %select_n3A_399 = arith.select %eq3A_398, %get3A_395, %select_n3A_386 : vector<16xi1>, vector<16xf32>
    %slice3A_400 = vector.extract_strided_slice %and3A_259 {offsets = [11], sizes = [1], strides = [1]} : vector<16xi32> to vector<1xi32>
    %squeeze3A_401 = vector.extract %slice3A_400[0] : i32 from vector<1xi32>
    %sub3A_402 = arith.constant 11 : i32
    %sub3A_403 = arith.subi %squeeze3A_401, %sub3A_402 : i32
    %get3A_404 = arith.constant 11 : i32
    %get3A_405 = arith.index_cast %get3A_404 : i32 to index
    %get3A_406 = arith.index_cast %sub3A_403 : i32 to index
    %get3A_407 = tpu.vector_load %arg9[%get3A_405, %get3A_406] {strides = array<i32>} : memref<129x128xf32, #tpu.memory_space<vmem>>, vector<1x16xf32>,
    %get3A_408 = vector.shape_cast %get3A_407 : vector<1x16xf32> to vector<16xf32>
    %eq3A_409 = arith.constant 11 : i32
    %eq3A_410 = vector.broadcast %eq3A_409 : i32 to vector<16xi32>
    %eq3A_411 = arith.cmpi eq, %iota3A, %eq3A_410 : vector<16xi32>
    %select_n3A_412 = arith.select %eq3A_411, %get3A_408, %select_n3A_399 : vector<16xi1>, vector<16xf32>
    %slice3A_413 = vector.extract_strided_slice %and3A_259 {offsets = [12], sizes = [1], strides = [1]} : vector<16xi32> to vector<1xi32>
    %squeeze3A_414 = vector.extract %slice3A_413[0] : i32 from vector<1xi32>
    %sub3A_415 = arith.constant 12 : i32
    %sub3A_416 = arith.subi %squeeze3A_414, %sub3A_415 : i32
    %get3A_417 = arith.constant 12 : i32
    %get3A_418 = arith.index_cast %get3A_417 : i32 to index
    %get3A_419 = arith.index_cast %sub3A_416 : i32 to index
    %get3A_420 = tpu.vector_load %arg9[%get3A_418, %get3A_419] {strides = array<i32>} : memref<129x128xf32, #tpu.memory_space<vmem>>, vector<1x16xf32>,
    %get3A_421 = vector.shape_cast %get3A_420 : vector<1x16xf32> to vector<16xf32>
    %eq3A_422 = arith.constant 12 : i32
    %eq3A_423 = vector.broadcast %eq3A_422 : i32 to vector<16xi32>
    %eq3A_424 = arith.cmpi eq, %iota3A, %eq3A_423 : vector<16xi32>
    %select_n3A_425 = arith.select %eq3A_424, %get3A_421, %select_n3A_412 : vector<16xi1>, vector<16xf32>
    %slice3A_426 = vector.extract_strided_slice %and3A_259 {offsets = [13], sizes = [1], strides = [1]} : vector<16xi32> to vector<1xi32>
    %squeeze3A_427 = vector.extract %slice3A_426[0] : i32 from vector<1xi32>
    %sub3A_428 = arith.constant 13 : i32
    %sub3A_429 = arith.subi %squeeze3A_427, %sub3A_428 : i32
    %get3A_430 = arith.constant 13 : i32
    %get3A_431 = arith.index_cast %get3A_430 : i32 to index
    %get3A_432 = arith.index_cast %sub3A_429 : i32 to index
    %get3A_433 = tpu.vector_load %arg9[%get3A_431, %get3A_432] {strides = array<i32>} : memref<129x128xf32, #tpu.memory_space<vmem>>, vector<1x16xf32>,
    %get3A_434 = vector.shape_cast %get3A_433 : vector<1x16xf32> to vector<16xf32>
    %eq3A_435 = arith.constant 13 : i32
    %eq3A_436 = vector.broadcast %eq3A_435 : i32 to vector<16xi32>
    %eq3A_437 = arith.cmpi eq, %iota3A, %eq3A_436 : vector<16xi32>
    %select_n3A_438 = arith.select %eq3A_437, %get3A_434, %select_n3A_425 : vector<16xi1>, vector<16xf32>
    %slice3A_439 = vector.extract_strided_slice %and3A_259 {offsets = [14], sizes = [1], strides = [1]} : vector<16xi32> to vector<1xi32>
    %squeeze3A_440 = vector.extract %slice3A_439[0] : i32 from vector<1xi32>
    %sub3A_441 = arith.constant 14 : i32
    %sub3A_442 = arith.subi %squeeze3A_440, %sub3A_441 : i32
    %get3A_443 = arith.constant 14 : i32
    %get3A_444 = arith.index_cast %get3A_443 : i32 to index
    %get3A_445 = arith.index_cast %sub3A_442 : i32 to index
    %get3A_446 = tpu.vector_load %arg9[%get3A_444, %get3A_445] {strides = array<i32>} : memref<129x128xf32, #tpu.memory_space<vmem>>, vector<1x16xf32>,
    %get3A_447 = vector.shape_cast %get3A_446 : vector<1x16xf32> to vector<16xf32>
    %eq3A_448 = arith.constant 14 : i32
    %eq3A_449 = vector.broadcast %eq3A_448 : i32 to vector<16xi32>
    %eq3A_450 = arith.cmpi eq, %iota3A, %eq3A_449 : vector<16xi32>
    %select_n3A_451 = arith.select %eq3A_450, %get3A_447, %select_n3A_438 : vector<16xi1>, vector<16xf32>
    %slice3A_452 = vector.extract_strided_slice %and3A_259 {offsets = [15], sizes = [1], strides = [1]} : vector<16xi32> to vector<1xi32>
    %squeeze3A_453 = vector.extract %slice3A_452[0] : i32 from vector<1xi32>
    %sub3A_454 = arith.constant 15 : i32
    %sub3A_455 = arith.subi %squeeze3A_453, %sub3A_454 : i32
    %get3A_456 = arith.constant 15 : i32
    %get3A_457 = arith.index_cast %get3A_456 : i32 to index
    %get3A_458 = arith.index_cast %sub3A_455 : i32 to index
    %get3A_459 = tpu.vector_load %arg9[%get3A_457, %get3A_458] {strides = array<i32>} : memref<129x128xf32, #tpu.memory_space<vmem>>, vector<1x16xf32>,
    %get3A_460 = vector.shape_cast %get3A_459 : vector<1x16xf32> to vector<16xf32>
    %eq3A_461 = arith.constant 15 : i32
    %eq3A_462 = vector.broadcast %eq3A_461 : i32 to vector<16xi32>
    %eq3A_463 = arith.cmpi eq, %iota3A, %eq3A_462 : vector<16xi32>
    %select_n3A_464 = arith.select %eq3A_463, %get3A_460, %select_n3A_451 : vector<16xi1>, vector<16xf32>
    %get3A_465 = arith.index_cast %and3A_1 : i32 to index
    %get3A_466 = arith.constant 0 : index
    %get3A_467 = tpu.vector_load %arg7[%get3A_465, %get3A_466] {strides = array<i32>} : memref<8x128xf32, #tpu.memory_space<vmem>>, vector<1x16xf32>,
    %get3A_468 = vector.shape_cast %get3A_467 : vector<1x16xf32> to vector<16xf32>
    %mul3A_469 = arith.mulf %select_n3A_464, %get3A_468 : vector<16xf32>
    %add3A_470 = arith.addf %broadcast_in_dim3A_250, %mul3A_469 : vector<16xf32>
    %add3A_471 = arith.addf %broadcast_in_dim3A_252, %get3A_468 : vector<16xf32>
    %get3A_472 = arith.index_cast %and3A_1 : i32 to index
    %get3A_473 = arith.constant 16 : index
    %get3A_474 = tpu.vector_load %arg6[%get3A_472, %get3A_473] {strides = array<i32>} : memref<8x128xi32, #tpu.memory_space<vmem>>, vector<1x16xi32>,
    %get3A_475 = vector.shape_cast %get3A_474 : vector<1x16xi32> to vector<16xi32>
    %and3A_476 = arith.constant 127 : i32
    %and3A_477 = vector.broadcast %and3A_476 : i32 to vector<16xi32>
    %and3A_478 = arith.andi %get3A_475, %and3A_477 : vector<16xi32>
    %broadcast_in_dim3A_479 = arith.constant 0.000000e+00 : f32
    %broadcast_in_dim3A_480 = vector.broadcast %broadcast_in_dim3A_479 : f32 to vector<16xf32>
    %slice3A_481 = vector.extract_strided_slice %and3A_478 {offsets = [0], sizes = [1], strides = [1]} : vector<16xi32> to vector<1xi32>
    %squeeze3A_482 = vector.extract %slice3A_481[0] : i32 from vector<1xi32>
    %sub3A_483 = arith.constant 0 : i32
    %sub3A_484 = arith.subi %squeeze3A_482, %sub3A_483 : i32
    %get3A_485 = arith.constant 16 : i32
    %get3A_486 = arith.index_cast %get3A_485 : i32 to index
    %get3A_487 = arith.index_cast %sub3A_484 : i32 to index
    %get3A_488 = tpu.vector_load %arg9[%get3A_486, %get3A_487] {strides = array<i32>} : memref<129x128xf32, #tpu.memory_space<vmem>>, vector<1x16xf32>,
    %get3A_489 = vector.shape_cast %get3A_488 : vector<1x16xf32> to vector<16xf32>
    %eq3A_490 = arith.constant 0 : i32
    %eq3A_491 = vector.broadcast %eq3A_490 : i32 to vector<16xi32>
    %eq3A_492 = arith.cmpi eq, %iota3A, %eq3A_491 : vector<16xi32>
    %select_n3A_493 = arith.select %eq3A_492, %get3A_489, %broadcast_in_dim3A_480 : vector<16xi1>, vector<16xf32>
    %slice3A_494 = vector.extract_strided_slice %and3A_478 {offsets = [1], sizes = [1], strides = [1]} : vector<16xi32> to vector<1xi32>
    %squeeze3A_495 = vector.extract %slice3A_494[0] : i32 from vector<1xi32>
    %sub3A_496 = arith.constant 1 : i32
    %sub3A_497 = arith.subi %squeeze3A_495, %sub3A_496 : i32
    %get3A_498 = arith.constant 17 : i32
    %get3A_499 = arith.index_cast %get3A_498 : i32 to index
    %get3A_500 = arith.index_cast %sub3A_497 : i32 to index
    %get3A_501 = tpu.vector_load %arg9[%get3A_499, %get3A_500] {strides = array<i32>} : memref<129x128xf32, #tpu.memory_space<vmem>>, vector<1x16xf32>,
    %get3A_502 = vector.shape_cast %get3A_501 : vector<1x16xf32> to vector<16xf32>
    %eq3A_503 = arith.constant 1 : i32
    %eq3A_504 = vector.broadcast %eq3A_503 : i32 to vector<16xi32>
    %eq3A_505 = arith.cmpi eq, %iota3A, %eq3A_504 : vector<16xi32>
    %select_n3A_506 = arith.select %eq3A_505, %get3A_502, %select_n3A_493 : vector<16xi1>, vector<16xf32>
    %slice3A_507 = vector.extract_strided_slice %and3A_478 {offsets = [2], sizes = [1], strides = [1]} : vector<16xi32> to vector<1xi32>
    %squeeze3A_508 = vector.extract %slice3A_507[0] : i32 from vector<1xi32>
    %sub3A_509 = arith.constant 2 : i32
    %sub3A_510 = arith.subi %squeeze3A_508, %sub3A_509 : i32
    %get3A_511 = arith.constant 18 : i32
    %get3A_512 = arith.index_cast %get3A_511 : i32 to index
    %get3A_513 = arith.index_cast %sub3A_510 : i32 to index
    %get3A_514 = tpu.vector_load %arg9[%get3A_512, %get3A_513] {strides = array<i32>} : memref<129x128xf32, #tpu.memory_space<vmem>>, vector<1x16xf32>,
    %get3A_515 = vector.shape_cast %get3A_514 : vector<1x16xf32> to vector<16xf32>
    %eq3A_516 = arith.constant 2 : i32
    %eq3A_517 = vector.broadcast %eq3A_516 : i32 to vector<16xi32>
    %eq3A_518 = arith.cmpi eq, %iota3A, %eq3A_517 : vector<16xi32>
    %select_n3A_519 = arith.select %eq3A_518, %get3A_515, %select_n3A_506 : vector<16xi1>, vector<16xf32>
    %slice3A_520 = vector.extract_strided_slice %and3A_478 {offsets = [3], sizes = [1], strides = [1]} : vector<16xi32> to vector<1xi32>
    %squeeze3A_521 = vector.extract %slice3A_520[0] : i32 from vector<1xi32>
    %sub3A_522 = arith.constant 3 : i32
    %sub3A_523 = arith.subi %squeeze3A_521, %sub3A_522 : i32
    %get3A_524 = arith.constant 19 : i32
    %get3A_525 = arith.index_cast %get3A_524 : i32 to index
    %get3A_526 = arith.index_cast %sub3A_523 : i32 to index
    %get3A_527 = tpu.vector_load %arg9[%get3A_525, %get3A_526] {strides = array<i32>} : memref<129x128xf32, #tpu.memory_space<vmem>>, vector<1x16xf32>,
    %get3A_528 = vector.shape_cast %get3A_527 : vector<1x16xf32> to vector<16xf32>
    %eq3A_529 = arith.constant 3 : i32
    %eq3A_530 = vector.broadcast %eq3A_529 : i32 to vector<16xi32>
    %eq3A_531 = arith.cmpi eq, %iota3A, %eq3A_530 : vector<16xi32>
    %select_n3A_532 = arith.select %eq3A_531, %get3A_528, %select_n3A_519 : vector<16xi1>, vector<16xf32>
    %slice3A_533 = vector.extract_strided_slice %and3A_478 {offsets = [4], sizes = [1], strides = [1]} : vector<16xi32> to vector<1xi32>
    %squeeze3A_534 = vector.extract %slice3A_533[0] : i32 from vector<1xi32>
    %sub3A_535 = arith.constant 4 : i32
    %sub3A_536 = arith.subi %squeeze3A_534, %sub3A_535 : i32
    %get3A_537 = arith.constant 20 : i32
    %get3A_538 = arith.index_cast %get3A_537 : i32 to index
    %get3A_539 = arith.index_cast %sub3A_536 : i32 to index
    %get3A_540 = tpu.vector_load %arg9[%get3A_538, %get3A_539] {strides = array<i32>} : memref<129x128xf32, #tpu.memory_space<vmem>>, vector<1x16xf32>,
    %get3A_541 = vector.shape_cast %get3A_540 : vector<1x16xf32> to vector<16xf32>
    %eq3A_542 = arith.constant 4 : i32
    %eq3A_543 = vector.broadcast %eq3A_542 : i32 to vector<16xi32>
    %eq3A_544 = arith.cmpi eq, %iota3A, %eq3A_543 : vector<16xi32>
    %select_n3A_545 = arith.select %eq3A_544, %get3A_541, %select_n3A_532 : vector<16xi1>, vector<16xf32>
    %slice3A_546 = vector.extract_strided_slice %and3A_478 {offsets = [5], sizes = [1], strides = [1]} : vector<16xi32> to vector<1xi32>
    %squeeze3A_547 = vector.extract %slice3A_546[0] : i32 from vector<1xi32>
    %sub3A_548 = arith.constant 5 : i32
    %sub3A_549 = arith.subi %squeeze3A_547, %sub3A_548 : i32
    %get3A_550 = arith.constant 21 : i32
    %get3A_551 = arith.index_cast %get3A_550 : i32 to index
    %get3A_552 = arith.index_cast %sub3A_549 : i32 to index
    %get3A_553 = tpu.vector_load %arg9[%get3A_551, %get3A_552] {strides = array<i32>} : memref<129x128xf32, #tpu.memory_space<vmem>>, vector<1x16xf32>,
    %get3A_554 = vector.shape_cast %get3A_553 : vector<1x16xf32> to vector<16xf32>
    %eq3A_555 = arith.constant 5 : i32
    %eq3A_556 = vector.broadcast %eq3A_555 : i32 to vector<16xi32>
    %eq3A_557 = arith.cmpi eq, %iota3A, %eq3A_556 : vector<16xi32>
    %select_n3A_558 = arith.select %eq3A_557, %get3A_554, %select_n3A_545 : vector<16xi1>, vector<16xf32>
    %slice3A_559 = vector.extract_strided_slice %and3A_478 {offsets = [6], sizes = [1], strides = [1]} : vector<16xi32> to vector<1xi32>
    %squeeze3A_560 = vector.extract %slice3A_559[0] : i32 from vector<1xi32>
    %sub3A_561 = arith.constant 6 : i32
    %sub3A_562 = arith.subi %squeeze3A_560, %sub3A_561 : i32
    %get3A_563 = arith.constant 22 : i32
    %get3A_564 = arith.index_cast %get3A_563 : i32 to index
    %get3A_565 = arith.index_cast %sub3A_562 : i32 to index
    %get3A_566 = tpu.vector_load %arg9[%get3A_564, %get3A_565] {strides = array<i32>} : memref<129x128xf32, #tpu.memory_space<vmem>>, vector<1x16xf32>,
    %get3A_567 = vector.shape_cast %get3A_566 : vector<1x16xf32> to vector<16xf32>
    %eq3A_568 = arith.constant 6 : i32
    %eq3A_569 = vector.broadcast %eq3A_568 : i32 to vector<16xi32>
    %eq3A_570 = arith.cmpi eq, %iota3A, %eq3A_569 : vector<16xi32>
    %select_n3A_571 = arith.select %eq3A_570, %get3A_567, %select_n3A_558 : vector<16xi1>, vector<16xf32>
    %slice3A_572 = vector.extract_strided_slice %and3A_478 {offsets = [7], sizes = [1], strides = [1]} : vector<16xi32> to vector<1xi32>
    %squeeze3A_573 = vector.extract %slice3A_572[0] : i32 from vector<1xi32>
    %sub3A_574 = arith.constant 7 : i32
    %sub3A_575 = arith.subi %squeeze3A_573, %sub3A_574 : i32
    %get3A_576 = arith.constant 23 : i32
    %get3A_577 = arith.index_cast %get3A_576 : i32 to index
    %get3A_578 = arith.index_cast %sub3A_575 : i32 to index
    %get3A_579 = tpu.vector_load %arg9[%get3A_577, %get3A_578] {strides = array<i32>} : memref<129x128xf32, #tpu.memory_space<vmem>>, vector<1x16xf32>,
    %get3A_580 = vector.shape_cast %get3A_579 : vector<1x16xf32> to vector<16xf32>
    %eq3A_581 = arith.constant 7 : i32
    %eq3A_582 = vector.broadcast %eq3A_581 : i32 to vector<16xi32>
    %eq3A_583 = arith.cmpi eq, %iota3A, %eq3A_582 : vector<16xi32>
    %select_n3A_584 = arith.select %eq3A_583, %get3A_580, %select_n3A_571 : vector<16xi1>, vector<16xf32>
    %slice3A_585 = vector.extract_strided_slice %and3A_478 {offsets = [8], sizes = [1], strides = [1]} : vector<16xi32> to vector<1xi32>
    %squeeze3A_586 = vector.extract %slice3A_585[0] : i32 from vector<1xi32>
    %sub3A_587 = arith.constant 8 : i32
    %sub3A_588 = arith.subi %squeeze3A_586, %sub3A_587 : i32
    %get3A_589 = arith.constant 24 : i32
    %get3A_590 = arith.index_cast %get3A_589 : i32 to index
    %get3A_591 = arith.index_cast %sub3A_588 : i32 to index
    %get3A_592 = tpu.vector_load %arg9[%get3A_590, %get3A_591] {strides = array<i32>} : memref<129x128xf32, #tpu.memory_space<vmem>>, vector<1x16xf32>,
    %get3A_593 = vector.shape_cast %get3A_592 : vector<1x16xf32> to vector<16xf32>
    %eq3A_594 = arith.constant 8 : i32
    %eq3A_595 = vector.broadcast %eq3A_594 : i32 to vector<16xi32>
    %eq3A_596 = arith.cmpi eq, %iota3A, %eq3A_595 : vector<16xi32>
    %select_n3A_597 = arith.select %eq3A_596, %get3A_593, %select_n3A_584 : vector<16xi1>, vector<16xf32>
    %slice3A_598 = vector.extract_strided_slice %and3A_478 {offsets = [9], sizes = [1], strides = [1]} : vector<16xi32> to vector<1xi32>
    %squeeze3A_599 = vector.extract %slice3A_598[0] : i32 from vector<1xi32>
    %sub3A_600 = arith.constant 9 : i32
    %sub3A_601 = arith.subi %squeeze3A_599, %sub3A_600 : i32
    %get3A_602 = arith.constant 25 : i32
    %get3A_603 = arith.index_cast %get3A_602 : i32 to index
    %get3A_604 = arith.index_cast %sub3A_601 : i32 to index
    %get3A_605 = tpu.vector_load %arg9[%get3A_603, %get3A_604] {strides = array<i32>} : memref<129x128xf32, #tpu.memory_space<vmem>>, vector<1x16xf32>,
    %get3A_606 = vector.shape_cast %get3A_605 : vector<1x16xf32> to vector<16xf32>
    %eq3A_607 = arith.constant 9 : i32
    %eq3A_608 = vector.broadcast %eq3A_607 : i32 to vector<16xi32>
    %eq3A_609 = arith.cmpi eq, %iota3A, %eq3A_608 : vector<16xi32>
    %select_n3A_610 = arith.select %eq3A_609, %get3A_606, %select_n3A_597 : vector<16xi1>, vector<16xf32>
    %slice3A_611 = vector.extract_strided_slice %and3A_478 {offsets = [10], sizes = [1], strides = [1]} : vector<16xi32> to vector<1xi32>
    %squeeze3A_612 = vector.extract %slice3A_611[0] : i32 from vector<1xi32>
    %sub3A_613 = arith.constant 10 : i32
    %sub3A_614 = arith.subi %squeeze3A_612, %sub3A_613 : i32
    %get3A_615 = arith.constant 26 : i32
    %get3A_616 = arith.index_cast %get3A_615 : i32 to index
    %get3A_617 = arith.index_cast %sub3A_614 : i32 to index
    %get3A_618 = tpu.vector_load %arg9[%get3A_616, %get3A_617] {strides = array<i32>} : memref<129x128xf32, #tpu.memory_space<vmem>>, vector<1x16xf32>,
    %get3A_619 = vector.shape_cast %get3A_618 : vector<1x16xf32> to vector<16xf32>
    %eq3A_620 = arith.constant 10 : i32
    %eq3A_621 = vector.broadcast %eq3A_620 : i32 to vector<16xi32>
    %eq3A_622 = arith.cmpi eq, %iota3A, %eq3A_621 : vector<16xi32>
    %select_n3A_623 = arith.select %eq3A_622, %get3A_619, %select_n3A_610 : vector<16xi1>, vector<16xf32>
    %slice3A_624 = vector.extract_strided_slice %and3A_478 {offsets = [11], sizes = [1], strides = [1]} : vector<16xi32> to vector<1xi32>
    %squeeze3A_625 = vector.extract %slice3A_624[0] : i32 from vector<1xi32>
    %sub3A_626 = arith.constant 11 : i32
    %sub3A_627 = arith.subi %squeeze3A_625, %sub3A_626 : i32
    %get3A_628 = arith.constant 27 : i32
    %get3A_629 = arith.index_cast %get3A_628 : i32 to index
    %get3A_630 = arith.index_cast %sub3A_627 : i32 to index
    %get3A_631 = tpu.vector_load %arg9[%get3A_629, %get3A_630] {strides = array<i32>} : memref<129x128xf32, #tpu.memory_space<vmem>>, vector<1x16xf32>,
    %get3A_632 = vector.shape_cast %get3A_631 : vector<1x16xf32> to vector<16xf32>
    %eq3A_633 = arith.constant 11 : i32
    %eq3A_634 = vector.broadcast %eq3A_633 : i32 to vector<16xi32>
    %eq3A_635 = arith.cmpi eq, %iota3A, %eq3A_634 : vector<16xi32>
    %select_n3A_636 = arith.select %eq3A_635, %get3A_632, %select_n3A_623 : vector<16xi1>, vector<16xf32>
    %slice3A_637 = vector.extract_strided_slice %and3A_478 {offsets = [12], sizes = [1], strides = [1]} : vector<16xi32> to vector<1xi32>
    %squeeze3A_638 = vector.extract %slice3A_637[0] : i32 from vector<1xi32>
    %sub3A_639 = arith.constant 12 : i32
    %sub3A_640 = arith.subi %squeeze3A_638, %sub3A_639 : i32
    %get3A_641 = arith.constant 28 : i32
    %get3A_642 = arith.index_cast %get3A_641 : i32 to index
    %get3A_643 = arith.index_cast %sub3A_640 : i32 to index
    %get3A_644 = tpu.vector_load %arg9[%get3A_642, %get3A_643] {strides = array<i32>} : memref<129x128xf32, #tpu.memory_space<vmem>>, vector<1x16xf32>,
    %get3A_645 = vector.shape_cast %get3A_644 : vector<1x16xf32> to vector<16xf32>
    %eq3A_646 = arith.constant 12 : i32
    %eq3A_647 = vector.broadcast %eq3A_646 : i32 to vector<16xi32>
    %eq3A_648 = arith.cmpi eq, %iota3A, %eq3A_647 : vector<16xi32>
    %select_n3A_649 = arith.select %eq3A_648, %get3A_645, %select_n3A_636 : vector<16xi1>, vector<16xf32>
    %slice3A_650 = vector.extract_strided_slice %and3A_478 {offsets = [13], sizes = [1], strides = [1]} : vector<16xi32> to vector<1xi32>
    %squeeze3A_651 = vector.extract %slice3A_650[0] : i32 from vector<1xi32>
    %sub3A_652 = arith.constant 13 : i32
    %sub3A_653 = arith.subi %squeeze3A_651, %sub3A_652 : i32
    %get3A_654 = arith.constant 29 : i32
    %get3A_655 = arith.index_cast %get3A_654 : i32 to index
    %get3A_656 = arith.index_cast %sub3A_653 : i32 to index
    %get3A_657 = tpu.vector_load %arg9[%get3A_655, %get3A_656] {strides = array<i32>} : memref<129x128xf32, #tpu.memory_space<vmem>>, vector<1x16xf32>,
    %get3A_658 = vector.shape_cast %get3A_657 : vector<1x16xf32> to vector<16xf32>
    %eq3A_659 = arith.constant 13 : i32
    %eq3A_660 = vector.broadcast %eq3A_659 : i32 to vector<16xi32>
    %eq3A_661 = arith.cmpi eq, %iota3A, %eq3A_660 : vector<16xi32>
    %select_n3A_662 = arith.select %eq3A_661, %get3A_658, %select_n3A_649 : vector<16xi1>, vector<16xf32>
    %slice3A_663 = vector.extract_strided_slice %and3A_478 {offsets = [14], sizes = [1], strides = [1]} : vector<16xi32> to vector<1xi32>
    %squeeze3A_664 = vector.extract %slice3A_663[0] : i32 from vector<1xi32>
    %sub3A_665 = arith.constant 14 : i32
    %sub3A_666 = arith.subi %squeeze3A_664, %sub3A_665 : i32
    %get3A_667 = arith.constant 30 : i32
    %get3A_668 = arith.index_cast %get3A_667 : i32 to index
    %get3A_669 = arith.index_cast %sub3A_666 : i32 to index
    %get3A_670 = tpu.vector_load %arg9[%get3A_668, %get3A_669] {strides = array<i32>} : memref<129x128xf32, #tpu.memory_space<vmem>>, vector<1x16xf32>,
    %get3A_671 = vector.shape_cast %get3A_670 : vector<1x16xf32> to vector<16xf32>
    %eq3A_672 = arith.constant 14 : i32
    %eq3A_673 = vector.broadcast %eq3A_672 : i32 to vector<16xi32>
    %eq3A_674 = arith.cmpi eq, %iota3A, %eq3A_673 : vector<16xi32>
    %select_n3A_675 = arith.select %eq3A_674, %get3A_671, %select_n3A_662 : vector<16xi1>, vector<16xf32>
    %slice3A_676 = vector.extract_strided_slice %and3A_478 {offsets = [15], sizes = [1], strides = [1]} : vector<16xi32> to vector<1xi32>
    %squeeze3A_677 = vector.extract %slice3A_676[0] : i32 from vector<1xi32>
    %sub3A_678 = arith.constant 15 : i32
    %sub3A_679 = arith.subi %squeeze3A_677, %sub3A_678 : i32
    %get3A_680 = arith.constant 31 : i32
    %get3A_681 = arith.index_cast %get3A_680 : i32 to index
    %get3A_682 = arith.index_cast %sub3A_679 : i32 to index
    %get3A_683 = tpu.vector_load %arg9[%get3A_681, %get3A_682] {strides = array<i32>} : memref<129x128xf32, #tpu.memory_space<vmem>>, vector<1x16xf32>,
    %get3A_684 = vector.shape_cast %get3A_683 : vector<1x16xf32> to vector<16xf32>
    %eq3A_685 = arith.constant 15 : i32
    %eq3A_686 = vector.broadcast %eq3A_685 : i32 to vector<16xi32>
    %eq3A_687 = arith.cmpi eq, %iota3A, %eq3A_686 : vector<16xi32>
    %select_n3A_688 = arith.select %eq3A_687, %get3A_684, %select_n3A_675 : vector<16xi1>, vector<16xf32>
    %get3A_689 = arith.index_cast %and3A_1 : i32 to index
    %get3A_690 = arith.constant 16 : index
    %get3A_691 = tpu.vector_load %arg7[%get3A_689, %get3A_690] {strides = array<i32>} : memref<8x128xf32, #tpu.memory_space<vmem>>, vector<1x16xf32>,
    %get3A_692 = vector.shape_cast %get3A_691 : vector<1x16xf32> to vector<16xf32>
    %mul3A_693 = arith.mulf %select_n3A_688, %get3A_692 : vector<16xf32>
    %add3A_694 = arith.addf %add3A_470, %mul3A_693 : vector<16xf32>
    %add3A_695 = arith.addf %add3A_471, %get3A_692 : vector<16xf32>
    %get3A_696 = arith.index_cast %and3A_1 : i32 to index
    %get3A_697 = arith.constant 32 : index
    %get3A_698 = tpu.vector_load %arg6[%get3A_696, %get3A_697] {strides = array<i32>} : memref<8x128xi32, #tpu.memory_space<vmem>>, vector<1x16xi32>,
    %get3A_699 = vector.shape_cast %get3A_698 : vector<1x16xi32> to vector<16xi32>
    %and3A_700 = arith.constant 127 : i32
    %and3A_701 = vector.broadcast %and3A_700 : i32 to vector<16xi32>
    %and3A_702 = arith.andi %get3A_699, %and3A_701 : vector<16xi32>
    %broadcast_in_dim3A_703 = arith.constant 0.000000e+00 : f32
    %broadcast_in_dim3A_704 = vector.broadcast %broadcast_in_dim3A_703 : f32 to vector<16xf32>
    %slice3A_705 = vector.extract_strided_slice %and3A_702 {offsets = [0], sizes = [1], strides = [1]} : vector<16xi32> to vector<1xi32>
    %squeeze3A_706 = vector.extract %slice3A_705[0] : i32 from vector<1xi32>
    %sub3A_707 = arith.constant 0 : i32
    %sub3A_708 = arith.subi %squeeze3A_706, %sub3A_707 : i32
    %get3A_709 = arith.constant 32 : i32
    %get3A_710 = arith.index_cast %get3A_709 : i32 to index
    %get3A_711 = arith.index_cast %sub3A_708 : i32 to index
    %get3A_712 = tpu.vector_load %arg9[%get3A_710, %get3A_711] {strides = array<i32>} : memref<129x128xf32, #tpu.memory_space<vmem>>, vector<1x16xf32>,
    %get3A_713 = vector.shape_cast %get3A_712 : vector<1x16xf32> to vector<16xf32>
    %eq3A_714 = arith.constant 0 : i32
    %eq3A_715 = vector.broadcast %eq3A_714 : i32 to vector<16xi32>
    %eq3A_716 = arith.cmpi eq, %iota3A, %eq3A_715 : vector<16xi32>
    %select_n3A_717 = arith.select %eq3A_716, %get3A_713, %broadcast_in_dim3A_704 : vector<16xi1>, vector<16xf32>
    %slice3A_718 = vector.extract_strided_slice %and3A_702 {offsets = [1], sizes = [1], strides = [1]} : vector<16xi32> to vector<1xi32>
    %squeeze3A_719 = vector.extract %slice3A_718[0] : i32 from vector<1xi32>
    %sub3A_720 = arith.constant 1 : i32
    %sub3A_721 = arith.subi %squeeze3A_719, %sub3A_720 : i32
    %get3A_722 = arith.constant 33 : i32
    %get3A_723 = arith.index_cast %get3A_722 : i32 to index
    %get3A_724 = arith.index_cast %sub3A_721 : i32 to index
    %get3A_725 = tpu.vector_load %arg9[%get3A_723, %get3A_724] {strides = array<i32>} : memref<129x128xf32, #tpu.memory_space<vmem>>, vector<1x16xf32>,
    %get3A_726 = vector.shape_cast %get3A_725 : vector<1x16xf32> to vector<16xf32>
    %eq3A_727 = arith.constant 1 : i32
    %eq3A_728 = vector.broadcast %eq3A_727 : i32 to vector<16xi32>
    %eq3A_729 = arith.cmpi eq, %iota3A, %eq3A_728 : vector<16xi32>
    %select_n3A_730 = arith.select %eq3A_729, %get3A_726, %select_n3A_717 : vector<16xi1>, vector<16xf32>
    %slice3A_731 = vector.extract_strided_slice %and3A_702 {offsets = [2], sizes = [1], strides = [1]} : vector<16xi32> to vector<1xi32>
    %squeeze3A_732 = vector.extract %slice3A_731[0] : i32 from vector<1xi32>
    %sub3A_733 = arith.constant 2 : i32
    %sub3A_734 = arith.subi %squeeze3A_732, %sub3A_733 : i32
    %get3A_735 = arith.constant 34 : i32
    %get3A_736 = arith.index_cast %get3A_735 : i32 to index
    %get3A_737 = arith.index_cast %sub3A_734 : i32 to index
    %get3A_738 = tpu.vector_load %arg9[%get3A_736, %get3A_737] {strides = array<i32>} : memref<129x128xf32, #tpu.memory_space<vmem>>, vector<1x16xf32>,
    %get3A_739 = vector.shape_cast %get3A_738 : vector<1x16xf32> to vector<16xf32>
    %eq3A_740 = arith.constant 2 : i32
    %eq3A_741 = vector.broadcast %eq3A_740 : i32 to vector<16xi32>
    %eq3A_742 = arith.cmpi eq, %iota3A, %eq3A_741 : vector<16xi32>
    %select_n3A_743 = arith.select %eq3A_742, %get3A_739, %select_n3A_730 : vector<16xi1>, vector<16xf32>
    %slice3A_744 = vector.extract_strided_slice %and3A_702 {offsets = [3], sizes = [1], strides = [1]} : vector<16xi32> to vector<1xi32>
    %squeeze3A_745 = vector.extract %slice3A_744[0] : i32 from vector<1xi32>
    %sub3A_746 = arith.constant 3 : i32
    %sub3A_747 = arith.subi %squeeze3A_745, %sub3A_746 : i32
    %get3A_748 = arith.constant 35 : i32
    %get3A_749 = arith.index_cast %get3A_748 : i32 to index
    %get3A_750 = arith.index_cast %sub3A_747 : i32 to index
    %get3A_751 = tpu.vector_load %arg9[%get3A_749, %get3A_750] {strides = array<i32>} : memref<129x128xf32, #tpu.memory_space<vmem>>, vector<1x16xf32>,
    %get3A_752 = vector.shape_cast %get3A_751 : vector<1x16xf32> to vector<16xf32>
    %eq3A_753 = arith.constant 3 : i32
    %eq3A_754 = vector.broadcast %eq3A_753 : i32 to vector<16xi32>
    %eq3A_755 = arith.cmpi eq, %iota3A, %eq3A_754 : vector<16xi32>
    %select_n3A_756 = arith.select %eq3A_755, %get3A_752, %select_n3A_743 : vector<16xi1>, vector<16xf32>
    %slice3A_757 = vector.extract_strided_slice %and3A_702 {offsets = [4], sizes = [1], strides = [1]} : vector<16xi32> to vector<1xi32>
    %squeeze3A_758 = vector.extract %slice3A_757[0] : i32 from vector<1xi32>
    %sub3A_759 = arith.constant 4 : i32
    %sub3A_760 = arith.subi %squeeze3A_758, %sub3A_759 : i32
    %get3A_761 = arith.constant 36 : i32
    %get3A_762 = arith.index_cast %get3A_761 : i32 to index
    %get3A_763 = arith.index_cast %sub3A_760 : i32 to index
    %get3A_764 = tpu.vector_load %arg9[%get3A_762, %get3A_763] {strides = array<i32>} : memref<129x128xf32, #tpu.memory_space<vmem>>, vector<1x16xf32>,
    %get3A_765 = vector.shape_cast %get3A_764 : vector<1x16xf32> to vector<16xf32>
    %eq3A_766 = arith.constant 4 : i32
    %eq3A_767 = vector.broadcast %eq3A_766 : i32 to vector<16xi32>
    %eq3A_768 = arith.cmpi eq, %iota3A, %eq3A_767 : vector<16xi32>
    %select_n3A_769 = arith.select %eq3A_768, %get3A_765, %select_n3A_756 : vector<16xi1>, vector<16xf32>
    %slice3A_770 = vector.extract_strided_slice %and3A_702 {offsets = [5], sizes = [1], strides = [1]} : vector<16xi32> to vector<1xi32>
    %squeeze3A_771 = vector.extract %slice3A_770[0] : i32 from vector<1xi32>
    %sub3A_772 = arith.constant 5 : i32
    %sub3A_773 = arith.subi %squeeze3A_771, %sub3A_772 : i32
    %get3A_774 = arith.constant 37 : i32
    %get3A_775 = arith.index_cast %get3A_774 : i32 to index
    %get3A_776 = arith.index_cast %sub3A_773 : i32 to index
    %get3A_777 = tpu.vector_load %arg9[%get3A_775, %get3A_776] {strides = array<i32>} : memref<129x128xf32, #tpu.memory_space<vmem>>, vector<1x16xf32>,
    %get3A_778 = vector.shape_cast %get3A_777 : vector<1x16xf32> to vector<16xf32>
    %eq3A_779 = arith.constant 5 : i32
    %eq3A_780 = vector.broadcast %eq3A_779 : i32 to vector<16xi32>
    %eq3A_781 = arith.cmpi eq, %iota3A, %eq3A_780 : vector<16xi32>
    %select_n3A_782 = arith.select %eq3A_781, %get3A_778, %select_n3A_769 : vector<16xi1>, vector<16xf32>
    %slice3A_783 = vector.extract_strided_slice %and3A_702 {offsets = [6], sizes = [1], strides = [1]} : vector<16xi32> to vector<1xi32>
    %squeeze3A_784 = vector.extract %slice3A_783[0] : i32 from vector<1xi32>
    %sub3A_785 = arith.constant 6 : i32
    %sub3A_786 = arith.subi %squeeze3A_784, %sub3A_785 : i32
    %get3A_787 = arith.constant 38 : i32
    %get3A_788 = arith.index_cast %get3A_787 : i32 to index
    %get3A_789 = arith.index_cast %sub3A_786 : i32 to index
    %get3A_790 = tpu.vector_load %arg9[%get3A_788, %get3A_789] {strides = array<i32>} : memref<129x128xf32, #tpu.memory_space<vmem>>, vector<1x16xf32>,
    %get3A_791 = vector.shape_cast %get3A_790 : vector<1x16xf32> to vector<16xf32>
    %eq3A_792 = arith.constant 6 : i32
    %eq3A_793 = vector.broadcast %eq3A_792 : i32 to vector<16xi32>
    %eq3A_794 = arith.cmpi eq, %iota3A, %eq3A_793 : vector<16xi32>
    %select_n3A_795 = arith.select %eq3A_794, %get3A_791, %select_n3A_782 : vector<16xi1>, vector<16xf32>
    %slice3A_796 = vector.extract_strided_slice %and3A_702 {offsets = [7], sizes = [1], strides = [1]} : vector<16xi32> to vector<1xi32>
    %squeeze3A_797 = vector.extract %slice3A_796[0] : i32 from vector<1xi32>
    %sub3A_798 = arith.constant 7 : i32
    %sub3A_799 = arith.subi %squeeze3A_797, %sub3A_798 : i32
    %get3A_800 = arith.constant 39 : i32
    %get3A_801 = arith.index_cast %get3A_800 : i32 to index
    %get3A_802 = arith.index_cast %sub3A_799 : i32 to index
    %get3A_803 = tpu.vector_load %arg9[%get3A_801, %get3A_802] {strides = array<i32>} : memref<129x128xf32, #tpu.memory_space<vmem>>, vector<1x16xf32>,
    %get3A_804 = vector.shape_cast %get3A_803 : vector<1x16xf32> to vector<16xf32>
    %eq3A_805 = arith.constant 7 : i32
    %eq3A_806 = vector.broadcast %eq3A_805 : i32 to vector<16xi32>
    %eq3A_807 = arith.cmpi eq, %iota3A, %eq3A_806 : vector<16xi32>
    %select_n3A_808 = arith.select %eq3A_807, %get3A_804, %select_n3A_795 : vector<16xi1>, vector<16xf32>
    %slice3A_809 = vector.extract_strided_slice %and3A_702 {offsets = [8], sizes = [1], strides = [1]} : vector<16xi32> to vector<1xi32>
    %squeeze3A_810 = vector.extract %slice3A_809[0] : i32 from vector<1xi32>
    %sub3A_811 = arith.constant 8 : i32
    %sub3A_812 = arith.subi %squeeze3A_810, %sub3A_811 : i32
    %get3A_813 = arith.constant 40 : i32
    %get3A_814 = arith.index_cast %get3A_813 : i32 to index
    %get3A_815 = arith.index_cast %sub3A_812 : i32 to index
    %get3A_816 = tpu.vector_load %arg9[%get3A_814, %get3A_815] {strides = array<i32>} : memref<129x128xf32, #tpu.memory_space<vmem>>, vector<1x16xf32>,
    %get3A_817 = vector.shape_cast %get3A_816 : vector<1x16xf32> to vector<16xf32>
    %eq3A_818 = arith.constant 8 : i32
    %eq3A_819 = vector.broadcast %eq3A_818 : i32 to vector<16xi32>
    %eq3A_820 = arith.cmpi eq, %iota3A, %eq3A_819 : vector<16xi32>
    %select_n3A_821 = arith.select %eq3A_820, %get3A_817, %select_n3A_808 : vector<16xi1>, vector<16xf32>
    %slice3A_822 = vector.extract_strided_slice %and3A_702 {offsets = [9], sizes = [1], strides = [1]} : vector<16xi32> to vector<1xi32>
    %squeeze3A_823 = vector.extract %slice3A_822[0] : i32 from vector<1xi32>
    %sub3A_824 = arith.constant 9 : i32
    %sub3A_825 = arith.subi %squeeze3A_823, %sub3A_824 : i32
    %get3A_826 = arith.constant 41 : i32
    %get3A_827 = arith.index_cast %get3A_826 : i32 to index
    %get3A_828 = arith.index_cast %sub3A_825 : i32 to index
    %get3A_829 = tpu.vector_load %arg9[%get3A_827, %get3A_828] {strides = array<i32>} : memref<129x128xf32, #tpu.memory_space<vmem>>, vector<1x16xf32>,
    %get3A_830 = vector.shape_cast %get3A_829 : vector<1x16xf32> to vector<16xf32>
    %eq3A_831 = arith.constant 9 : i32
    %eq3A_832 = vector.broadcast %eq3A_831 : i32 to vector<16xi32>
    %eq3A_833 = arith.cmpi eq, %iota3A, %eq3A_832 : vector<16xi32>
    %select_n3A_834 = arith.select %eq3A_833, %get3A_830, %select_n3A_821 : vector<16xi1>, vector<16xf32>
    %slice3A_835 = vector.extract_strided_slice %and3A_702 {offsets = [10], sizes = [1], strides = [1]} : vector<16xi32> to vector<1xi32>
    %squeeze3A_836 = vector.extract %slice3A_835[0] : i32 from vector<1xi32>
    %sub3A_837 = arith.constant 10 : i32
    %sub3A_838 = arith.subi %squeeze3A_836, %sub3A_837 : i32
    %get3A_839 = arith.constant 42 : i32
    %get3A_840 = arith.index_cast %get3A_839 : i32 to index
    %get3A_841 = arith.index_cast %sub3A_838 : i32 to index
    %get3A_842 = tpu.vector_load %arg9[%get3A_840, %get3A_841] {strides = array<i32>} : memref<129x128xf32, #tpu.memory_space<vmem>>, vector<1x16xf32>,
    %get3A_843 = vector.shape_cast %get3A_842 : vector<1x16xf32> to vector<16xf32>
    %eq3A_844 = arith.constant 10 : i32
    %eq3A_845 = vector.broadcast %eq3A_844 : i32 to vector<16xi32>
    %eq3A_846 = arith.cmpi eq, %iota3A, %eq3A_845 : vector<16xi32>
    %select_n3A_847 = arith.select %eq3A_846, %get3A_843, %select_n3A_834 : vector<16xi1>, vector<16xf32>
    %slice3A_848 = vector.extract_strided_slice %and3A_702 {offsets = [11], sizes = [1], strides = [1]} : vector<16xi32> to vector<1xi32>
    %squeeze3A_849 = vector.extract %slice3A_848[0] : i32 from vector<1xi32>
    %sub3A_850 = arith.constant 11 : i32
    %sub3A_851 = arith.subi %squeeze3A_849, %sub3A_850 : i32
    %get3A_852 = arith.constant 43 : i32
    %get3A_853 = arith.index_cast %get3A_852 : i32 to index
    %get3A_854 = arith.index_cast %sub3A_851 : i32 to index
    %get3A_855 = tpu.vector_load %arg9[%get3A_853, %get3A_854] {strides = array<i32>} : memref<129x128xf32, #tpu.memory_space<vmem>>, vector<1x16xf32>,
    %get3A_856 = vector.shape_cast %get3A_855 : vector<1x16xf32> to vector<16xf32>
    %eq3A_857 = arith.constant 11 : i32
    %eq3A_858 = vector.broadcast %eq3A_857 : i32 to vector<16xi32>
    %eq3A_859 = arith.cmpi eq, %iota3A, %eq3A_858 : vector<16xi32>
    %select_n3A_860 = arith.select %eq3A_859, %get3A_856, %select_n3A_847 : vector<16xi1>, vector<16xf32>
    %slice3A_861 = vector.extract_strided_slice %and3A_702 {offsets = [12], sizes = [1], strides = [1]} : vector<16xi32> to vector<1xi32>
    %squeeze3A_862 = vector.extract %slice3A_861[0] : i32 from vector<1xi32>
    %sub3A_863 = arith.constant 12 : i32
    %sub3A_864 = arith.subi %squeeze3A_862, %sub3A_863 : i32
    %get3A_865 = arith.constant 44 : i32
    %get3A_866 = arith.index_cast %get3A_865 : i32 to index
    %get3A_867 = arith.index_cast %sub3A_864 : i32 to index
    %get3A_868 = tpu.vector_load %arg9[%get3A_866, %get3A_867] {strides = array<i32>} : memref<129x128xf32, #tpu.memory_space<vmem>>, vector<1x16xf32>,
    %get3A_869 = vector.shape_cast %get3A_868 : vector<1x16xf32> to vector<16xf32>
    %eq3A_870 = arith.constant 12 : i32
    %eq3A_871 = vector.broadcast %eq3A_870 : i32 to vector<16xi32>
    %eq3A_872 = arith.cmpi eq, %iota3A, %eq3A_871 : vector<16xi32>
    %select_n3A_873 = arith.select %eq3A_872, %get3A_869, %select_n3A_860 : vector<16xi1>, vector<16xf32>
    %slice3A_874 = vector.extract_strided_slice %and3A_702 {offsets = [13], sizes = [1], strides = [1]} : vector<16xi32> to vector<1xi32>
    %squeeze3A_875 = vector.extract %slice3A_874[0] : i32 from vector<1xi32>
    %sub3A_876 = arith.constant 13 : i32
    %sub3A_877 = arith.subi %squeeze3A_875, %sub3A_876 : i32
    %get3A_878 = arith.constant 45 : i32
    %get3A_879 = arith.index_cast %get3A_878 : i32 to index
    %get3A_880 = arith.index_cast %sub3A_877 : i32 to index
    %get3A_881 = tpu.vector_load %arg9[%get3A_879, %get3A_880] {strides = array<i32>} : memref<129x128xf32, #tpu.memory_space<vmem>>, vector<1x16xf32>,
    %get3A_882 = vector.shape_cast %get3A_881 : vector<1x16xf32> to vector<16xf32>
    %eq3A_883 = arith.constant 13 : i32
    %eq3A_884 = vector.broadcast %eq3A_883 : i32 to vector<16xi32>
    %eq3A_885 = arith.cmpi eq, %iota3A, %eq3A_884 : vector<16xi32>
    %select_n3A_886 = arith.select %eq3A_885, %get3A_882, %select_n3A_873 : vector<16xi1>, vector<16xf32>
    %slice3A_887 = vector.extract_strided_slice %and3A_702 {offsets = [14], sizes = [1], strides = [1]} : vector<16xi32> to vector<1xi32>
    %squeeze3A_888 = vector.extract %slice3A_887[0] : i32 from vector<1xi32>
    %sub3A_889 = arith.constant 14 : i32
    %sub3A_890 = arith.subi %squeeze3A_888, %sub3A_889 : i32
    %get3A_891 = arith.constant 46 : i32
    %get3A_892 = arith.index_cast %get3A_891 : i32 to index
    %get3A_893 = arith.index_cast %sub3A_890 : i32 to index
    %get3A_894 = tpu.vector_load %arg9[%get3A_892, %get3A_893] {strides = array<i32>} : memref<129x128xf32, #tpu.memory_space<vmem>>, vector<1x16xf32>,
    %get3A_895 = vector.shape_cast %get3A_894 : vector<1x16xf32> to vector<16xf32>
    %eq3A_896 = arith.constant 14 : i32
    %eq3A_897 = vector.broadcast %eq3A_896 : i32 to vector<16xi32>
    %eq3A_898 = arith.cmpi eq, %iota3A, %eq3A_897 : vector<16xi32>
    %select_n3A_899 = arith.select %eq3A_898, %get3A_895, %select_n3A_886 : vector<16xi1>, vector<16xf32>
    %slice3A_900 = vector.extract_strided_slice %and3A_702 {offsets = [15], sizes = [1], strides = [1]} : vector<16xi32> to vector<1xi32>
    %squeeze3A_901 = vector.extract %slice3A_900[0] : i32 from vector<1xi32>
    %sub3A_902 = arith.constant 15 : i32
    %sub3A_903 = arith.subi %squeeze3A_901, %sub3A_902 : i32
    %get3A_904 = arith.constant 47 : i32
    %get3A_905 = arith.index_cast %get3A_904 : i32 to index
    %get3A_906 = arith.index_cast %sub3A_903 : i32 to index
    %get3A_907 = tpu.vector_load %arg9[%get3A_905, %get3A_906] {strides = array<i32>} : memref<129x128xf32, #tpu.memory_space<vmem>>, vector<1x16xf32>,
    %get3A_908 = vector.shape_cast %get3A_907 : vector<1x16xf32> to vector<16xf32>
    %eq3A_909 = arith.constant 15 : i32
    %eq3A_910 = vector.broadcast %eq3A_909 : i32 to vector<16xi32>
    %eq3A_911 = arith.cmpi eq, %iota3A, %eq3A_910 : vector<16xi32>
    %select_n3A_912 = arith.select %eq3A_911, %get3A_908, %select_n3A_899 : vector<16xi1>, vector<16xf32>
    %get3A_913 = arith.index_cast %and3A_1 : i32 to index
    %get3A_914 = arith.constant 32 : index
    %get3A_915 = tpu.vector_load %arg7[%get3A_913, %get3A_914] {strides = array<i32>} : memref<8x128xf32, #tpu.memory_space<vmem>>, vector<1x16xf32>,
    %get3A_916 = vector.shape_cast %get3A_915 : vector<1x16xf32> to vector<16xf32>
    %mul3A_917 = arith.mulf %select_n3A_912, %get3A_916 : vector<16xf32>
    %add3A_918 = arith.addf %add3A_694, %mul3A_917 : vector<16xf32>
    %add3A_919 = arith.addf %add3A_695, %get3A_916 : vector<16xf32>
    %get3A_920 = arith.index_cast %and3A_1 : i32 to index
    %get3A_921 = arith.constant 48 : index
    %get3A_922 = tpu.vector_load %arg6[%get3A_920, %get3A_921] {strides = array<i32>} : memref<8x128xi32, #tpu.memory_space<vmem>>, vector<1x16xi32>,
    %get3A_923 = vector.shape_cast %get3A_922 : vector<1x16xi32> to vector<16xi32>
    %and3A_924 = arith.constant 127 : i32
    %and3A_925 = vector.broadcast %and3A_924 : i32 to vector<16xi32>
    %and3A_926 = arith.andi %get3A_923, %and3A_925 : vector<16xi32>
    %broadcast_in_dim3A_927 = arith.constant 0.000000e+00 : f32
    %broadcast_in_dim3A_928 = vector.broadcast %broadcast_in_dim3A_927 : f32 to vector<16xf32>
    %slice3A_929 = vector.extract_strided_slice %and3A_926 {offsets = [0], sizes = [1], strides = [1]} : vector<16xi32> to vector<1xi32>
    %squeeze3A_930 = vector.extract %slice3A_929[0] : i32 from vector<1xi32>
    %sub3A_931 = arith.constant 0 : i32
    %sub3A_932 = arith.subi %squeeze3A_930, %sub3A_931 : i32
    %get3A_933 = arith.constant 48 : i32
    %get3A_934 = arith.index_cast %get3A_933 : i32 to index
    %get3A_935 = arith.index_cast %sub3A_932 : i32 to index
    %get3A_936 = tpu.vector_load %arg9[%get3A_934, %get3A_935] {strides = array<i32>} : memref<129x128xf32, #tpu.memory_space<vmem>>, vector<1x16xf32>,
    %get3A_937 = vector.shape_cast %get3A_936 : vector<1x16xf32> to vector<16xf32>
    %eq3A_938 = arith.constant 0 : i32
    %eq3A_939 = vector.broadcast %eq3A_938 : i32 to vector<16xi32>
    %eq3A_940 = arith.cmpi eq, %iota3A, %eq3A_939 : vector<16xi32>
    %select_n3A_941 = arith.select %eq3A_940, %get3A_937, %broadcast_in_dim3A_928 : vector<16xi1>, vector<16xf32>
    %slice3A_942 = vector.extract_strided_slice %and3A_926 {offsets = [1], sizes = [1], strides = [1]} : vector<16xi32> to vector<1xi32>
    %squeeze3A_943 = vector.extract %slice3A_942[0] : i32 from vector<1xi32>
    %sub3A_944 = arith.constant 1 : i32
    %sub3A_945 = arith.subi %squeeze3A_943, %sub3A_944 : i32
    %get3A_946 = arith.constant 49 : i32
    %get3A_947 = arith.index_cast %get3A_946 : i32 to index
    %get3A_948 = arith.index_cast %sub3A_945 : i32 to index
    %get3A_949 = tpu.vector_load %arg9[%get3A_947, %get3A_948] {strides = array<i32>} : memref<129x128xf32, #tpu.memory_space<vmem>>, vector<1x16xf32>,
    %get3A_950 = vector.shape_cast %get3A_949 : vector<1x16xf32> to vector<16xf32>
    %eq3A_951 = arith.constant 1 : i32
    %eq3A_952 = vector.broadcast %eq3A_951 : i32 to vector<16xi32>
    %eq3A_953 = arith.cmpi eq, %iota3A, %eq3A_952 : vector<16xi32>
    %select_n3A_954 = arith.select %eq3A_953, %get3A_950, %select_n3A_941 : vector<16xi1>, vector<16xf32>
    %slice3A_955 = vector.extract_strided_slice %and3A_926 {offsets = [2], sizes = [1], strides = [1]} : vector<16xi32> to vector<1xi32>
    %squeeze3A_956 = vector.extract %slice3A_955[0] : i32 from vector<1xi32>
    %sub3A_957 = arith.constant 2 : i32
    %sub3A_958 = arith.subi %squeeze3A_956, %sub3A_957 : i32
    %get3A_959 = arith.constant 50 : i32
    %get3A_960 = arith.index_cast %get3A_959 : i32 to index
    %get3A_961 = arith.index_cast %sub3A_958 : i32 to index
    %get3A_962 = tpu.vector_load %arg9[%get3A_960, %get3A_961] {strides = array<i32>} : memref<129x128xf32, #tpu.memory_space<vmem>>, vector<1x16xf32>,
    %get3A_963 = vector.shape_cast %get3A_962 : vector<1x16xf32> to vector<16xf32>
    %eq3A_964 = arith.constant 2 : i32
    %eq3A_965 = vector.broadcast %eq3A_964 : i32 to vector<16xi32>
    %eq3A_966 = arith.cmpi eq, %iota3A, %eq3A_965 : vector<16xi32>
    %select_n3A_967 = arith.select %eq3A_966, %get3A_963, %select_n3A_954 : vector<16xi1>, vector<16xf32>
    %slice3A_968 = vector.extract_strided_slice %and3A_926 {offsets = [3], sizes = [1], strides = [1]} : vector<16xi32> to vector<1xi32>
    %squeeze3A_969 = vector.extract %slice3A_968[0] : i32 from vector<1xi32>
    %sub3A_970 = arith.constant 3 : i32
    %sub3A_971 = arith.subi %squeeze3A_969, %sub3A_970 : i32
    %get3A_972 = arith.constant 51 : i32
    %get3A_973 = arith.index_cast %get3A_972 : i32 to index
    %get3A_974 = arith.index_cast %sub3A_971 : i32 to index
    %get3A_975 = tpu.vector_load %arg9[%get3A_973, %get3A_974] {strides = array<i32>} : memref<129x128xf32, #tpu.memory_space<vmem>>, vector<1x16xf32>,
    %get3A_976 = vector.shape_cast %get3A_975 : vector<1x16xf32> to vector<16xf32>
    %eq3A_977 = arith.constant 3 : i32
    %eq3A_978 = vector.broadcast %eq3A_977 : i32 to vector<16xi32>
    %eq3A_979 = arith.cmpi eq, %iota3A, %eq3A_978 : vector<16xi32>
    %select_n3A_980 = arith.select %eq3A_979, %get3A_976, %select_n3A_967 : vector<16xi1>, vector<16xf32>
    %slice3A_981 = vector.extract_strided_slice %and3A_926 {offsets = [4], sizes = [1], strides = [1]} : vector<16xi32> to vector<1xi32>
    %squeeze3A_982 = vector.extract %slice3A_981[0] : i32 from vector<1xi32>
    %sub3A_983 = arith.constant 4 : i32
    %sub3A_984 = arith.subi %squeeze3A_982, %sub3A_983 : i32
    %get3A_985 = arith.constant 52 : i32
    %get3A_986 = arith.index_cast %get3A_985 : i32 to index
    %get3A_987 = arith.index_cast %sub3A_984 : i32 to index
    %get3A_988 = tpu.vector_load %arg9[%get3A_986, %get3A_987] {strides = array<i32>} : memref<129x128xf32, #tpu.memory_space<vmem>>, vector<1x16xf32>,
    %get3A_989 = vector.shape_cast %get3A_988 : vector<1x16xf32> to vector<16xf32>
    %eq3A_990 = arith.constant 4 : i32
    %eq3A_991 = vector.broadcast %eq3A_990 : i32 to vector<16xi32>
    %eq3A_992 = arith.cmpi eq, %iota3A, %eq3A_991 : vector<16xi32>
    %select_n3A_993 = arith.select %eq3A_992, %get3A_989, %select_n3A_980 : vector<16xi1>, vector<16xf32>
    %slice3A_994 = vector.extract_strided_slice %and3A_926 {offsets = [5], sizes = [1], strides = [1]} : vector<16xi32> to vector<1xi32>
    %squeeze3A_995 = vector.extract %slice3A_994[0] : i32 from vector<1xi32>
    %sub3A_996 = arith.constant 5 : i32
    %sub3A_997 = arith.subi %squeeze3A_995, %sub3A_996 : i32
    %get3A_998 = arith.constant 53 : i32
    %get3A_999 = arith.index_cast %get3A_998 : i32 to index
    %get3A_1000 = arith.index_cast %sub3A_997 : i32 to index
    %get3A_1001 = tpu.vector_load %arg9[%get3A_999, %get3A_1000] {strides = array<i32>} : memref<129x128xf32, #tpu.memory_space<vmem>>, vector<1x16xf32>,
    %get3A_1002 = vector.shape_cast %get3A_1001 : vector<1x16xf32> to vector<16xf32>
    %eq3A_1003 = arith.constant 5 : i32
    %eq3A_1004 = vector.broadcast %eq3A_1003 : i32 to vector<16xi32>
    %eq3A_1005 = arith.cmpi eq, %iota3A, %eq3A_1004 : vector<16xi32>
    %select_n3A_1006 = arith.select %eq3A_1005, %get3A_1002, %select_n3A_993 : vector<16xi1>, vector<16xf32>
    %slice3A_1007 = vector.extract_strided_slice %and3A_926 {offsets = [6], sizes = [1], strides = [1]} : vector<16xi32> to vector<1xi32>
    %squeeze3A_1008 = vector.extract %slice3A_1007[0] : i32 from vector<1xi32>
    %sub3A_1009 = arith.constant 6 : i32
    %sub3A_1010 = arith.subi %squeeze3A_1008, %sub3A_1009 : i32
    %get3A_1011 = arith.constant 54 : i32
    %get3A_1012 = arith.index_cast %get3A_1011 : i32 to index
    %get3A_1013 = arith.index_cast %sub3A_1010 : i32 to index
    %get3A_1014 = tpu.vector_load %arg9[%get3A_1012, %get3A_1013] {strides = array<i32>} : memref<129x128xf32, #tpu.memory_space<vmem>>, vector<1x16xf32>,
    %get3A_1015 = vector.shape_cast %get3A_1014 : vector<1x16xf32> to vector<16xf32>
    %eq3A_1016 = arith.constant 6 : i32
    %eq3A_1017 = vector.broadcast %eq3A_1016 : i32 to vector<16xi32>
    %eq3A_1018 = arith.cmpi eq, %iota3A, %eq3A_1017 : vector<16xi32>
    %select_n3A_1019 = arith.select %eq3A_1018, %get3A_1015, %select_n3A_1006 : vector<16xi1>, vector<16xf32>
    %slice3A_1020 = vector.extract_strided_slice %and3A_926 {offsets = [7], sizes = [1], strides = [1]} : vector<16xi32> to vector<1xi32>
    %squeeze3A_1021 = vector.extract %slice3A_1020[0] : i32 from vector<1xi32>
    %sub3A_1022 = arith.constant 7 : i32
    %sub3A_1023 = arith.subi %squeeze3A_1021, %sub3A_1022 : i32
    %get3A_1024 = arith.constant 55 : i32
    %get3A_1025 = arith.index_cast %get3A_1024 : i32 to index
    %get3A_1026 = arith.index_cast %sub3A_1023 : i32 to index
    %get3A_1027 = tpu.vector_load %arg9[%get3A_1025, %get3A_1026] {strides = array<i32>} : memref<129x128xf32, #tpu.memory_space<vmem>>, vector<1x16xf32>,
    %get3A_1028 = vector.shape_cast %get3A_1027 : vector<1x16xf32> to vector<16xf32>
    %eq3A_1029 = arith.constant 7 : i32
    %eq3A_1030 = vector.broadcast %eq3A_1029 : i32 to vector<16xi32>
    %eq3A_1031 = arith.cmpi eq, %iota3A, %eq3A_1030 : vector<16xi32>
    %select_n3A_1032 = arith.select %eq3A_1031, %get3A_1028, %select_n3A_1019 : vector<16xi1>, vector<16xf32>
    %slice3A_1033 = vector.extract_strided_slice %and3A_926 {offsets = [8], sizes = [1], strides = [1]} : vector<16xi32> to vector<1xi32>
    %squeeze3A_1034 = vector.extract %slice3A_1033[0] : i32 from vector<1xi32>
    %sub3A_1035 = arith.constant 8 : i32
    %sub3A_1036 = arith.subi %squeeze3A_1034, %sub3A_1035 : i32
    %get3A_1037 = arith.constant 56 : i32
    %get3A_1038 = arith.index_cast %get3A_1037 : i32 to index
    %get3A_1039 = arith.index_cast %sub3A_1036 : i32 to index
    %get3A_1040 = tpu.vector_load %arg9[%get3A_1038, %get3A_1039] {strides = array<i32>} : memref<129x128xf32, #tpu.memory_space<vmem>>, vector<1x16xf32>,
    %get3A_1041 = vector.shape_cast %get3A_1040 : vector<1x16xf32> to vector<16xf32>
    %eq3A_1042 = arith.constant 8 : i32
    %eq3A_1043 = vector.broadcast %eq3A_1042 : i32 to vector<16xi32>
    %eq3A_1044 = arith.cmpi eq, %iota3A, %eq3A_1043 : vector<16xi32>
    %select_n3A_1045 = arith.select %eq3A_1044, %get3A_1041, %select_n3A_1032 : vector<16xi1>, vector<16xf32>
    %slice3A_1046 = vector.extract_strided_slice %and3A_926 {offsets = [9], sizes = [1], strides = [1]} : vector<16xi32> to vector<1xi32>
    %squeeze3A_1047 = vector.extract %slice3A_1046[0] : i32 from vector<1xi32>
    %sub3A_1048 = arith.constant 9 : i32
    %sub3A_1049 = arith.subi %squeeze3A_1047, %sub3A_1048 : i32
    %get3A_1050 = arith.constant 57 : i32
    %get3A_1051 = arith.index_cast %get3A_1050 : i32 to index
    %get3A_1052 = arith.index_cast %sub3A_1049 : i32 to index
    %get3A_1053 = tpu.vector_load %arg9[%get3A_1051, %get3A_1052] {strides = array<i32>} : memref<129x128xf32, #tpu.memory_space<vmem>>, vector<1x16xf32>,
    %get3A_1054 = vector.shape_cast %get3A_1053 : vector<1x16xf32> to vector<16xf32>
    %eq3A_1055 = arith.constant 9 : i32
    %eq3A_1056 = vector.broadcast %eq3A_1055 : i32 to vector<16xi32>
    %eq3A_1057 = arith.cmpi eq, %iota3A, %eq3A_1056 : vector<16xi32>
    %select_n3A_1058 = arith.select %eq3A_1057, %get3A_1054, %select_n3A_1045 : vector<16xi1>, vector<16xf32>
    %slice3A_1059 = vector.extract_strided_slice %and3A_926 {offsets = [10], sizes = [1], strides = [1]} : vector<16xi32> to vector<1xi32>
    %squeeze3A_1060 = vector.extract %slice3A_1059[0] : i32 from vector<1xi32>
    %sub3A_1061 = arith.constant 10 : i32
    %sub3A_1062 = arith.subi %squeeze3A_1060, %sub3A_1061 : i32
    %get3A_1063 = arith.constant 58 : i32
    %get3A_1064 = arith.index_cast %get3A_1063 : i32 to index
    %get3A_1065 = arith.index_cast %sub3A_1062 : i32 to index
    %get3A_1066 = tpu.vector_load %arg9[%get3A_1064, %get3A_1065] {strides = array<i32>} : memref<129x128xf32, #tpu.memory_space<vmem>>, vector<1x16xf32>,
    %get3A_1067 = vector.shape_cast %get3A_1066 : vector<1x16xf32> to vector<16xf32>
    %eq3A_1068 = arith.constant 10 : i32
    %eq3A_1069 = vector.broadcast %eq3A_1068 : i32 to vector<16xi32>
    %eq3A_1070 = arith.cmpi eq, %iota3A, %eq3A_1069 : vector<16xi32>
    %select_n3A_1071 = arith.select %eq3A_1070, %get3A_1067, %select_n3A_1058 : vector<16xi1>, vector<16xf32>
    %slice3A_1072 = vector.extract_strided_slice %and3A_926 {offsets = [11], sizes = [1], strides = [1]} : vector<16xi32> to vector<1xi32>
    %squeeze3A_1073 = vector.extract %slice3A_1072[0] : i32 from vector<1xi32>
    %sub3A_1074 = arith.constant 11 : i32
    %sub3A_1075 = arith.subi %squeeze3A_1073, %sub3A_1074 : i32
    %get3A_1076 = arith.constant 59 : i32
    %get3A_1077 = arith.index_cast %get3A_1076 : i32 to index
    %get3A_1078 = arith.index_cast %sub3A_1075 : i32 to index
    %get3A_1079 = tpu.vector_load %arg9[%get3A_1077, %get3A_1078] {strides = array<i32>} : memref<129x128xf32, #tpu.memory_space<vmem>>, vector<1x16xf32>,
    %get3A_1080 = vector.shape_cast %get3A_1079 : vector<1x16xf32> to vector<16xf32>
    %eq3A_1081 = arith.constant 11 : i32
    %eq3A_1082 = vector.broadcast %eq3A_1081 : i32 to vector<16xi32>
    %eq3A_1083 = arith.cmpi eq, %iota3A, %eq3A_1082 : vector<16xi32>
    %select_n3A_1084 = arith.select %eq3A_1083, %get3A_1080, %select_n3A_1071 : vector<16xi1>, vector<16xf32>
    %slice3A_1085 = vector.extract_strided_slice %and3A_926 {offsets = [12], sizes = [1], strides = [1]} : vector<16xi32> to vector<1xi32>
    %squeeze3A_1086 = vector.extract %slice3A_1085[0] : i32 from vector<1xi32>
    %sub3A_1087 = arith.constant 12 : i32
    %sub3A_1088 = arith.subi %squeeze3A_1086, %sub3A_1087 : i32
    %get3A_1089 = arith.constant 60 : i32
    %get3A_1090 = arith.index_cast %get3A_1089 : i32 to index
    %get3A_1091 = arith.index_cast %sub3A_1088 : i32 to index
    %get3A_1092 = tpu.vector_load %arg9[%get3A_1090, %get3A_1091] {strides = array<i32>} : memref<129x128xf32, #tpu.memory_space<vmem>>, vector<1x16xf32>,
    %get3A_1093 = vector.shape_cast %get3A_1092 : vector<1x16xf32> to vector<16xf32>
    %eq3A_1094 = arith.constant 12 : i32
    %eq3A_1095 = vector.broadcast %eq3A_1094 : i32 to vector<16xi32>
    %eq3A_1096 = arith.cmpi eq, %iota3A, %eq3A_1095 : vector<16xi32>
    %select_n3A_1097 = arith.select %eq3A_1096, %get3A_1093, %select_n3A_1084 : vector<16xi1>, vector<16xf32>
    %slice3A_1098 = vector.extract_strided_slice %and3A_926 {offsets = [13], sizes = [1], strides = [1]} : vector<16xi32> to vector<1xi32>
    %squeeze3A_1099 = vector.extract %slice3A_1098[0] : i32 from vector<1xi32>
    %sub3A_1100 = arith.constant 13 : i32
    %sub3A_1101 = arith.subi %squeeze3A_1099, %sub3A_1100 : i32
    %get3A_1102 = arith.constant 61 : i32
    %get3A_1103 = arith.index_cast %get3A_1102 : i32 to index
    %get3A_1104 = arith.index_cast %sub3A_1101 : i32 to index
    %get3A_1105 = tpu.vector_load %arg9[%get3A_1103, %get3A_1104] {strides = array<i32>} : memref<129x128xf32, #tpu.memory_space<vmem>>, vector<1x16xf32>,
    %get3A_1106 = vector.shape_cast %get3A_1105 : vector<1x16xf32> to vector<16xf32>
    %eq3A_1107 = arith.constant 13 : i32
    %eq3A_1108 = vector.broadcast %eq3A_1107 : i32 to vector<16xi32>
    %eq3A_1109 = arith.cmpi eq, %iota3A, %eq3A_1108 : vector<16xi32>
    %select_n3A_1110 = arith.select %eq3A_1109, %get3A_1106, %select_n3A_1097 : vector<16xi1>, vector<16xf32>
    %slice3A_1111 = vector.extract_strided_slice %and3A_926 {offsets = [14], sizes = [1], strides = [1]} : vector<16xi32> to vector<1xi32>
    %squeeze3A_1112 = vector.extract %slice3A_1111[0] : i32 from vector<1xi32>
    %sub3A_1113 = arith.constant 14 : i32
    %sub3A_1114 = arith.subi %squeeze3A_1112, %sub3A_1113 : i32
    %get3A_1115 = arith.constant 62 : i32
    %get3A_1116 = arith.index_cast %get3A_1115 : i32 to index
    %get3A_1117 = arith.index_cast %sub3A_1114 : i32 to index
    %get3A_1118 = tpu.vector_load %arg9[%get3A_1116, %get3A_1117] {strides = array<i32>} : memref<129x128xf32, #tpu.memory_space<vmem>>, vector<1x16xf32>,
    %get3A_1119 = vector.shape_cast %get3A_1118 : vector<1x16xf32> to vector<16xf32>
    %eq3A_1120 = arith.constant 14 : i32
    %eq3A_1121 = vector.broadcast %eq3A_1120 : i32 to vector<16xi32>
    %eq3A_1122 = arith.cmpi eq, %iota3A, %eq3A_1121 : vector<16xi32>
    %select_n3A_1123 = arith.select %eq3A_1122, %get3A_1119, %select_n3A_1110 : vector<16xi1>, vector<16xf32>
    %slice3A_1124 = vector.extract_strided_slice %and3A_926 {offsets = [15], sizes = [1], strides = [1]} : vector<16xi32> to vector<1xi32>
    %squeeze3A_1125 = vector.extract %slice3A_1124[0] : i32 from vector<1xi32>
    %sub3A_1126 = arith.constant 15 : i32
    %sub3A_1127 = arith.subi %squeeze3A_1125, %sub3A_1126 : i32
    %get3A_1128 = arith.constant 63 : i32
    %get3A_1129 = arith.index_cast %get3A_1128 : i32 to index
    %get3A_1130 = arith.index_cast %sub3A_1127 : i32 to index
    %get3A_1131 = tpu.vector_load %arg9[%get3A_1129, %get3A_1130] {strides = array<i32>} : memref<129x128xf32, #tpu.memory_space<vmem>>, vector<1x16xf32>,
    %get3A_1132 = vector.shape_cast %get3A_1131 : vector<1x16xf32> to vector<16xf32>
    %eq3A_1133 = arith.constant 15 : i32
    %eq3A_1134 = vector.broadcast %eq3A_1133 : i32 to vector<16xi32>
    %eq3A_1135 = arith.cmpi eq, %iota3A, %eq3A_1134 : vector<16xi32>
    %select_n3A_1136 = arith.select %eq3A_1135, %get3A_1132, %select_n3A_1123 : vector<16xi1>, vector<16xf32>
    %get3A_1137 = arith.index_cast %and3A_1 : i32 to index
    %get3A_1138 = arith.constant 48 : index
    %get3A_1139 = tpu.vector_load %arg7[%get3A_1137, %get3A_1138] {strides = array<i32>} : memref<8x128xf32, #tpu.memory_space<vmem>>, vector<1x16xf32>,
    %get3A_1140 = vector.shape_cast %get3A_1139 : vector<1x16xf32> to vector<16xf32>
    %mul3A_1141 = arith.mulf %select_n3A_1136, %get3A_1140 : vector<16xf32>
    %add3A_1142 = arith.addf %add3A_918, %mul3A_1141 : vector<16xf32>
    %add3A_1143 = arith.addf %add3A_919, %get3A_1140 : vector<16xf32>
    %get3A_1144 = arith.index_cast %and3A_1 : i32 to index
    %get3A_1145 = arith.constant 64 : index
    %get3A_1146 = tpu.vector_load %arg6[%get3A_1144, %get3A_1145] {strides = array<i32>} : memref<8x128xi32, #tpu.memory_space<vmem>>, vector<1x16xi32>,
    %get3A_1147 = vector.shape_cast %get3A_1146 : vector<1x16xi32> to vector<16xi32>
    %and3A_1148 = arith.constant 127 : i32
    %and3A_1149 = vector.broadcast %and3A_1148 : i32 to vector<16xi32>
    %and3A_1150 = arith.andi %get3A_1147, %and3A_1149 : vector<16xi32>
    %broadcast_in_dim3A_1151 = arith.constant 0.000000e+00 : f32
    %broadcast_in_dim3A_1152 = vector.broadcast %broadcast_in_dim3A_1151 : f32 to vector<16xf32>
    %slice3A_1153 = vector.extract_strided_slice %and3A_1150 {offsets = [0], sizes = [1], strides = [1]} : vector<16xi32> to vector<1xi32>
    %squeeze3A_1154 = vector.extract %slice3A_1153[0] : i32 from vector<1xi32>
    %sub3A_1155 = arith.constant 0 : i32
    %sub3A_1156 = arith.subi %squeeze3A_1154, %sub3A_1155 : i32
    %get3A_1157 = arith.constant 64 : i32
    %get3A_1158 = arith.index_cast %get3A_1157 : i32 to index
    %get3A_1159 = arith.index_cast %sub3A_1156 : i32 to index
    %get3A_1160 = tpu.vector_load %arg9[%get3A_1158, %get3A_1159] {strides = array<i32>} : memref<129x128xf32, #tpu.memory_space<vmem>>, vector<1x16xf32>,
    %get3A_1161 = vector.shape_cast %get3A_1160 : vector<1x16xf32> to vector<16xf32>
    %eq3A_1162 = arith.constant 0 : i32
    %eq3A_1163 = vector.broadcast %eq3A_1162 : i32 to vector<16xi32>
    %eq3A_1164 = arith.cmpi eq, %iota3A, %eq3A_1163 : vector<16xi32>
    %select_n3A_1165 = arith.select %eq3A_1164, %get3A_1161, %broadcast_in_dim3A_1152 : vector<16xi1>, vector<16xf32>
    %slice3A_1166 = vector.extract_strided_slice %and3A_1150 {offsets = [1], sizes = [1], strides = [1]} : vector<16xi32> to vector<1xi32>
    %squeeze3A_1167 = vector.extract %slice3A_1166[0] : i32 from vector<1xi32>
    %sub3A_1168 = arith.constant 1 : i32
    %sub3A_1169 = arith.subi %squeeze3A_1167, %sub3A_1168 : i32
    %get3A_1170 = arith.constant 65 : i32
    %get3A_1171 = arith.index_cast %get3A_1170 : i32 to index
    %get3A_1172 = arith.index_cast %sub3A_1169 : i32 to index
    %get3A_1173 = tpu.vector_load %arg9[%get3A_1171, %get3A_1172] {strides = array<i32>} : memref<129x128xf32, #tpu.memory_space<vmem>>, vector<1x16xf32>,
    %get3A_1174 = vector.shape_cast %get3A_1173 : vector<1x16xf32> to vector<16xf32>
    %eq3A_1175 = arith.constant 1 : i32
    %eq3A_1176 = vector.broadcast %eq3A_1175 : i32 to vector<16xi32>
    %eq3A_1177 = arith.cmpi eq, %iota3A, %eq3A_1176 : vector<16xi32>
    %select_n3A_1178 = arith.select %eq3A_1177, %get3A_1174, %select_n3A_1165 : vector<16xi1>, vector<16xf32>
    %slice3A_1179 = vector.extract_strided_slice %and3A_1150 {offsets = [2], sizes = [1], strides = [1]} : vector<16xi32> to vector<1xi32>
    %squeeze3A_1180 = vector.extract %slice3A_1179[0] : i32 from vector<1xi32>
    %sub3A_1181 = arith.constant 2 : i32
    %sub3A_1182 = arith.subi %squeeze3A_1180, %sub3A_1181 : i32
    %get3A_1183 = arith.constant 66 : i32
    %get3A_1184 = arith.index_cast %get3A_1183 : i32 to index
    %get3A_1185 = arith.index_cast %sub3A_1182 : i32 to index
    %get3A_1186 = tpu.vector_load %arg9[%get3A_1184, %get3A_1185] {strides = array<i32>} : memref<129x128xf32, #tpu.memory_space<vmem>>, vector<1x16xf32>,
    %get3A_1187 = vector.shape_cast %get3A_1186 : vector<1x16xf32> to vector<16xf32>
    %eq3A_1188 = arith.constant 2 : i32
    %eq3A_1189 = vector.broadcast %eq3A_1188 : i32 to vector<16xi32>
    %eq3A_1190 = arith.cmpi eq, %iota3A, %eq3A_1189 : vector<16xi32>
    %select_n3A_1191 = arith.select %eq3A_1190, %get3A_1187, %select_n3A_1178 : vector<16xi1>, vector<16xf32>
    %slice3A_1192 = vector.extract_strided_slice %and3A_1150 {offsets = [3], sizes = [1], strides = [1]} : vector<16xi32> to vector<1xi32>
    %squeeze3A_1193 = vector.extract %slice3A_1192[0] : i32 from vector<1xi32>
    %sub3A_1194 = arith.constant 3 : i32
    %sub3A_1195 = arith.subi %squeeze3A_1193, %sub3A_1194 : i32
    %get3A_1196 = arith.constant 67 : i32
    %get3A_1197 = arith.index_cast %get3A_1196 : i32 to index
    %get3A_1198 = arith.index_cast %sub3A_1195 : i32 to index
    %get3A_1199 = tpu.vector_load %arg9[%get3A_1197, %get3A_1198] {strides = array<i32>} : memref<129x128xf32, #tpu.memory_space<vmem>>, vector<1x16xf32>,
    %get3A_1200 = vector.shape_cast %get3A_1199 : vector<1x16xf32> to vector<16xf32>
    %eq3A_1201 = arith.constant 3 : i32
    %eq3A_1202 = vector.broadcast %eq3A_1201 : i32 to vector<16xi32>
    %eq3A_1203 = arith.cmpi eq, %iota3A, %eq3A_1202 : vector<16xi32>
    %select_n3A_1204 = arith.select %eq3A_1203, %get3A_1200, %select_n3A_1191 : vector<16xi1>, vector<16xf32>
    %slice3A_1205 = vector.extract_strided_slice %and3A_1150 {offsets = [4], sizes = [1], strides = [1]} : vector<16xi32> to vector<1xi32>
    %squeeze3A_1206 = vector.extract %slice3A_1205[0] : i32 from vector<1xi32>
    %sub3A_1207 = arith.constant 4 : i32
    %sub3A_1208 = arith.subi %squeeze3A_1206, %sub3A_1207 : i32
    %get3A_1209 = arith.constant 68 : i32
    %get3A_1210 = arith.index_cast %get3A_1209 : i32 to index
    %get3A_1211 = arith.index_cast %sub3A_1208 : i32 to index
    %get3A_1212 = tpu.vector_load %arg9[%get3A_1210, %get3A_1211] {strides = array<i32>} : memref<129x128xf32, #tpu.memory_space<vmem>>, vector<1x16xf32>,
    %get3A_1213 = vector.shape_cast %get3A_1212 : vector<1x16xf32> to vector<16xf32>
    %eq3A_1214 = arith.constant 4 : i32
    %eq3A_1215 = vector.broadcast %eq3A_1214 : i32 to vector<16xi32>
    %eq3A_1216 = arith.cmpi eq, %iota3A, %eq3A_1215 : vector<16xi32>
    %select_n3A_1217 = arith.select %eq3A_1216, %get3A_1213, %select_n3A_1204 : vector<16xi1>, vector<16xf32>
    %slice3A_1218 = vector.extract_strided_slice %and3A_1150 {offsets = [5], sizes = [1], strides = [1]} : vector<16xi32> to vector<1xi32>
    %squeeze3A_1219 = vector.extract %slice3A_1218[0] : i32 from vector<1xi32>
    %sub3A_1220 = arith.constant 5 : i32
    %sub3A_1221 = arith.subi %squeeze3A_1219, %sub3A_1220 : i32
    %get3A_1222 = arith.constant 69 : i32
    %get3A_1223 = arith.index_cast %get3A_1222 : i32 to index
    %get3A_1224 = arith.index_cast %sub3A_1221 : i32 to index
    %get3A_1225 = tpu.vector_load %arg9[%get3A_1223, %get3A_1224] {strides = array<i32>} : memref<129x128xf32, #tpu.memory_space<vmem>>, vector<1x16xf32>,
    %get3A_1226 = vector.shape_cast %get3A_1225 : vector<1x16xf32> to vector<16xf32>
    %eq3A_1227 = arith.constant 5 : i32
    %eq3A_1228 = vector.broadcast %eq3A_1227 : i32 to vector<16xi32>
    %eq3A_1229 = arith.cmpi eq, %iota3A, %eq3A_1228 : vector<16xi32>
    %select_n3A_1230 = arith.select %eq3A_1229, %get3A_1226, %select_n3A_1217 : vector<16xi1>, vector<16xf32>
    %slice3A_1231 = vector.extract_strided_slice %and3A_1150 {offsets = [6], sizes = [1], strides = [1]} : vector<16xi32> to vector<1xi32>
    %squeeze3A_1232 = vector.extract %slice3A_1231[0] : i32 from vector<1xi32>
    %sub3A_1233 = arith.constant 6 : i32
    %sub3A_1234 = arith.subi %squeeze3A_1232, %sub3A_1233 : i32
    %get3A_1235 = arith.constant 70 : i32
    %get3A_1236 = arith.index_cast %get3A_1235 : i32 to index
    %get3A_1237 = arith.index_cast %sub3A_1234 : i32 to index
    %get3A_1238 = tpu.vector_load %arg9[%get3A_1236, %get3A_1237] {strides = array<i32>} : memref<129x128xf32, #tpu.memory_space<vmem>>, vector<1x16xf32>,
    %get3A_1239 = vector.shape_cast %get3A_1238 : vector<1x16xf32> to vector<16xf32>
    %eq3A_1240 = arith.constant 6 : i32
    %eq3A_1241 = vector.broadcast %eq3A_1240 : i32 to vector<16xi32>
    %eq3A_1242 = arith.cmpi eq, %iota3A, %eq3A_1241 : vector<16xi32>
    %select_n3A_1243 = arith.select %eq3A_1242, %get3A_1239, %select_n3A_1230 : vector<16xi1>, vector<16xf32>
    %slice3A_1244 = vector.extract_strided_slice %and3A_1150 {offsets = [7], sizes = [1], strides = [1]} : vector<16xi32> to vector<1xi32>
    %squeeze3A_1245 = vector.extract %slice3A_1244[0] : i32 from vector<1xi32>
    %sub3A_1246 = arith.constant 7 : i32
    %sub3A_1247 = arith.subi %squeeze3A_1245, %sub3A_1246 : i32
    %get3A_1248 = arith.constant 71 : i32
    %get3A_1249 = arith.index_cast %get3A_1248 : i32 to index
    %get3A_1250 = arith.index_cast %sub3A_1247 : i32 to index
    %get3A_1251 = tpu.vector_load %arg9[%get3A_1249, %get3A_1250] {strides = array<i32>} : memref<129x128xf32, #tpu.memory_space<vmem>>, vector<1x16xf32>,
    %get3A_1252 = vector.shape_cast %get3A_1251 : vector<1x16xf32> to vector<16xf32>
    %eq3A_1253 = arith.constant 7 : i32
    %eq3A_1254 = vector.broadcast %eq3A_1253 : i32 to vector<16xi32>
    %eq3A_1255 = arith.cmpi eq, %iota3A, %eq3A_1254 : vector<16xi32>
    %select_n3A_1256 = arith.select %eq3A_1255, %get3A_1252, %select_n3A_1243 : vector<16xi1>, vector<16xf32>
    %slice3A_1257 = vector.extract_strided_slice %and3A_1150 {offsets = [8], sizes = [1], strides = [1]} : vector<16xi32> to vector<1xi32>
    %squeeze3A_1258 = vector.extract %slice3A_1257[0] : i32 from vector<1xi32>
    %sub3A_1259 = arith.constant 8 : i32
    %sub3A_1260 = arith.subi %squeeze3A_1258, %sub3A_1259 : i32
    %get3A_1261 = arith.constant 72 : i32
    %get3A_1262 = arith.index_cast %get3A_1261 : i32 to index
    %get3A_1263 = arith.index_cast %sub3A_1260 : i32 to index
    %get3A_1264 = tpu.vector_load %arg9[%get3A_1262, %get3A_1263] {strides = array<i32>} : memref<129x128xf32, #tpu.memory_space<vmem>>, vector<1x16xf32>,
    %get3A_1265 = vector.shape_cast %get3A_1264 : vector<1x16xf32> to vector<16xf32>
    %eq3A_1266 = arith.constant 8 : i32
    %eq3A_1267 = vector.broadcast %eq3A_1266 : i32 to vector<16xi32>
    %eq3A_1268 = arith.cmpi eq, %iota3A, %eq3A_1267 : vector<16xi32>
    %select_n3A_1269 = arith.select %eq3A_1268, %get3A_1265, %select_n3A_1256 : vector<16xi1>, vector<16xf32>
    %slice3A_1270 = vector.extract_strided_slice %and3A_1150 {offsets = [9], sizes = [1], strides = [1]} : vector<16xi32> to vector<1xi32>
    %squeeze3A_1271 = vector.extract %slice3A_1270[0] : i32 from vector<1xi32>
    %sub3A_1272 = arith.constant 9 : i32
    %sub3A_1273 = arith.subi %squeeze3A_1271, %sub3A_1272 : i32
    %get3A_1274 = arith.constant 73 : i32
    %get3A_1275 = arith.index_cast %get3A_1274 : i32 to index
    %get3A_1276 = arith.index_cast %sub3A_1273 : i32 to index
    %get3A_1277 = tpu.vector_load %arg9[%get3A_1275, %get3A_1276] {strides = array<i32>} : memref<129x128xf32, #tpu.memory_space<vmem>>, vector<1x16xf32>,
    %get3A_1278 = vector.shape_cast %get3A_1277 : vector<1x16xf32> to vector<16xf32>
    %eq3A_1279 = arith.constant 9 : i32
    %eq3A_1280 = vector.broadcast %eq3A_1279 : i32 to vector<16xi32>
    %eq3A_1281 = arith.cmpi eq, %iota3A, %eq3A_1280 : vector<16xi32>
    %select_n3A_1282 = arith.select %eq3A_1281, %get3A_1278, %select_n3A_1269 : vector<16xi1>, vector<16xf32>
    %slice3A_1283 = vector.extract_strided_slice %and3A_1150 {offsets = [10], sizes = [1], strides = [1]} : vector<16xi32> to vector<1xi32>
    %squeeze3A_1284 = vector.extract %slice3A_1283[0] : i32 from vector<1xi32>
    %sub3A_1285 = arith.constant 10 : i32
    %sub3A_1286 = arith.subi %squeeze3A_1284, %sub3A_1285 : i32
    %get3A_1287 = arith.constant 74 : i32
    %get3A_1288 = arith.index_cast %get3A_1287 : i32 to index
    %get3A_1289 = arith.index_cast %sub3A_1286 : i32 to index
    %get3A_1290 = tpu.vector_load %arg9[%get3A_1288, %get3A_1289] {strides = array<i32>} : memref<129x128xf32, #tpu.memory_space<vmem>>, vector<1x16xf32>,
    %get3A_1291 = vector.shape_cast %get3A_1290 : vector<1x16xf32> to vector<16xf32>
    %eq3A_1292 = arith.constant 10 : i32
    %eq3A_1293 = vector.broadcast %eq3A_1292 : i32 to vector<16xi32>
    %eq3A_1294 = arith.cmpi eq, %iota3A, %eq3A_1293 : vector<16xi32>
    %select_n3A_1295 = arith.select %eq3A_1294, %get3A_1291, %select_n3A_1282 : vector<16xi1>, vector<16xf32>
    %slice3A_1296 = vector.extract_strided_slice %and3A_1150 {offsets = [11], sizes = [1], strides = [1]} : vector<16xi32> to vector<1xi32>
    %squeeze3A_1297 = vector.extract %slice3A_1296[0] : i32 from vector<1xi32>
    %sub3A_1298 = arith.constant 11 : i32
    %sub3A_1299 = arith.subi %squeeze3A_1297, %sub3A_1298 : i32
    %get3A_1300 = arith.constant 75 : i32
    %get3A_1301 = arith.index_cast %get3A_1300 : i32 to index
    %get3A_1302 = arith.index_cast %sub3A_1299 : i32 to index
    %get3A_1303 = tpu.vector_load %arg9[%get3A_1301, %get3A_1302] {strides = array<i32>} : memref<129x128xf32, #tpu.memory_space<vmem>>, vector<1x16xf32>,
    %get3A_1304 = vector.shape_cast %get3A_1303 : vector<1x16xf32> to vector<16xf32>
    %eq3A_1305 = arith.constant 11 : i32
    %eq3A_1306 = vector.broadcast %eq3A_1305 : i32 to vector<16xi32>
    %eq3A_1307 = arith.cmpi eq, %iota3A, %eq3A_1306 : vector<16xi32>
    %select_n3A_1308 = arith.select %eq3A_1307, %get3A_1304, %select_n3A_1295 : vector<16xi1>, vector<16xf32>
    %slice3A_1309 = vector.extract_strided_slice %and3A_1150 {offsets = [12], sizes = [1], strides = [1]} : vector<16xi32> to vector<1xi32>
    %squeeze3A_1310 = vector.extract %slice3A_1309[0] : i32 from vector<1xi32>
    %sub3A_1311 = arith.constant 12 : i32
    %sub3A_1312 = arith.subi %squeeze3A_1310, %sub3A_1311 : i32
    %get3A_1313 = arith.constant 76 : i32
    %get3A_1314 = arith.index_cast %get3A_1313 : i32 to index
    %get3A_1315 = arith.index_cast %sub3A_1312 : i32 to index
    %get3A_1316 = tpu.vector_load %arg9[%get3A_1314, %get3A_1315] {strides = array<i32>} : memref<129x128xf32, #tpu.memory_space<vmem>>, vector<1x16xf32>,
    %get3A_1317 = vector.shape_cast %get3A_1316 : vector<1x16xf32> to vector<16xf32>
    %eq3A_1318 = arith.constant 12 : i32
    %eq3A_1319 = vector.broadcast %eq3A_1318 : i32 to vector<16xi32>
    %eq3A_1320 = arith.cmpi eq, %iota3A, %eq3A_1319 : vector<16xi32>
    %select_n3A_1321 = arith.select %eq3A_1320, %get3A_1317, %select_n3A_1308 : vector<16xi1>, vector<16xf32>
    %slice3A_1322 = vector.extract_strided_slice %and3A_1150 {offsets = [13], sizes = [1], strides = [1]} : vector<16xi32> to vector<1xi32>
    %squeeze3A_1323 = vector.extract %slice3A_1322[0] : i32 from vector<1xi32>
    %sub3A_1324 = arith.constant 13 : i32
    %sub3A_1325 = arith.subi %squeeze3A_1323, %sub3A_1324 : i32
    %get3A_1326 = arith.constant 77 : i32
    %get3A_1327 = arith.index_cast %get3A_1326 : i32 to index
    %get3A_1328 = arith.index_cast %sub3A_1325 : i32 to index
    %get3A_1329 = tpu.vector_load %arg9[%get3A_1327, %get3A_1328] {strides = array<i32>} : memref<129x128xf32, #tpu.memory_space<vmem>>, vector<1x16xf32>,
    %get3A_1330 = vector.shape_cast %get3A_1329 : vector<1x16xf32> to vector<16xf32>
    %eq3A_1331 = arith.constant 13 : i32
    %eq3A_1332 = vector.broadcast %eq3A_1331 : i32 to vector<16xi32>
    %eq3A_1333 = arith.cmpi eq, %iota3A, %eq3A_1332 : vector<16xi32>
    %select_n3A_1334 = arith.select %eq3A_1333, %get3A_1330, %select_n3A_1321 : vector<16xi1>, vector<16xf32>
    %slice3A_1335 = vector.extract_strided_slice %and3A_1150 {offsets = [14], sizes = [1], strides = [1]} : vector<16xi32> to vector<1xi32>
    %squeeze3A_1336 = vector.extract %slice3A_1335[0] : i32 from vector<1xi32>
    %sub3A_1337 = arith.constant 14 : i32
    %sub3A_1338 = arith.subi %squeeze3A_1336, %sub3A_1337 : i32
    %get3A_1339 = arith.constant 78 : i32
    %get3A_1340 = arith.index_cast %get3A_1339 : i32 to index
    %get3A_1341 = arith.index_cast %sub3A_1338 : i32 to index
    %get3A_1342 = tpu.vector_load %arg9[%get3A_1340, %get3A_1341] {strides = array<i32>} : memref<129x128xf32, #tpu.memory_space<vmem>>, vector<1x16xf32>,
    %get3A_1343 = vector.shape_cast %get3A_1342 : vector<1x16xf32> to vector<16xf32>
    %eq3A_1344 = arith.constant 14 : i32
    %eq3A_1345 = vector.broadcast %eq3A_1344 : i32 to vector<16xi32>
    %eq3A_1346 = arith.cmpi eq, %iota3A, %eq3A_1345 : vector<16xi32>
    %select_n3A_1347 = arith.select %eq3A_1346, %get3A_1343, %select_n3A_1334 : vector<16xi1>, vector<16xf32>
    %slice3A_1348 = vector.extract_strided_slice %and3A_1150 {offsets = [15], sizes = [1], strides = [1]} : vector<16xi32> to vector<1xi32>
    %squeeze3A_1349 = vector.extract %slice3A_1348[0] : i32 from vector<1xi32>
    %sub3A_1350 = arith.constant 15 : i32
    %sub3A_1351 = arith.subi %squeeze3A_1349, %sub3A_1350 : i32
    %get3A_1352 = arith.constant 79 : i32
    %get3A_1353 = arith.index_cast %get3A_1352 : i32 to index
    %get3A_1354 = arith.index_cast %sub3A_1351 : i32 to index
    %get3A_1355 = tpu.vector_load %arg9[%get3A_1353, %get3A_1354] {strides = array<i32>} : memref<129x128xf32, #tpu.memory_space<vmem>>, vector<1x16xf32>,
    %get3A_1356 = vector.shape_cast %get3A_1355 : vector<1x16xf32> to vector<16xf32>
    %eq3A_1357 = arith.constant 15 : i32
    %eq3A_1358 = vector.broadcast %eq3A_1357 : i32 to vector<16xi32>
    %eq3A_1359 = arith.cmpi eq, %iota3A, %eq3A_1358 : vector<16xi32>
    %select_n3A_1360 = arith.select %eq3A_1359, %get3A_1356, %select_n3A_1347 : vector<16xi1>, vector<16xf32>
    %get3A_1361 = arith.index_cast %and3A_1 : i32 to index
    %get3A_1362 = arith.constant 64 : index
    %get3A_1363 = tpu.vector_load %arg7[%get3A_1361, %get3A_1362] {strides = array<i32>} : memref<8x128xf32, #tpu.memory_space<vmem>>, vector<1x16xf32>,
    %get3A_1364 = vector.shape_cast %get3A_1363 : vector<1x16xf32> to vector<16xf32>
    %mul3A_1365 = arith.mulf %select_n3A_1360, %get3A_1364 : vector<16xf32>
    %add3A_1366 = arith.addf %add3A_1142, %mul3A_1365 : vector<16xf32>
    %add3A_1367 = arith.addf %add3A_1143, %get3A_1364 : vector<16xf32>
    %get3A_1368 = arith.index_cast %and3A_1 : i32 to index
    %get3A_1369 = arith.constant 80 : index
    %get3A_1370 = tpu.vector_load %arg6[%get3A_1368, %get3A_1369] {strides = array<i32>} : memref<8x128xi32, #tpu.memory_space<vmem>>, vector<1x16xi32>,
    %get3A_1371 = vector.shape_cast %get3A_1370 : vector<1x16xi32> to vector<16xi32>
    %and3A_1372 = arith.constant 127 : i32
    %and3A_1373 = vector.broadcast %and3A_1372 : i32 to vector<16xi32>
    %and3A_1374 = arith.andi %get3A_1371, %and3A_1373 : vector<16xi32>
    %broadcast_in_dim3A_1375 = arith.constant 0.000000e+00 : f32
    %broadcast_in_dim3A_1376 = vector.broadcast %broadcast_in_dim3A_1375 : f32 to vector<16xf32>
    %slice3A_1377 = vector.extract_strided_slice %and3A_1374 {offsets = [0], sizes = [1], strides = [1]} : vector<16xi32> to vector<1xi32>
    %squeeze3A_1378 = vector.extract %slice3A_1377[0] : i32 from vector<1xi32>
    %sub3A_1379 = arith.constant 0 : i32
    %sub3A_1380 = arith.subi %squeeze3A_1378, %sub3A_1379 : i32
    %get3A_1381 = arith.constant 80 : i32
    %get3A_1382 = arith.index_cast %get3A_1381 : i32 to index
    %get3A_1383 = arith.index_cast %sub3A_1380 : i32 to index
    %get3A_1384 = tpu.vector_load %arg9[%get3A_1382, %get3A_1383] {strides = array<i32>} : memref<129x128xf32, #tpu.memory_space<vmem>>, vector<1x16xf32>,
    %get3A_1385 = vector.shape_cast %get3A_1384 : vector<1x16xf32> to vector<16xf32>
    %eq3A_1386 = arith.constant 0 : i32
    %eq3A_1387 = vector.broadcast %eq3A_1386 : i32 to vector<16xi32>
    %eq3A_1388 = arith.cmpi eq, %iota3A, %eq3A_1387 : vector<16xi32>
    %select_n3A_1389 = arith.select %eq3A_1388, %get3A_1385, %broadcast_in_dim3A_1376 : vector<16xi1>, vector<16xf32>
    %slice3A_1390 = vector.extract_strided_slice %and3A_1374 {offsets = [1], sizes = [1], strides = [1]} : vector<16xi32> to vector<1xi32>
    %squeeze3A_1391 = vector.extract %slice3A_1390[0] : i32 from vector<1xi32>
    %sub3A_1392 = arith.constant 1 : i32
    %sub3A_1393 = arith.subi %squeeze3A_1391, %sub3A_1392 : i32
    %get3A_1394 = arith.constant 81 : i32
    %get3A_1395 = arith.index_cast %get3A_1394 : i32 to index
    %get3A_1396 = arith.index_cast %sub3A_1393 : i32 to index
    %get3A_1397 = tpu.vector_load %arg9[%get3A_1395, %get3A_1396] {strides = array<i32>} : memref<129x128xf32, #tpu.memory_space<vmem>>, vector<1x16xf32>,
    %get3A_1398 = vector.shape_cast %get3A_1397 : vector<1x16xf32> to vector<16xf32>
    %eq3A_1399 = arith.constant 1 : i32
    %eq3A_1400 = vector.broadcast %eq3A_1399 : i32 to vector<16xi32>
    %eq3A_1401 = arith.cmpi eq, %iota3A, %eq3A_1400 : vector<16xi32>
    %select_n3A_1402 = arith.select %eq3A_1401, %get3A_1398, %select_n3A_1389 : vector<16xi1>, vector<16xf32>
    %slice3A_1403 = vector.extract_strided_slice %and3A_1374 {offsets = [2], sizes = [1], strides = [1]} : vector<16xi32> to vector<1xi32>
    %squeeze3A_1404 = vector.extract %slice3A_1403[0] : i32 from vector<1xi32>
    %sub3A_1405 = arith.constant 2 : i32
    %sub3A_1406 = arith.subi %squeeze3A_1404, %sub3A_1405 : i32
    %get3A_1407 = arith.constant 82 : i32
    %get3A_1408 = arith.index_cast %get3A_1407 : i32 to index
    %get3A_1409 = arith.index_cast %sub3A_1406 : i32 to index
    %get3A_1410 = tpu.vector_load %arg9[%get3A_1408, %get3A_1409] {strides = array<i32>} : memref<129x128xf32, #tpu.memory_space<vmem>>, vector<1x16xf32>,
    %get3A_1411 = vector.shape_cast %get3A_1410 : vector<1x16xf32> to vector<16xf32>
    %eq3A_1412 = arith.constant 2 : i32
    %eq3A_1413 = vector.broadcast %eq3A_1412 : i32 to vector<16xi32>
    %eq3A_1414 = arith.cmpi eq, %iota3A, %eq3A_1413 : vector<16xi32>
    %select_n3A_1415 = arith.select %eq3A_1414, %get3A_1411, %select_n3A_1402 : vector<16xi1>, vector<16xf32>
    %slice3A_1416 = vector.extract_strided_slice %and3A_1374 {offsets = [3], sizes = [1], strides = [1]} : vector<16xi32> to vector<1xi32>
    %squeeze3A_1417 = vector.extract %slice3A_1416[0] : i32 from vector<1xi32>
    %sub3A_1418 = arith.constant 3 : i32
    %sub3A_1419 = arith.subi %squeeze3A_1417, %sub3A_1418 : i32
    %get3A_1420 = arith.constant 83 : i32
    %get3A_1421 = arith.index_cast %get3A_1420 : i32 to index
    %get3A_1422 = arith.index_cast %sub3A_1419 : i32 to index
    %get3A_1423 = tpu.vector_load %arg9[%get3A_1421, %get3A_1422] {strides = array<i32>} : memref<129x128xf32, #tpu.memory_space<vmem>>, vector<1x16xf32>,
    %get3A_1424 = vector.shape_cast %get3A_1423 : vector<1x16xf32> to vector<16xf32>
    %eq3A_1425 = arith.constant 3 : i32
    %eq3A_1426 = vector.broadcast %eq3A_1425 : i32 to vector<16xi32>
    %eq3A_1427 = arith.cmpi eq, %iota3A, %eq3A_1426 : vector<16xi32>
    %select_n3A_1428 = arith.select %eq3A_1427, %get3A_1424, %select_n3A_1415 : vector<16xi1>, vector<16xf32>
    %slice3A_1429 = vector.extract_strided_slice %and3A_1374 {offsets = [4], sizes = [1], strides = [1]} : vector<16xi32> to vector<1xi32>
    %squeeze3A_1430 = vector.extract %slice3A_1429[0] : i32 from vector<1xi32>
    %sub3A_1431 = arith.constant 4 : i32
    %sub3A_1432 = arith.subi %squeeze3A_1430, %sub3A_1431 : i32
    %get3A_1433 = arith.constant 84 : i32
    %get3A_1434 = arith.index_cast %get3A_1433 : i32 to index
    %get3A_1435 = arith.index_cast %sub3A_1432 : i32 to index
    %get3A_1436 = tpu.vector_load %arg9[%get3A_1434, %get3A_1435] {strides = array<i32>} : memref<129x128xf32, #tpu.memory_space<vmem>>, vector<1x16xf32>,
    %get3A_1437 = vector.shape_cast %get3A_1436 : vector<1x16xf32> to vector<16xf32>
    %eq3A_1438 = arith.constant 4 : i32
    %eq3A_1439 = vector.broadcast %eq3A_1438 : i32 to vector<16xi32>
    %eq3A_1440 = arith.cmpi eq, %iota3A, %eq3A_1439 : vector<16xi32>
    %select_n3A_1441 = arith.select %eq3A_1440, %get3A_1437, %select_n3A_1428 : vector<16xi1>, vector<16xf32>
    %slice3A_1442 = vector.extract_strided_slice %and3A_1374 {offsets = [5], sizes = [1], strides = [1]} : vector<16xi32> to vector<1xi32>
    %squeeze3A_1443 = vector.extract %slice3A_1442[0] : i32 from vector<1xi32>
    %sub3A_1444 = arith.constant 5 : i32
    %sub3A_1445 = arith.subi %squeeze3A_1443, %sub3A_1444 : i32
    %get3A_1446 = arith.constant 85 : i32
    %get3A_1447 = arith.index_cast %get3A_1446 : i32 to index
    %get3A_1448 = arith.index_cast %sub3A_1445 : i32 to index
    %get3A_1449 = tpu.vector_load %arg9[%get3A_1447, %get3A_1448] {strides = array<i32>} : memref<129x128xf32, #tpu.memory_space<vmem>>, vector<1x16xf32>,
    %get3A_1450 = vector.shape_cast %get3A_1449 : vector<1x16xf32> to vector<16xf32>
    %eq3A_1451 = arith.constant 5 : i32
    %eq3A_1452 = vector.broadcast %eq3A_1451 : i32 to vector<16xi32>
    %eq3A_1453 = arith.cmpi eq, %iota3A, %eq3A_1452 : vector<16xi32>
    %select_n3A_1454 = arith.select %eq3A_1453, %get3A_1450, %select_n3A_1441 : vector<16xi1>, vector<16xf32>
    %slice3A_1455 = vector.extract_strided_slice %and3A_1374 {offsets = [6], sizes = [1], strides = [1]} : vector<16xi32> to vector<1xi32>
    %squeeze3A_1456 = vector.extract %slice3A_1455[0] : i32 from vector<1xi32>
    %sub3A_1457 = arith.constant 6 : i32
    %sub3A_1458 = arith.subi %squeeze3A_1456, %sub3A_1457 : i32
    %get3A_1459 = arith.constant 86 : i32
    %get3A_1460 = arith.index_cast %get3A_1459 : i32 to index
    %get3A_1461 = arith.index_cast %sub3A_1458 : i32 to index
    %get3A_1462 = tpu.vector_load %arg9[%get3A_1460, %get3A_1461] {strides = array<i32>} : memref<129x128xf32, #tpu.memory_space<vmem>>, vector<1x16xf32>,
    %get3A_1463 = vector.shape_cast %get3A_1462 : vector<1x16xf32> to vector<16xf32>
    %eq3A_1464 = arith.constant 6 : i32
    %eq3A_1465 = vector.broadcast %eq3A_1464 : i32 to vector<16xi32>
    %eq3A_1466 = arith.cmpi eq, %iota3A, %eq3A_1465 : vector<16xi32>
    %select_n3A_1467 = arith.select %eq3A_1466, %get3A_1463, %select_n3A_1454 : vector<16xi1>, vector<16xf32>
    %slice3A_1468 = vector.extract_strided_slice %and3A_1374 {offsets = [7], sizes = [1], strides = [1]} : vector<16xi32> to vector<1xi32>
    %squeeze3A_1469 = vector.extract %slice3A_1468[0] : i32 from vector<1xi32>
    %sub3A_1470 = arith.constant 7 : i32
    %sub3A_1471 = arith.subi %squeeze3A_1469, %sub3A_1470 : i32
    %get3A_1472 = arith.constant 87 : i32
    %get3A_1473 = arith.index_cast %get3A_1472 : i32 to index
    %get3A_1474 = arith.index_cast %sub3A_1471 : i32 to index
    %get3A_1475 = tpu.vector_load %arg9[%get3A_1473, %get3A_1474] {strides = array<i32>} : memref<129x128xf32, #tpu.memory_space<vmem>>, vector<1x16xf32>,
    %get3A_1476 = vector.shape_cast %get3A_1475 : vector<1x16xf32> to vector<16xf32>
    %eq3A_1477 = arith.constant 7 : i32
    %eq3A_1478 = vector.broadcast %eq3A_1477 : i32 to vector<16xi32>
    %eq3A_1479 = arith.cmpi eq, %iota3A, %eq3A_1478 : vector<16xi32>
    %select_n3A_1480 = arith.select %eq3A_1479, %get3A_1476, %select_n3A_1467 : vector<16xi1>, vector<16xf32>
    %slice3A_1481 = vector.extract_strided_slice %and3A_1374 {offsets = [8], sizes = [1], strides = [1]} : vector<16xi32> to vector<1xi32>
    %squeeze3A_1482 = vector.extract %slice3A_1481[0] : i32 from vector<1xi32>
    %sub3A_1483 = arith.constant 8 : i32
    %sub3A_1484 = arith.subi %squeeze3A_1482, %sub3A_1483 : i32
    %get3A_1485 = arith.constant 88 : i32
    %get3A_1486 = arith.index_cast %get3A_1485 : i32 to index
    %get3A_1487 = arith.index_cast %sub3A_1484 : i32 to index
    %get3A_1488 = tpu.vector_load %arg9[%get3A_1486, %get3A_1487] {strides = array<i32>} : memref<129x128xf32, #tpu.memory_space<vmem>>, vector<1x16xf32>,
    %get3A_1489 = vector.shape_cast %get3A_1488 : vector<1x16xf32> to vector<16xf32>
    %eq3A_1490 = arith.constant 8 : i32
    %eq3A_1491 = vector.broadcast %eq3A_1490 : i32 to vector<16xi32>
    %eq3A_1492 = arith.cmpi eq, %iota3A, %eq3A_1491 : vector<16xi32>
    %select_n3A_1493 = arith.select %eq3A_1492, %get3A_1489, %select_n3A_1480 : vector<16xi1>, vector<16xf32>
    %slice3A_1494 = vector.extract_strided_slice %and3A_1374 {offsets = [9], sizes = [1], strides = [1]} : vector<16xi32> to vector<1xi32>
    %squeeze3A_1495 = vector.extract %slice3A_1494[0] : i32 from vector<1xi32>
    %sub3A_1496 = arith.constant 9 : i32
    %sub3A_1497 = arith.subi %squeeze3A_1495, %sub3A_1496 : i32
    %get3A_1498 = arith.constant 89 : i32
    %get3A_1499 = arith.index_cast %get3A_1498 : i32 to index
    %get3A_1500 = arith.index_cast %sub3A_1497 : i32 to index
    %get3A_1501 = tpu.vector_load %arg9[%get3A_1499, %get3A_1500] {strides = array<i32>} : memref<129x128xf32, #tpu.memory_space<vmem>>, vector<1x16xf32>,
    %get3A_1502 = vector.shape_cast %get3A_1501 : vector<1x16xf32> to vector<16xf32>
    %eq3A_1503 = arith.constant 9 : i32
    %eq3A_1504 = vector.broadcast %eq3A_1503 : i32 to vector<16xi32>
    %eq3A_1505 = arith.cmpi eq, %iota3A, %eq3A_1504 : vector<16xi32>
    %select_n3A_1506 = arith.select %eq3A_1505, %get3A_1502, %select_n3A_1493 : vector<16xi1>, vector<16xf32>
    %slice3A_1507 = vector.extract_strided_slice %and3A_1374 {offsets = [10], sizes = [1], strides = [1]} : vector<16xi32> to vector<1xi32>
    %squeeze3A_1508 = vector.extract %slice3A_1507[0] : i32 from vector<1xi32>
    %sub3A_1509 = arith.constant 10 : i32
    %sub3A_1510 = arith.subi %squeeze3A_1508, %sub3A_1509 : i32
    %get3A_1511 = arith.constant 90 : i32
    %get3A_1512 = arith.index_cast %get3A_1511 : i32 to index
    %get3A_1513 = arith.index_cast %sub3A_1510 : i32 to index
    %get3A_1514 = tpu.vector_load %arg9[%get3A_1512, %get3A_1513] {strides = array<i32>} : memref<129x128xf32, #tpu.memory_space<vmem>>, vector<1x16xf32>,
    %get3A_1515 = vector.shape_cast %get3A_1514 : vector<1x16xf32> to vector<16xf32>
    %eq3A_1516 = arith.constant 10 : i32
    %eq3A_1517 = vector.broadcast %eq3A_1516 : i32 to vector<16xi32>
    %eq3A_1518 = arith.cmpi eq, %iota3A, %eq3A_1517 : vector<16xi32>
    %select_n3A_1519 = arith.select %eq3A_1518, %get3A_1515, %select_n3A_1506 : vector<16xi1>, vector<16xf32>
    %slice3A_1520 = vector.extract_strided_slice %and3A_1374 {offsets = [11], sizes = [1], strides = [1]} : vector<16xi32> to vector<1xi32>
    %squeeze3A_1521 = vector.extract %slice3A_1520[0] : i32 from vector<1xi32>
    %sub3A_1522 = arith.constant 11 : i32
    %sub3A_1523 = arith.subi %squeeze3A_1521, %sub3A_1522 : i32
    %get3A_1524 = arith.constant 91 : i32
    %get3A_1525 = arith.index_cast %get3A_1524 : i32 to index
    %get3A_1526 = arith.index_cast %sub3A_1523 : i32 to index
    %get3A_1527 = tpu.vector_load %arg9[%get3A_1525, %get3A_1526] {strides = array<i32>} : memref<129x128xf32, #tpu.memory_space<vmem>>, vector<1x16xf32>,
    %get3A_1528 = vector.shape_cast %get3A_1527 : vector<1x16xf32> to vector<16xf32>
    %eq3A_1529 = arith.constant 11 : i32
    %eq3A_1530 = vector.broadcast %eq3A_1529 : i32 to vector<16xi32>
    %eq3A_1531 = arith.cmpi eq, %iota3A, %eq3A_1530 : vector<16xi32>
    %select_n3A_1532 = arith.select %eq3A_1531, %get3A_1528, %select_n3A_1519 : vector<16xi1>, vector<16xf32>
    %slice3A_1533 = vector.extract_strided_slice %and3A_1374 {offsets = [12], sizes = [1], strides = [1]} : vector<16xi32> to vector<1xi32>
    %squeeze3A_1534 = vector.extract %slice3A_1533[0] : i32 from vector<1xi32>
    %sub3A_1535 = arith.constant 12 : i32
    %sub3A_1536 = arith.subi %squeeze3A_1534, %sub3A_1535 : i32
    %get3A_1537 = arith.constant 92 : i32
    %get3A_1538 = arith.index_cast %get3A_1537 : i32 to index
    %get3A_1539 = arith.index_cast %sub3A_1536 : i32 to index
    %get3A_1540 = tpu.vector_load %arg9[%get3A_1538, %get3A_1539] {strides = array<i32>} : memref<129x128xf32, #tpu.memory_space<vmem>>, vector<1x16xf32>,
    %get3A_1541 = vector.shape_cast %get3A_1540 : vector<1x16xf32> to vector<16xf32>
    %eq3A_1542 = arith.constant 12 : i32
    %eq3A_1543 = vector.broadcast %eq3A_1542 : i32 to vector<16xi32>
    %eq3A_1544 = arith.cmpi eq, %iota3A, %eq3A_1543 : vector<16xi32>
    %select_n3A_1545 = arith.select %eq3A_1544, %get3A_1541, %select_n3A_1532 : vector<16xi1>, vector<16xf32>
    %slice3A_1546 = vector.extract_strided_slice %and3A_1374 {offsets = [13], sizes = [1], strides = [1]} : vector<16xi32> to vector<1xi32>
    %squeeze3A_1547 = vector.extract %slice3A_1546[0] : i32 from vector<1xi32>
    %sub3A_1548 = arith.constant 13 : i32
    %sub3A_1549 = arith.subi %squeeze3A_1547, %sub3A_1548 : i32
    %get3A_1550 = arith.constant 93 : i32
    %get3A_1551 = arith.index_cast %get3A_1550 : i32 to index
    %get3A_1552 = arith.index_cast %sub3A_1549 : i32 to index
    %get3A_1553 = tpu.vector_load %arg9[%get3A_1551, %get3A_1552] {strides = array<i32>} : memref<129x128xf32, #tpu.memory_space<vmem>>, vector<1x16xf32>,
    %get3A_1554 = vector.shape_cast %get3A_1553 : vector<1x16xf32> to vector<16xf32>
    %eq3A_1555 = arith.constant 13 : i32
    %eq3A_1556 = vector.broadcast %eq3A_1555 : i32 to vector<16xi32>
    %eq3A_1557 = arith.cmpi eq, %iota3A, %eq3A_1556 : vector<16xi32>
    %select_n3A_1558 = arith.select %eq3A_1557, %get3A_1554, %select_n3A_1545 : vector<16xi1>, vector<16xf32>
    %slice3A_1559 = vector.extract_strided_slice %and3A_1374 {offsets = [14], sizes = [1], strides = [1]} : vector<16xi32> to vector<1xi32>
    %squeeze3A_1560 = vector.extract %slice3A_1559[0] : i32 from vector<1xi32>
    %sub3A_1561 = arith.constant 14 : i32
    %sub3A_1562 = arith.subi %squeeze3A_1560, %sub3A_1561 : i32
    %get3A_1563 = arith.constant 94 : i32
    %get3A_1564 = arith.index_cast %get3A_1563 : i32 to index
    %get3A_1565 = arith.index_cast %sub3A_1562 : i32 to index
    %get3A_1566 = tpu.vector_load %arg9[%get3A_1564, %get3A_1565] {strides = array<i32>} : memref<129x128xf32, #tpu.memory_space<vmem>>, vector<1x16xf32>,
    %get3A_1567 = vector.shape_cast %get3A_1566 : vector<1x16xf32> to vector<16xf32>
    %eq3A_1568 = arith.constant 14 : i32
    %eq3A_1569 = vector.broadcast %eq3A_1568 : i32 to vector<16xi32>
    %eq3A_1570 = arith.cmpi eq, %iota3A, %eq3A_1569 : vector<16xi32>
    %select_n3A_1571 = arith.select %eq3A_1570, %get3A_1567, %select_n3A_1558 : vector<16xi1>, vector<16xf32>
    %slice3A_1572 = vector.extract_strided_slice %and3A_1374 {offsets = [15], sizes = [1], strides = [1]} : vector<16xi32> to vector<1xi32>
    %squeeze3A_1573 = vector.extract %slice3A_1572[0] : i32 from vector<1xi32>
    %sub3A_1574 = arith.constant 15 : i32
    %sub3A_1575 = arith.subi %squeeze3A_1573, %sub3A_1574 : i32
    %get3A_1576 = arith.constant 95 : i32
    %get3A_1577 = arith.index_cast %get3A_1576 : i32 to index
    %get3A_1578 = arith.index_cast %sub3A_1575 : i32 to index
    %get3A_1579 = tpu.vector_load %arg9[%get3A_1577, %get3A_1578] {strides = array<i32>} : memref<129x128xf32, #tpu.memory_space<vmem>>, vector<1x16xf32>,
    %get3A_1580 = vector.shape_cast %get3A_1579 : vector<1x16xf32> to vector<16xf32>
    %eq3A_1581 = arith.constant 15 : i32
    %eq3A_1582 = vector.broadcast %eq3A_1581 : i32 to vector<16xi32>
    %eq3A_1583 = arith.cmpi eq, %iota3A, %eq3A_1582 : vector<16xi32>
    %select_n3A_1584 = arith.select %eq3A_1583, %get3A_1580, %select_n3A_1571 : vector<16xi1>, vector<16xf32>
    %get3A_1585 = arith.index_cast %and3A_1 : i32 to index
    %get3A_1586 = arith.constant 80 : index
    %get3A_1587 = tpu.vector_load %arg7[%get3A_1585, %get3A_1586] {strides = array<i32>} : memref<8x128xf32, #tpu.memory_space<vmem>>, vector<1x16xf32>,
    %get3A_1588 = vector.shape_cast %get3A_1587 : vector<1x16xf32> to vector<16xf32>
    %mul3A_1589 = arith.mulf %select_n3A_1584, %get3A_1588 : vector<16xf32>
    %add3A_1590 = arith.addf %add3A_1366, %mul3A_1589 : vector<16xf32>
    %add3A_1591 = arith.addf %add3A_1367, %get3A_1588 : vector<16xf32>
    %get3A_1592 = arith.index_cast %and3A_1 : i32 to index
    %get3A_1593 = arith.constant 96 : index
    %get3A_1594 = tpu.vector_load %arg6[%get3A_1592, %get3A_1593] {strides = array<i32>} : memref<8x128xi32, #tpu.memory_space<vmem>>, vector<1x16xi32>,
    %get3A_1595 = vector.shape_cast %get3A_1594 : vector<1x16xi32> to vector<16xi32>
    %and3A_1596 = arith.constant 127 : i32
    %and3A_1597 = vector.broadcast %and3A_1596 : i32 to vector<16xi32>
    %and3A_1598 = arith.andi %get3A_1595, %and3A_1597 : vector<16xi32>
    %broadcast_in_dim3A_1599 = arith.constant 0.000000e+00 : f32
    %broadcast_in_dim3A_1600 = vector.broadcast %broadcast_in_dim3A_1599 : f32 to vector<16xf32>
    %slice3A_1601 = vector.extract_strided_slice %and3A_1598 {offsets = [0], sizes = [1], strides = [1]} : vector<16xi32> to vector<1xi32>
    %squeeze3A_1602 = vector.extract %slice3A_1601[0] : i32 from vector<1xi32>
    %sub3A_1603 = arith.constant 0 : i32
    %sub3A_1604 = arith.subi %squeeze3A_1602, %sub3A_1603 : i32
    %get3A_1605 = arith.constant 96 : i32
    %get3A_1606 = arith.index_cast %get3A_1605 : i32 to index
    %get3A_1607 = arith.index_cast %sub3A_1604 : i32 to index
    %get3A_1608 = tpu.vector_load %arg9[%get3A_1606, %get3A_1607] {strides = array<i32>} : memref<129x128xf32, #tpu.memory_space<vmem>>, vector<1x16xf32>,
    %get3A_1609 = vector.shape_cast %get3A_1608 : vector<1x16xf32> to vector<16xf32>
    %eq3A_1610 = arith.constant 0 : i32
    %eq3A_1611 = vector.broadcast %eq3A_1610 : i32 to vector<16xi32>
    %eq3A_1612 = arith.cmpi eq, %iota3A, %eq3A_1611 : vector<16xi32>
    %select_n3A_1613 = arith.select %eq3A_1612, %get3A_1609, %broadcast_in_dim3A_1600 : vector<16xi1>, vector<16xf32>
    %slice3A_1614 = vector.extract_strided_slice %and3A_1598 {offsets = [1], sizes = [1], strides = [1]} : vector<16xi32> to vector<1xi32>
    %squeeze3A_1615 = vector.extract %slice3A_1614[0] : i32 from vector<1xi32>
    %sub3A_1616 = arith.constant 1 : i32
    %sub3A_1617 = arith.subi %squeeze3A_1615, %sub3A_1616 : i32
    %get3A_1618 = arith.constant 97 : i32
    %get3A_1619 = arith.index_cast %get3A_1618 : i32 to index
    %get3A_1620 = arith.index_cast %sub3A_1617 : i32 to index
    %get3A_1621 = tpu.vector_load %arg9[%get3A_1619, %get3A_1620] {strides = array<i32>} : memref<129x128xf32, #tpu.memory_space<vmem>>, vector<1x16xf32>,
    %get3A_1622 = vector.shape_cast %get3A_1621 : vector<1x16xf32> to vector<16xf32>
    %eq3A_1623 = arith.constant 1 : i32
    %eq3A_1624 = vector.broadcast %eq3A_1623 : i32 to vector<16xi32>
    %eq3A_1625 = arith.cmpi eq, %iota3A, %eq3A_1624 : vector<16xi32>
    %select_n3A_1626 = arith.select %eq3A_1625, %get3A_1622, %select_n3A_1613 : vector<16xi1>, vector<16xf32>
    %slice3A_1627 = vector.extract_strided_slice %and3A_1598 {offsets = [2], sizes = [1], strides = [1]} : vector<16xi32> to vector<1xi32>
    %squeeze3A_1628 = vector.extract %slice3A_1627[0] : i32 from vector<1xi32>
    %sub3A_1629 = arith.constant 2 : i32
    %sub3A_1630 = arith.subi %squeeze3A_1628, %sub3A_1629 : i32
    %get3A_1631 = arith.constant 98 : i32
    %get3A_1632 = arith.index_cast %get3A_1631 : i32 to index
    %get3A_1633 = arith.index_cast %sub3A_1630 : i32 to index
    %get3A_1634 = tpu.vector_load %arg9[%get3A_1632, %get3A_1633] {strides = array<i32>} : memref<129x128xf32, #tpu.memory_space<vmem>>, vector<1x16xf32>,
    %get3A_1635 = vector.shape_cast %get3A_1634 : vector<1x16xf32> to vector<16xf32>
    %eq3A_1636 = arith.constant 2 : i32
    %eq3A_1637 = vector.broadcast %eq3A_1636 : i32 to vector<16xi32>
    %eq3A_1638 = arith.cmpi eq, %iota3A, %eq3A_1637 : vector<16xi32>
    %select_n3A_1639 = arith.select %eq3A_1638, %get3A_1635, %select_n3A_1626 : vector<16xi1>, vector<16xf32>
    %slice3A_1640 = vector.extract_strided_slice %and3A_1598 {offsets = [3], sizes = [1], strides = [1]} : vector<16xi32> to vector<1xi32>
    %squeeze3A_1641 = vector.extract %slice3A_1640[0] : i32 from vector<1xi32>
    %sub3A_1642 = arith.constant 3 : i32
    %sub3A_1643 = arith.subi %squeeze3A_1641, %sub3A_1642 : i32
    %get3A_1644 = arith.constant 99 : i32
    %get3A_1645 = arith.index_cast %get3A_1644 : i32 to index
    %get3A_1646 = arith.index_cast %sub3A_1643 : i32 to index
    %get3A_1647 = tpu.vector_load %arg9[%get3A_1645, %get3A_1646] {strides = array<i32>} : memref<129x128xf32, #tpu.memory_space<vmem>>, vector<1x16xf32>,
    %get3A_1648 = vector.shape_cast %get3A_1647 : vector<1x16xf32> to vector<16xf32>
    %eq3A_1649 = arith.constant 3 : i32
    %eq3A_1650 = vector.broadcast %eq3A_1649 : i32 to vector<16xi32>
    %eq3A_1651 = arith.cmpi eq, %iota3A, %eq3A_1650 : vector<16xi32>
    %select_n3A_1652 = arith.select %eq3A_1651, %get3A_1648, %select_n3A_1639 : vector<16xi1>, vector<16xf32>
    %slice3A_1653 = vector.extract_strided_slice %and3A_1598 {offsets = [4], sizes = [1], strides = [1]} : vector<16xi32> to vector<1xi32>
    %squeeze3A_1654 = vector.extract %slice3A_1653[0] : i32 from vector<1xi32>
    %sub3A_1655 = arith.constant 4 : i32
    %sub3A_1656 = arith.subi %squeeze3A_1654, %sub3A_1655 : i32
    %get3A_1657 = arith.constant 100 : i32
    %get3A_1658 = arith.index_cast %get3A_1657 : i32 to index
    %get3A_1659 = arith.index_cast %sub3A_1656 : i32 to index
    %get3A_1660 = tpu.vector_load %arg9[%get3A_1658, %get3A_1659] {strides = array<i32>} : memref<129x128xf32, #tpu.memory_space<vmem>>, vector<1x16xf32>,
    %get3A_1661 = vector.shape_cast %get3A_1660 : vector<1x16xf32> to vector<16xf32>
    %eq3A_1662 = arith.constant 4 : i32
    %eq3A_1663 = vector.broadcast %eq3A_1662 : i32 to vector<16xi32>
    %eq3A_1664 = arith.cmpi eq, %iota3A, %eq3A_1663 : vector<16xi32>
    %select_n3A_1665 = arith.select %eq3A_1664, %get3A_1661, %select_n3A_1652 : vector<16xi1>, vector<16xf32>
    %slice3A_1666 = vector.extract_strided_slice %and3A_1598 {offsets = [5], sizes = [1], strides = [1]} : vector<16xi32> to vector<1xi32>
    %squeeze3A_1667 = vector.extract %slice3A_1666[0] : i32 from vector<1xi32>
    %sub3A_1668 = arith.constant 5 : i32
    %sub3A_1669 = arith.subi %squeeze3A_1667, %sub3A_1668 : i32
    %get3A_1670 = arith.constant 101 : i32
    %get3A_1671 = arith.index_cast %get3A_1670 : i32 to index
    %get3A_1672 = arith.index_cast %sub3A_1669 : i32 to index
    %get3A_1673 = tpu.vector_load %arg9[%get3A_1671, %get3A_1672] {strides = array<i32>} : memref<129x128xf32, #tpu.memory_space<vmem>>, vector<1x16xf32>,
    %get3A_1674 = vector.shape_cast %get3A_1673 : vector<1x16xf32> to vector<16xf32>
    %eq3A_1675 = arith.constant 5 : i32
    %eq3A_1676 = vector.broadcast %eq3A_1675 : i32 to vector<16xi32>
    %eq3A_1677 = arith.cmpi eq, %iota3A, %eq3A_1676 : vector<16xi32>
    %select_n3A_1678 = arith.select %eq3A_1677, %get3A_1674, %select_n3A_1665 : vector<16xi1>, vector<16xf32>
    %slice3A_1679 = vector.extract_strided_slice %and3A_1598 {offsets = [6], sizes = [1], strides = [1]} : vector<16xi32> to vector<1xi32>
    %squeeze3A_1680 = vector.extract %slice3A_1679[0] : i32 from vector<1xi32>
    %sub3A_1681 = arith.constant 6 : i32
    %sub3A_1682 = arith.subi %squeeze3A_1680, %sub3A_1681 : i32
    %get3A_1683 = arith.constant 102 : i32
    %get3A_1684 = arith.index_cast %get3A_1683 : i32 to index
    %get3A_1685 = arith.index_cast %sub3A_1682 : i32 to index
    %get3A_1686 = tpu.vector_load %arg9[%get3A_1684, %get3A_1685] {strides = array<i32>} : memref<129x128xf32, #tpu.memory_space<vmem>>, vector<1x16xf32>,
    %get3A_1687 = vector.shape_cast %get3A_1686 : vector<1x16xf32> to vector<16xf32>
    %eq3A_1688 = arith.constant 6 : i32
    %eq3A_1689 = vector.broadcast %eq3A_1688 : i32 to vector<16xi32>
    %eq3A_1690 = arith.cmpi eq, %iota3A, %eq3A_1689 : vector<16xi32>
    %select_n3A_1691 = arith.select %eq3A_1690, %get3A_1687, %select_n3A_1678 : vector<16xi1>, vector<16xf32>
    %slice3A_1692 = vector.extract_strided_slice %and3A_1598 {offsets = [7], sizes = [1], strides = [1]} : vector<16xi32> to vector<1xi32>
    %squeeze3A_1693 = vector.extract %slice3A_1692[0] : i32 from vector<1xi32>
    %sub3A_1694 = arith.constant 7 : i32
    %sub3A_1695 = arith.subi %squeeze3A_1693, %sub3A_1694 : i32
    %get3A_1696 = arith.constant 103 : i32
    %get3A_1697 = arith.index_cast %get3A_1696 : i32 to index
    %get3A_1698 = arith.index_cast %sub3A_1695 : i32 to index
    %get3A_1699 = tpu.vector_load %arg9[%get3A_1697, %get3A_1698] {strides = array<i32>} : memref<129x128xf32, #tpu.memory_space<vmem>>, vector<1x16xf32>,
    %get3A_1700 = vector.shape_cast %get3A_1699 : vector<1x16xf32> to vector<16xf32>
    %eq3A_1701 = arith.constant 7 : i32
    %eq3A_1702 = vector.broadcast %eq3A_1701 : i32 to vector<16xi32>
    %eq3A_1703 = arith.cmpi eq, %iota3A, %eq3A_1702 : vector<16xi32>
    %select_n3A_1704 = arith.select %eq3A_1703, %get3A_1700, %select_n3A_1691 : vector<16xi1>, vector<16xf32>
    %slice3A_1705 = vector.extract_strided_slice %and3A_1598 {offsets = [8], sizes = [1], strides = [1]} : vector<16xi32> to vector<1xi32>
    %squeeze3A_1706 = vector.extract %slice3A_1705[0] : i32 from vector<1xi32>
    %sub3A_1707 = arith.constant 8 : i32
    %sub3A_1708 = arith.subi %squeeze3A_1706, %sub3A_1707 : i32
    %get3A_1709 = arith.constant 104 : i32
    %get3A_1710 = arith.index_cast %get3A_1709 : i32 to index
    %get3A_1711 = arith.index_cast %sub3A_1708 : i32 to index
    %get3A_1712 = tpu.vector_load %arg9[%get3A_1710, %get3A_1711] {strides = array<i32>} : memref<129x128xf32, #tpu.memory_space<vmem>>, vector<1x16xf32>,
    %get3A_1713 = vector.shape_cast %get3A_1712 : vector<1x16xf32> to vector<16xf32>
    %eq3A_1714 = arith.constant 8 : i32
    %eq3A_1715 = vector.broadcast %eq3A_1714 : i32 to vector<16xi32>
    %eq3A_1716 = arith.cmpi eq, %iota3A, %eq3A_1715 : vector<16xi32>
    %select_n3A_1717 = arith.select %eq3A_1716, %get3A_1713, %select_n3A_1704 : vector<16xi1>, vector<16xf32>
    %slice3A_1718 = vector.extract_strided_slice %and3A_1598 {offsets = [9], sizes = [1], strides = [1]} : vector<16xi32> to vector<1xi32>
    %squeeze3A_1719 = vector.extract %slice3A_1718[0] : i32 from vector<1xi32>
    %sub3A_1720 = arith.constant 9 : i32
    %sub3A_1721 = arith.subi %squeeze3A_1719, %sub3A_1720 : i32
    %get3A_1722 = arith.constant 105 : i32
    %get3A_1723 = arith.index_cast %get3A_1722 : i32 to index
    %get3A_1724 = arith.index_cast %sub3A_1721 : i32 to index
    %get3A_1725 = tpu.vector_load %arg9[%get3A_1723, %get3A_1724] {strides = array<i32>} : memref<129x128xf32, #tpu.memory_space<vmem>>, vector<1x16xf32>,
    %get3A_1726 = vector.shape_cast %get3A_1725 : vector<1x16xf32> to vector<16xf32>
    %eq3A_1727 = arith.constant 9 : i32
    %eq3A_1728 = vector.broadcast %eq3A_1727 : i32 to vector<16xi32>
    %eq3A_1729 = arith.cmpi eq, %iota3A, %eq3A_1728 : vector<16xi32>
    %select_n3A_1730 = arith.select %eq3A_1729, %get3A_1726, %select_n3A_1717 : vector<16xi1>, vector<16xf32>
    %slice3A_1731 = vector.extract_strided_slice %and3A_1598 {offsets = [10], sizes = [1], strides = [1]} : vector<16xi32> to vector<1xi32>
    %squeeze3A_1732 = vector.extract %slice3A_1731[0] : i32 from vector<1xi32>
    %sub3A_1733 = arith.constant 10 : i32
    %sub3A_1734 = arith.subi %squeeze3A_1732, %sub3A_1733 : i32
    %get3A_1735 = arith.constant 106 : i32
    %get3A_1736 = arith.index_cast %get3A_1735 : i32 to index
    %get3A_1737 = arith.index_cast %sub3A_1734 : i32 to index
    %get3A_1738 = tpu.vector_load %arg9[%get3A_1736, %get3A_1737] {strides = array<i32>} : memref<129x128xf32, #tpu.memory_space<vmem>>, vector<1x16xf32>,
    %get3A_1739 = vector.shape_cast %get3A_1738 : vector<1x16xf32> to vector<16xf32>
    %eq3A_1740 = arith.constant 10 : i32
    %eq3A_1741 = vector.broadcast %eq3A_1740 : i32 to vector<16xi32>
    %eq3A_1742 = arith.cmpi eq, %iota3A, %eq3A_1741 : vector<16xi32>
    %select_n3A_1743 = arith.select %eq3A_1742, %get3A_1739, %select_n3A_1730 : vector<16xi1>, vector<16xf32>
    %slice3A_1744 = vector.extract_strided_slice %and3A_1598 {offsets = [11], sizes = [1], strides = [1]} : vector<16xi32> to vector<1xi32>
    %squeeze3A_1745 = vector.extract %slice3A_1744[0] : i32 from vector<1xi32>
    %sub3A_1746 = arith.constant 11 : i32
    %sub3A_1747 = arith.subi %squeeze3A_1745, %sub3A_1746 : i32
    %get3A_1748 = arith.constant 107 : i32
    %get3A_1749 = arith.index_cast %get3A_1748 : i32 to index
    %get3A_1750 = arith.index_cast %sub3A_1747 : i32 to index
    %get3A_1751 = tpu.vector_load %arg9[%get3A_1749, %get3A_1750] {strides = array<i32>} : memref<129x128xf32, #tpu.memory_space<vmem>>, vector<1x16xf32>,
    %get3A_1752 = vector.shape_cast %get3A_1751 : vector<1x16xf32> to vector<16xf32>
    %eq3A_1753 = arith.constant 11 : i32
    %eq3A_1754 = vector.broadcast %eq3A_1753 : i32 to vector<16xi32>
    %eq3A_1755 = arith.cmpi eq, %iota3A, %eq3A_1754 : vector<16xi32>
    %select_n3A_1756 = arith.select %eq3A_1755, %get3A_1752, %select_n3A_1743 : vector<16xi1>, vector<16xf32>
    %slice3A_1757 = vector.extract_strided_slice %and3A_1598 {offsets = [12], sizes = [1], strides = [1]} : vector<16xi32> to vector<1xi32>
    %squeeze3A_1758 = vector.extract %slice3A_1757[0] : i32 from vector<1xi32>
    %sub3A_1759 = arith.constant 12 : i32
    %sub3A_1760 = arith.subi %squeeze3A_1758, %sub3A_1759 : i32
    %get3A_1761 = arith.constant 108 : i32
    %get3A_1762 = arith.index_cast %get3A_1761 : i32 to index
    %get3A_1763 = arith.index_cast %sub3A_1760 : i32 to index
    %get3A_1764 = tpu.vector_load %arg9[%get3A_1762, %get3A_1763] {strides = array<i32>} : memref<129x128xf32, #tpu.memory_space<vmem>>, vector<1x16xf32>,
    %get3A_1765 = vector.shape_cast %get3A_1764 : vector<1x16xf32> to vector<16xf32>
    %eq3A_1766 = arith.constant 12 : i32
    %eq3A_1767 = vector.broadcast %eq3A_1766 : i32 to vector<16xi32>
    %eq3A_1768 = arith.cmpi eq, %iota3A, %eq3A_1767 : vector<16xi32>
    %select_n3A_1769 = arith.select %eq3A_1768, %get3A_1765, %select_n3A_1756 : vector<16xi1>, vector<16xf32>
    %slice3A_1770 = vector.extract_strided_slice %and3A_1598 {offsets = [13], sizes = [1], strides = [1]} : vector<16xi32> to vector<1xi32>
    %squeeze3A_1771 = vector.extract %slice3A_1770[0] : i32 from vector<1xi32>
    %sub3A_1772 = arith.constant 13 : i32
    %sub3A_1773 = arith.subi %squeeze3A_1771, %sub3A_1772 : i32
    %get3A_1774 = arith.constant 109 : i32
    %get3A_1775 = arith.index_cast %get3A_1774 : i32 to index
    %get3A_1776 = arith.index_cast %sub3A_1773 : i32 to index
    %get3A_1777 = tpu.vector_load %arg9[%get3A_1775, %get3A_1776] {strides = array<i32>} : memref<129x128xf32, #tpu.memory_space<vmem>>, vector<1x16xf32>,
    %get3A_1778 = vector.shape_cast %get3A_1777 : vector<1x16xf32> to vector<16xf32>
    %eq3A_1779 = arith.constant 13 : i32
    %eq3A_1780 = vector.broadcast %eq3A_1779 : i32 to vector<16xi32>
    %eq3A_1781 = arith.cmpi eq, %iota3A, %eq3A_1780 : vector<16xi32>
    %select_n3A_1782 = arith.select %eq3A_1781, %get3A_1778, %select_n3A_1769 : vector<16xi1>, vector<16xf32>
    %slice3A_1783 = vector.extract_strided_slice %and3A_1598 {offsets = [14], sizes = [1], strides = [1]} : vector<16xi32> to vector<1xi32>
    %squeeze3A_1784 = vector.extract %slice3A_1783[0] : i32 from vector<1xi32>
    %sub3A_1785 = arith.constant 14 : i32
    %sub3A_1786 = arith.subi %squeeze3A_1784, %sub3A_1785 : i32
    %get3A_1787 = arith.constant 110 : i32
    %get3A_1788 = arith.index_cast %get3A_1787 : i32 to index
    %get3A_1789 = arith.index_cast %sub3A_1786 : i32 to index
    %get3A_1790 = tpu.vector_load %arg9[%get3A_1788, %get3A_1789] {strides = array<i32>} : memref<129x128xf32, #tpu.memory_space<vmem>>, vector<1x16xf32>,
    %get3A_1791 = vector.shape_cast %get3A_1790 : vector<1x16xf32> to vector<16xf32>
    %eq3A_1792 = arith.constant 14 : i32
    %eq3A_1793 = vector.broadcast %eq3A_1792 : i32 to vector<16xi32>
    %eq3A_1794 = arith.cmpi eq, %iota3A, %eq3A_1793 : vector<16xi32>
    %select_n3A_1795 = arith.select %eq3A_1794, %get3A_1791, %select_n3A_1782 : vector<16xi1>, vector<16xf32>
    %slice3A_1796 = vector.extract_strided_slice %and3A_1598 {offsets = [15], sizes = [1], strides = [1]} : vector<16xi32> to vector<1xi32>
    %squeeze3A_1797 = vector.extract %slice3A_1796[0] : i32 from vector<1xi32>
    %sub3A_1798 = arith.constant 15 : i32
    %sub3A_1799 = arith.subi %squeeze3A_1797, %sub3A_1798 : i32
    %get3A_1800 = arith.constant 111 : i32
    %get3A_1801 = arith.index_cast %get3A_1800 : i32 to index
    %get3A_1802 = arith.index_cast %sub3A_1799 : i32 to index
    %get3A_1803 = tpu.vector_load %arg9[%get3A_1801, %get3A_1802] {strides = array<i32>} : memref<129x128xf32, #tpu.memory_space<vmem>>, vector<1x16xf32>,
    %get3A_1804 = vector.shape_cast %get3A_1803 : vector<1x16xf32> to vector<16xf32>
    %eq3A_1805 = arith.constant 15 : i32
    %eq3A_1806 = vector.broadcast %eq3A_1805 : i32 to vector<16xi32>
    %eq3A_1807 = arith.cmpi eq, %iota3A, %eq3A_1806 : vector<16xi32>
    %select_n3A_1808 = arith.select %eq3A_1807, %get3A_1804, %select_n3A_1795 : vector<16xi1>, vector<16xf32>
    %get3A_1809 = arith.index_cast %and3A_1 : i32 to index
    %get3A_1810 = arith.constant 96 : index
    %get3A_1811 = tpu.vector_load %arg7[%get3A_1809, %get3A_1810] {strides = array<i32>} : memref<8x128xf32, #tpu.memory_space<vmem>>, vector<1x16xf32>,
    %get3A_1812 = vector.shape_cast %get3A_1811 : vector<1x16xf32> to vector<16xf32>
    %mul3A_1813 = arith.mulf %select_n3A_1808, %get3A_1812 : vector<16xf32>
    %add3A_1814 = arith.addf %add3A_1590, %mul3A_1813 : vector<16xf32>
    %add3A_1815 = arith.addf %add3A_1591, %get3A_1812 : vector<16xf32>
    %get3A_1816 = arith.index_cast %and3A_1 : i32 to index
    %get3A_1817 = arith.constant 112 : index
    %get3A_1818 = tpu.vector_load %arg6[%get3A_1816, %get3A_1817] {strides = array<i32>} : memref<8x128xi32, #tpu.memory_space<vmem>>, vector<1x16xi32>,
    %get3A_1819 = vector.shape_cast %get3A_1818 : vector<1x16xi32> to vector<16xi32>
    %and3A_1820 = arith.constant 127 : i32
    %and3A_1821 = vector.broadcast %and3A_1820 : i32 to vector<16xi32>
    %and3A_1822 = arith.andi %get3A_1819, %and3A_1821 : vector<16xi32>
    %broadcast_in_dim3A_1823 = arith.constant 0.000000e+00 : f32
    %broadcast_in_dim3A_1824 = vector.broadcast %broadcast_in_dim3A_1823 : f32 to vector<16xf32>
    %slice3A_1825 = vector.extract_strided_slice %and3A_1822 {offsets = [0], sizes = [1], strides = [1]} : vector<16xi32> to vector<1xi32>
    %squeeze3A_1826 = vector.extract %slice3A_1825[0] : i32 from vector<1xi32>
    %sub3A_1827 = arith.constant 0 : i32
    %sub3A_1828 = arith.subi %squeeze3A_1826, %sub3A_1827 : i32
    %get3A_1829 = arith.constant 112 : i32
    %get3A_1830 = arith.index_cast %get3A_1829 : i32 to index
    %get3A_1831 = arith.index_cast %sub3A_1828 : i32 to index
    %get3A_1832 = tpu.vector_load %arg9[%get3A_1830, %get3A_1831] {strides = array<i32>} : memref<129x128xf32, #tpu.memory_space<vmem>>, vector<1x16xf32>,
    %get3A_1833 = vector.shape_cast %get3A_1832 : vector<1x16xf32> to vector<16xf32>
    %eq3A_1834 = arith.constant 0 : i32
    %eq3A_1835 = vector.broadcast %eq3A_1834 : i32 to vector<16xi32>
    %eq3A_1836 = arith.cmpi eq, %iota3A, %eq3A_1835 : vector<16xi32>
    %select_n3A_1837 = arith.select %eq3A_1836, %get3A_1833, %broadcast_in_dim3A_1824 : vector<16xi1>, vector<16xf32>
    %slice3A_1838 = vector.extract_strided_slice %and3A_1822 {offsets = [1], sizes = [1], strides = [1]} : vector<16xi32> to vector<1xi32>
    %squeeze3A_1839 = vector.extract %slice3A_1838[0] : i32 from vector<1xi32>
    %sub3A_1840 = arith.constant 1 : i32
    %sub3A_1841 = arith.subi %squeeze3A_1839, %sub3A_1840 : i32
    %get3A_1842 = arith.constant 113 : i32
    %get3A_1843 = arith.index_cast %get3A_1842 : i32 to index
    %get3A_1844 = arith.index_cast %sub3A_1841 : i32 to index
    %get3A_1845 = tpu.vector_load %arg9[%get3A_1843, %get3A_1844] {strides = array<i32>} : memref<129x128xf32, #tpu.memory_space<vmem>>, vector<1x16xf32>,
    %get3A_1846 = vector.shape_cast %get3A_1845 : vector<1x16xf32> to vector<16xf32>
    %eq3A_1847 = arith.constant 1 : i32
    %eq3A_1848 = vector.broadcast %eq3A_1847 : i32 to vector<16xi32>
    %eq3A_1849 = arith.cmpi eq, %iota3A, %eq3A_1848 : vector<16xi32>
    %select_n3A_1850 = arith.select %eq3A_1849, %get3A_1846, %select_n3A_1837 : vector<16xi1>, vector<16xf32>
    %slice3A_1851 = vector.extract_strided_slice %and3A_1822 {offsets = [2], sizes = [1], strides = [1]} : vector<16xi32> to vector<1xi32>
    %squeeze3A_1852 = vector.extract %slice3A_1851[0] : i32 from vector<1xi32>
    %sub3A_1853 = arith.constant 2 : i32
    %sub3A_1854 = arith.subi %squeeze3A_1852, %sub3A_1853 : i32
    %get3A_1855 = arith.constant 114 : i32
    %get3A_1856 = arith.index_cast %get3A_1855 : i32 to index
    %get3A_1857 = arith.index_cast %sub3A_1854 : i32 to index
    %get3A_1858 = tpu.vector_load %arg9[%get3A_1856, %get3A_1857] {strides = array<i32>} : memref<129x128xf32, #tpu.memory_space<vmem>>, vector<1x16xf32>,
    %get3A_1859 = vector.shape_cast %get3A_1858 : vector<1x16xf32> to vector<16xf32>
    %eq3A_1860 = arith.constant 2 : i32
    %eq3A_1861 = vector.broadcast %eq3A_1860 : i32 to vector<16xi32>
    %eq3A_1862 = arith.cmpi eq, %iota3A, %eq3A_1861 : vector<16xi32>
    %select_n3A_1863 = arith.select %eq3A_1862, %get3A_1859, %select_n3A_1850 : vector<16xi1>, vector<16xf32>
    %slice3A_1864 = vector.extract_strided_slice %and3A_1822 {offsets = [3], sizes = [1], strides = [1]} : vector<16xi32> to vector<1xi32>
    %squeeze3A_1865 = vector.extract %slice3A_1864[0] : i32 from vector<1xi32>
    %sub3A_1866 = arith.constant 3 : i32
    %sub3A_1867 = arith.subi %squeeze3A_1865, %sub3A_1866 : i32
    %get3A_1868 = arith.constant 115 : i32
    %get3A_1869 = arith.index_cast %get3A_1868 : i32 to index
    %get3A_1870 = arith.index_cast %sub3A_1867 : i32 to index
    %get3A_1871 = tpu.vector_load %arg9[%get3A_1869, %get3A_1870] {strides = array<i32>} : memref<129x128xf32, #tpu.memory_space<vmem>>, vector<1x16xf32>,
    %get3A_1872 = vector.shape_cast %get3A_1871 : vector<1x16xf32> to vector<16xf32>
    %eq3A_1873 = arith.constant 3 : i32
    %eq3A_1874 = vector.broadcast %eq3A_1873 : i32 to vector<16xi32>
    %eq3A_1875 = arith.cmpi eq, %iota3A, %eq3A_1874 : vector<16xi32>
    %select_n3A_1876 = arith.select %eq3A_1875, %get3A_1872, %select_n3A_1863 : vector<16xi1>, vector<16xf32>
    %slice3A_1877 = vector.extract_strided_slice %and3A_1822 {offsets = [4], sizes = [1], strides = [1]} : vector<16xi32> to vector<1xi32>
    %squeeze3A_1878 = vector.extract %slice3A_1877[0] : i32 from vector<1xi32>
    %sub3A_1879 = arith.constant 4 : i32
    %sub3A_1880 = arith.subi %squeeze3A_1878, %sub3A_1879 : i32
    %get3A_1881 = arith.constant 116 : i32
    %get3A_1882 = arith.index_cast %get3A_1881 : i32 to index
    %get3A_1883 = arith.index_cast %sub3A_1880 : i32 to index
    %get3A_1884 = tpu.vector_load %arg9[%get3A_1882, %get3A_1883] {strides = array<i32>} : memref<129x128xf32, #tpu.memory_space<vmem>>, vector<1x16xf32>,
    %get3A_1885 = vector.shape_cast %get3A_1884 : vector<1x16xf32> to vector<16xf32>
    %eq3A_1886 = arith.constant 4 : i32
    %eq3A_1887 = vector.broadcast %eq3A_1886 : i32 to vector<16xi32>
    %eq3A_1888 = arith.cmpi eq, %iota3A, %eq3A_1887 : vector<16xi32>
    %select_n3A_1889 = arith.select %eq3A_1888, %get3A_1885, %select_n3A_1876 : vector<16xi1>, vector<16xf32>
    %slice3A_1890 = vector.extract_strided_slice %and3A_1822 {offsets = [5], sizes = [1], strides = [1]} : vector<16xi32> to vector<1xi32>
    %squeeze3A_1891 = vector.extract %slice3A_1890[0] : i32 from vector<1xi32>
    %sub3A_1892 = arith.constant 5 : i32
    %sub3A_1893 = arith.subi %squeeze3A_1891, %sub3A_1892 : i32
    %get3A_1894 = arith.constant 117 : i32
    %get3A_1895 = arith.index_cast %get3A_1894 : i32 to index
    %get3A_1896 = arith.index_cast %sub3A_1893 : i32 to index
    %get3A_1897 = tpu.vector_load %arg9[%get3A_1895, %get3A_1896] {strides = array<i32>} : memref<129x128xf32, #tpu.memory_space<vmem>>, vector<1x16xf32>,
    %get3A_1898 = vector.shape_cast %get3A_1897 : vector<1x16xf32> to vector<16xf32>
    %eq3A_1899 = arith.constant 5 : i32
    %eq3A_1900 = vector.broadcast %eq3A_1899 : i32 to vector<16xi32>
    %eq3A_1901 = arith.cmpi eq, %iota3A, %eq3A_1900 : vector<16xi32>
    %select_n3A_1902 = arith.select %eq3A_1901, %get3A_1898, %select_n3A_1889 : vector<16xi1>, vector<16xf32>
    %slice3A_1903 = vector.extract_strided_slice %and3A_1822 {offsets = [6], sizes = [1], strides = [1]} : vector<16xi32> to vector<1xi32>
    %squeeze3A_1904 = vector.extract %slice3A_1903[0] : i32 from vector<1xi32>
    %sub3A_1905 = arith.constant 6 : i32
    %sub3A_1906 = arith.subi %squeeze3A_1904, %sub3A_1905 : i32
    %get3A_1907 = arith.constant 118 : i32
    %get3A_1908 = arith.index_cast %get3A_1907 : i32 to index
    %get3A_1909 = arith.index_cast %sub3A_1906 : i32 to index
    %get3A_1910 = tpu.vector_load %arg9[%get3A_1908, %get3A_1909] {strides = array<i32>} : memref<129x128xf32, #tpu.memory_space<vmem>>, vector<1x16xf32>,
    %get3A_1911 = vector.shape_cast %get3A_1910 : vector<1x16xf32> to vector<16xf32>
    %eq3A_1912 = arith.constant 6 : i32
    %eq3A_1913 = vector.broadcast %eq3A_1912 : i32 to vector<16xi32>
    %eq3A_1914 = arith.cmpi eq, %iota3A, %eq3A_1913 : vector<16xi32>
    %select_n3A_1915 = arith.select %eq3A_1914, %get3A_1911, %select_n3A_1902 : vector<16xi1>, vector<16xf32>
    %slice3A_1916 = vector.extract_strided_slice %and3A_1822 {offsets = [7], sizes = [1], strides = [1]} : vector<16xi32> to vector<1xi32>
    %squeeze3A_1917 = vector.extract %slice3A_1916[0] : i32 from vector<1xi32>
    %sub3A_1918 = arith.constant 7 : i32
    %sub3A_1919 = arith.subi %squeeze3A_1917, %sub3A_1918 : i32
    %get3A_1920 = arith.constant 119 : i32
    %get3A_1921 = arith.index_cast %get3A_1920 : i32 to index
    %get3A_1922 = arith.index_cast %sub3A_1919 : i32 to index
    %get3A_1923 = tpu.vector_load %arg9[%get3A_1921, %get3A_1922] {strides = array<i32>} : memref<129x128xf32, #tpu.memory_space<vmem>>, vector<1x16xf32>,
    %get3A_1924 = vector.shape_cast %get3A_1923 : vector<1x16xf32> to vector<16xf32>
    %eq3A_1925 = arith.constant 7 : i32
    %eq3A_1926 = vector.broadcast %eq3A_1925 : i32 to vector<16xi32>
    %eq3A_1927 = arith.cmpi eq, %iota3A, %eq3A_1926 : vector<16xi32>
    %select_n3A_1928 = arith.select %eq3A_1927, %get3A_1924, %select_n3A_1915 : vector<16xi1>, vector<16xf32>
    %slice3A_1929 = vector.extract_strided_slice %and3A_1822 {offsets = [8], sizes = [1], strides = [1]} : vector<16xi32> to vector<1xi32>
    %squeeze3A_1930 = vector.extract %slice3A_1929[0] : i32 from vector<1xi32>
    %sub3A_1931 = arith.constant 8 : i32
    %sub3A_1932 = arith.subi %squeeze3A_1930, %sub3A_1931 : i32
    %get3A_1933 = arith.constant 120 : i32
    %get3A_1934 = arith.index_cast %get3A_1933 : i32 to index
    %get3A_1935 = arith.index_cast %sub3A_1932 : i32 to index
    %get3A_1936 = tpu.vector_load %arg9[%get3A_1934, %get3A_1935] {strides = array<i32>} : memref<129x128xf32, #tpu.memory_space<vmem>>, vector<1x16xf32>,
    %get3A_1937 = vector.shape_cast %get3A_1936 : vector<1x16xf32> to vector<16xf32>
    %eq3A_1938 = arith.constant 8 : i32
    %eq3A_1939 = vector.broadcast %eq3A_1938 : i32 to vector<16xi32>
    %eq3A_1940 = arith.cmpi eq, %iota3A, %eq3A_1939 : vector<16xi32>
    %select_n3A_1941 = arith.select %eq3A_1940, %get3A_1937, %select_n3A_1928 : vector<16xi1>, vector<16xf32>
    %slice3A_1942 = vector.extract_strided_slice %and3A_1822 {offsets = [9], sizes = [1], strides = [1]} : vector<16xi32> to vector<1xi32>
    %squeeze3A_1943 = vector.extract %slice3A_1942[0] : i32 from vector<1xi32>
    %sub3A_1944 = arith.constant 9 : i32
    %sub3A_1945 = arith.subi %squeeze3A_1943, %sub3A_1944 : i32
    %get3A_1946 = arith.constant 121 : i32
    %get3A_1947 = arith.index_cast %get3A_1946 : i32 to index
    %get3A_1948 = arith.index_cast %sub3A_1945 : i32 to index
    %get3A_1949 = tpu.vector_load %arg9[%get3A_1947, %get3A_1948] {strides = array<i32>} : memref<129x128xf32, #tpu.memory_space<vmem>>, vector<1x16xf32>,
    %get3A_1950 = vector.shape_cast %get3A_1949 : vector<1x16xf32> to vector<16xf32>
    %eq3A_1951 = arith.constant 9 : i32
    %eq3A_1952 = vector.broadcast %eq3A_1951 : i32 to vector<16xi32>
    %eq3A_1953 = arith.cmpi eq, %iota3A, %eq3A_1952 : vector<16xi32>
    %select_n3A_1954 = arith.select %eq3A_1953, %get3A_1950, %select_n3A_1941 : vector<16xi1>, vector<16xf32>
    %slice3A_1955 = vector.extract_strided_slice %and3A_1822 {offsets = [10], sizes = [1], strides = [1]} : vector<16xi32> to vector<1xi32>
    %squeeze3A_1956 = vector.extract %slice3A_1955[0] : i32 from vector<1xi32>
    %sub3A_1957 = arith.constant 10 : i32
    %sub3A_1958 = arith.subi %squeeze3A_1956, %sub3A_1957 : i32
    %get3A_1959 = arith.constant 122 : i32
    %get3A_1960 = arith.index_cast %get3A_1959 : i32 to index
    %get3A_1961 = arith.index_cast %sub3A_1958 : i32 to index
    %get3A_1962 = tpu.vector_load %arg9[%get3A_1960, %get3A_1961] {strides = array<i32>} : memref<129x128xf32, #tpu.memory_space<vmem>>, vector<1x16xf32>,
    %get3A_1963 = vector.shape_cast %get3A_1962 : vector<1x16xf32> to vector<16xf32>
    %eq3A_1964 = arith.constant 10 : i32
    %eq3A_1965 = vector.broadcast %eq3A_1964 : i32 to vector<16xi32>
    %eq3A_1966 = arith.cmpi eq, %iota3A, %eq3A_1965 : vector<16xi32>
    %select_n3A_1967 = arith.select %eq3A_1966, %get3A_1963, %select_n3A_1954 : vector<16xi1>, vector<16xf32>
    %slice3A_1968 = vector.extract_strided_slice %and3A_1822 {offsets = [11], sizes = [1], strides = [1]} : vector<16xi32> to vector<1xi32>
    %squeeze3A_1969 = vector.extract %slice3A_1968[0] : i32 from vector<1xi32>
    %sub3A_1970 = arith.constant 11 : i32
    %sub3A_1971 = arith.subi %squeeze3A_1969, %sub3A_1970 : i32
    %get3A_1972 = arith.constant 123 : i32
    %get3A_1973 = arith.index_cast %get3A_1972 : i32 to index
    %get3A_1974 = arith.index_cast %sub3A_1971 : i32 to index
    %get3A_1975 = tpu.vector_load %arg9[%get3A_1973, %get3A_1974] {strides = array<i32>} : memref<129x128xf32, #tpu.memory_space<vmem>>, vector<1x16xf32>,
    %get3A_1976 = vector.shape_cast %get3A_1975 : vector<1x16xf32> to vector<16xf32>
    %eq3A_1977 = arith.constant 11 : i32
    %eq3A_1978 = vector.broadcast %eq3A_1977 : i32 to vector<16xi32>
    %eq3A_1979 = arith.cmpi eq, %iota3A, %eq3A_1978 : vector<16xi32>
    %select_n3A_1980 = arith.select %eq3A_1979, %get3A_1976, %select_n3A_1967 : vector<16xi1>, vector<16xf32>
    %slice3A_1981 = vector.extract_strided_slice %and3A_1822 {offsets = [12], sizes = [1], strides = [1]} : vector<16xi32> to vector<1xi32>
    %squeeze3A_1982 = vector.extract %slice3A_1981[0] : i32 from vector<1xi32>
    %sub3A_1983 = arith.constant 12 : i32
    %sub3A_1984 = arith.subi %squeeze3A_1982, %sub3A_1983 : i32
    %get3A_1985 = arith.constant 124 : i32
    %get3A_1986 = arith.index_cast %get3A_1985 : i32 to index
    %get3A_1987 = arith.index_cast %sub3A_1984 : i32 to index
    %get3A_1988 = tpu.vector_load %arg9[%get3A_1986, %get3A_1987] {strides = array<i32>} : memref<129x128xf32, #tpu.memory_space<vmem>>, vector<1x16xf32>,
    %get3A_1989 = vector.shape_cast %get3A_1988 : vector<1x16xf32> to vector<16xf32>
    %eq3A_1990 = arith.constant 12 : i32
    %eq3A_1991 = vector.broadcast %eq3A_1990 : i32 to vector<16xi32>
    %eq3A_1992 = arith.cmpi eq, %iota3A, %eq3A_1991 : vector<16xi32>
    %select_n3A_1993 = arith.select %eq3A_1992, %get3A_1989, %select_n3A_1980 : vector<16xi1>, vector<16xf32>
    %slice3A_1994 = vector.extract_strided_slice %and3A_1822 {offsets = [13], sizes = [1], strides = [1]} : vector<16xi32> to vector<1xi32>
    %squeeze3A_1995 = vector.extract %slice3A_1994[0] : i32 from vector<1xi32>
    %sub3A_1996 = arith.constant 13 : i32
    %sub3A_1997 = arith.subi %squeeze3A_1995, %sub3A_1996 : i32
    %get3A_1998 = arith.constant 125 : i32
    %get3A_1999 = arith.index_cast %get3A_1998 : i32 to index
    %get3A_2000 = arith.index_cast %sub3A_1997 : i32 to index
    %get3A_2001 = tpu.vector_load %arg9[%get3A_1999, %get3A_2000] {strides = array<i32>} : memref<129x128xf32, #tpu.memory_space<vmem>>, vector<1x16xf32>,
    %get3A_2002 = vector.shape_cast %get3A_2001 : vector<1x16xf32> to vector<16xf32>
    %eq3A_2003 = arith.constant 13 : i32
    %eq3A_2004 = vector.broadcast %eq3A_2003 : i32 to vector<16xi32>
    %eq3A_2005 = arith.cmpi eq, %iota3A, %eq3A_2004 : vector<16xi32>
    %select_n3A_2006 = arith.select %eq3A_2005, %get3A_2002, %select_n3A_1993 : vector<16xi1>, vector<16xf32>
    %slice3A_2007 = vector.extract_strided_slice %and3A_1822 {offsets = [14], sizes = [1], strides = [1]} : vector<16xi32> to vector<1xi32>
    %squeeze3A_2008 = vector.extract %slice3A_2007[0] : i32 from vector<1xi32>
    %sub3A_2009 = arith.constant 14 : i32
    %sub3A_2010 = arith.subi %squeeze3A_2008, %sub3A_2009 : i32
    %get3A_2011 = arith.constant 126 : i32
    %get3A_2012 = arith.index_cast %get3A_2011 : i32 to index
    %get3A_2013 = arith.index_cast %sub3A_2010 : i32 to index
    %get3A_2014 = tpu.vector_load %arg9[%get3A_2012, %get3A_2013] {strides = array<i32>} : memref<129x128xf32, #tpu.memory_space<vmem>>, vector<1x16xf32>,
    %get3A_2015 = vector.shape_cast %get3A_2014 : vector<1x16xf32> to vector<16xf32>
    %eq3A_2016 = arith.constant 14 : i32
    %eq3A_2017 = vector.broadcast %eq3A_2016 : i32 to vector<16xi32>
    %eq3A_2018 = arith.cmpi eq, %iota3A, %eq3A_2017 : vector<16xi32>
    %select_n3A_2019 = arith.select %eq3A_2018, %get3A_2015, %select_n3A_2006 : vector<16xi1>, vector<16xf32>
    %slice3A_2020 = vector.extract_strided_slice %and3A_1822 {offsets = [15], sizes = [1], strides = [1]} : vector<16xi32> to vector<1xi32>
    %squeeze3A_2021 = vector.extract %slice3A_2020[0] : i32 from vector<1xi32>
    %sub3A_2022 = arith.constant 15 : i32
    %sub3A_2023 = arith.subi %squeeze3A_2021, %sub3A_2022 : i32
    %get3A_2024 = arith.constant 127 : i32
    %get3A_2025 = arith.index_cast %get3A_2024 : i32 to index
    %get3A_2026 = arith.index_cast %sub3A_2023 : i32 to index
    %get3A_2027 = tpu.vector_load %arg9[%get3A_2025, %get3A_2026] {strides = array<i32>} : memref<129x128xf32, #tpu.memory_space<vmem>>, vector<1x16xf32>,
    %get3A_2028 = vector.shape_cast %get3A_2027 : vector<1x16xf32> to vector<16xf32>
    %eq3A_2029 = arith.constant 15 : i32
    %eq3A_2030 = vector.broadcast %eq3A_2029 : i32 to vector<16xi32>
    %eq3A_2031 = arith.cmpi eq, %iota3A, %eq3A_2030 : vector<16xi32>
    %select_n3A_2032 = arith.select %eq3A_2031, %get3A_2028, %select_n3A_2019 : vector<16xi1>, vector<16xf32>
    %get3A_2033 = arith.index_cast %and3A_1 : i32 to index
    %get3A_2034 = arith.constant 112 : index
    %get3A_2035 = tpu.vector_load %arg7[%get3A_2033, %get3A_2034] {strides = array<i32>} : memref<8x128xf32, #tpu.memory_space<vmem>>, vector<1x16xf32>,
    %get3A_2036 = vector.shape_cast %get3A_2035 : vector<1x16xf32> to vector<16xf32>
    %mul3A_2037 = arith.mulf %select_n3A_2032, %get3A_2036 : vector<16xf32>
    %add3A_2038 = arith.addf %add3A_1814, %mul3A_2037 : vector<16xf32>
    %add3A_2039 = arith.addf %add3A_1815, %get3A_2036 : vector<16xf32>
    %swap3A_2040 = arith.constant 0 : i32
    %swap3A_2041 = arith.index_cast %swap3A_2040 : i32 to index
    %swap3A_2042 = arith.constant 0 : index
    %swap3A_2043 = tpu.vector_load %arg10[%swap3A_2041, %swap3A_2042] {strides = array<i32>} : memref<2x16xf32, #tpu.memory_space<vmem>>, vector<1x16xf32>,
    %swap3A_2044 = vector.shape_cast %swap3A_2043 : vector<1x16xf32> to vector<16xf32>
    %swap3A_2045 = vector.shape_cast %add3A_2038 : vector<16xf32> to vector<1x16xf32>
    tpu.vector_store %arg10[%swap3A_2041, %swap3A_2042], %swap3A_2045 {strides = array<i32>} : memref<2x16xf32, #tpu.memory_space<vmem>>, vector<1x16xf32>,
    %swap3A_2046 = arith.constant 1 : i32
    %swap3A_2047 = arith.index_cast %swap3A_2046 : i32 to index
    %swap3A_2048 = arith.constant 0 : index
    %swap3A_2049 = tpu.vector_load %arg10[%swap3A_2047, %swap3A_2048] {strides = array<i32>} : memref<2x16xf32, #tpu.memory_space<vmem>>, vector<1x16xf32>,
    %swap3A_2050 = vector.shape_cast %swap3A_2049 : vector<1x16xf32> to vector<16xf32>
    %swap3A_2051 = vector.shape_cast %add3A_2039 : vector<16xf32> to vector<1x16xf32>
    tpu.vector_store %arg10[%swap3A_2047, %swap3A_2048], %swap3A_2051 {strides = array<i32>} : memref<2x16xf32, #tpu.memory_space<vmem>>, vector<1x16xf32>,
    "tpu.region"() ({
      %run_scoped3A = tpu.sem_alloc : memref<!tpu.dma_semaphore, #tpu.memory_space<semaphore_mem>>
      %dma_start3A_2052 = arith.constant 0 : i32
      %dma_start3A_2053 = arith.constant 0 : i32
      %dma_start3A_2054 = tpu.memref_slice %arg5[%add3A, %dma_start3A_2052, %dma_start3A_2053] : memref<32x2x16xf32, #tpu.memory_space<hbm>> -> memref<1x2x16xf32, #tpu.memory_space<hbm>>
      %dma_start3A_2055 = tpu.memref_squeeze %dma_start3A_2054 : memref<1x2x16xf32, #tpu.memory_space<hbm>> -> memref<2x16xf32, #tpu.memory_space<hbm>>
      %dma_start3A_2056 = arith.constant 0 : i32
      %dma_start3A_2057 = arith.constant 0 : i32
      %dma_start3A_2058 = tpu.memref_slice %arg5[%add3A, %dma_start3A_2056, %dma_start3A_2057] : memref<32x2x16xf32, #tpu.memory_space<hbm>> -> memref<1x2x16xf32, #tpu.memory_space<hbm>>
      %dma_start3A_2059 = tpu.memref_squeeze %dma_start3A_2058 : memref<1x2x16xf32, #tpu.memory_space<hbm>> -> memref<2x16xf32, #tpu.memory_space<hbm>>
      tpu.enqueue_dma source(%arg10 : memref<2x16xf32, #tpu.memory_space<vmem>>) target(%dma_start3A_2059 : memref<2x16xf32, #tpu.memory_space<hbm>>) target_semaphore(%run_scoped3A : memref<!tpu.dma_semaphore, #tpu.memory_space<semaphore_mem>>)
      %dma_wait3A_2060 = arith.constant 0 : i32
      %dma_wait3A_2061 = arith.constant 0 : i32
      %dma_wait3A_2062 = tpu.memref_slice %arg5[%add3A, %dma_wait3A_2060, %dma_wait3A_2061] : memref<32x2x16xf32, #tpu.memory_space<hbm>> -> memref<1x2x16xf32, #tpu.memory_space<hbm>>
      %dma_wait3A_2063 = tpu.memref_squeeze %dma_wait3A_2062 : memref<1x2x16xf32, #tpu.memory_space<hbm>> -> memref<2x16xf32, #tpu.memory_space<hbm>>
      %dma_wait3A_2064 = arith.constant 0 : i32
      %dma_wait3A_2065 = arith.constant 0 : i32
      %dma_wait3A_2066 = tpu.memref_slice %arg5[%add3A, %dma_wait3A_2064, %dma_wait3A_2065] : memref<32x2x16xf32, #tpu.memory_space<hbm>> -> memref<1x2x16xf32, #tpu.memory_space<hbm>>
      %dma_wait3A_2067 = tpu.memref_squeeze %dma_wait3A_2066 : memref<1x2x16xf32, #tpu.memory_space<hbm>> -> memref<2x16xf32, #tpu.memory_space<hbm>>
      tpu.wait_dma2 semaphore(%run_scoped3A : memref<!tpu.dma_semaphore, #tpu.memory_space<semaphore_mem>>) src(%arg10 : memref<2x16xf32, #tpu.memory_space<vmem>>) dst(%dma_wait3A_2067 : memref<2x16xf32, #tpu.memory_space<hbm>>)
      tpu.yield
    }) : () -> ()
    return
  }
}

module attributes {stable_mosaic.version = 14 : i64} {
  func.func @_finalize_body(%arg0: memref<32x2x16xf32, #tpu.memory_space<vmem>>, %arg1: memref<1x1xf32, #tpu.memory_space<vmem>>) attributes {dimension_semantics = [], scalar_prefetch = 0 : i64, scratch_operands = 0 : i64, tpu.core_type = #tpu.core_type<tc>} {
    %get3A = arith.constant 0 : index
    %get3A_0 = arith.constant 0 : index
    %get3A_1 = arith.constant 0 : index
    %get3A_2 = vector.load %arg0[%get3A, %get3A_0, %get3A_1] : memref<32x2x16xf32, #tpu.memory_space<vmem>>, vector<32x1x16xf32>
    %get3A_3 = vector.shape_cast %get3A_2 : vector<32x1x16xf32> to vector<32x16xf32>
    %reduce_sum3A = vector.shape_cast %get3A_3 : vector<32x16xf32> to vector<1x32x16xf32>
    %reduce_sum3A_4 = arith.constant dense<0.000000e+00> : vector<1xf32>
    %reduce_sum3A_5 = vector.multi_reduction <add>, %reduce_sum3A, %reduce_sum3A_4 [1, 2] : vector<1x32x16xf32> to vector<1xf32>
    %reduce_sum3A_6 = vector.shape_cast %reduce_sum3A_5 : vector<1xf32> to vector<1x1x1xf32>
    %reduce_sum3A_7 = vector.extract %reduce_sum3A_6[0, 0, 0] : f32 from vector<1x1x1xf32>
    %get3A_8 = arith.constant 0 : index
    %get3A_9 = arith.constant 1 : index
    %get3A_10 = arith.constant 0 : index
    %get3A_11 = vector.load %arg0[%get3A_8, %get3A_9, %get3A_10] : memref<32x2x16xf32, #tpu.memory_space<vmem>>, vector<32x1x16xf32>
    %get3A_12 = vector.shape_cast %get3A_11 : vector<32x1x16xf32> to vector<32x16xf32>
    %reduce_sum3A_13 = vector.shape_cast %get3A_12 : vector<32x16xf32> to vector<1x32x16xf32>
    %reduce_sum3A_14 = arith.constant dense<0.000000e+00> : vector<1xf32>
    %reduce_sum3A_15 = vector.multi_reduction <add>, %reduce_sum3A_13, %reduce_sum3A_14 [1, 2] : vector<1x32x16xf32> to vector<1xf32>
    %reduce_sum3A_16 = vector.shape_cast %reduce_sum3A_15 : vector<1xf32> to vector<1x1x1xf32>
    %reduce_sum3A_17 = vector.extract %reduce_sum3A_16[0, 0, 0] : f32 from vector<1x1x1xf32>
    %neg3A = arith.constant 0.000000e+00 : f32
    %neg3A_18 = arith.subf %neg3A, %reduce_sum3A_7 : f32
    %add3A = arith.constant 9.99999997E-7 : f32
    %add3A_19 = arith.addf %reduce_sum3A_17, %add3A : f32
    %div3A = arith.divf %neg3A_18, %add3A_19 : f32
    %broadcast_in_dim3A = vector.broadcast %div3A : f32 to vector<1x1xf32>
    %swap3A = arith.constant 0 : index
    %swap3A_20 = arith.constant 0 : index
    %swap3A_21 = vector.load %arg1[%swap3A, %swap3A_20] : memref<1x1xf32, #tpu.memory_space<vmem>>, vector<1x1xf32>
    tpu.vector_store %arg1[%swap3A, %swap3A_20], %broadcast_in_dim3A {strides = array<i32>} : memref<1x1xf32, #tpu.memory_space<vmem>>, vector<1x1xf32>,
    return
  }
}

</mosaic_0001>

<sc_bundles>
// kernel: kernel.4.cloned.1.call-start
scs
__scs_entry_jumppad:
0x0: {  	(pc) =	sbr.rel $0x88, $3  }
0x1: {  	(tag) =	ssettag $0x0;
	lr =	simm.s32 $0x1  }
0x2: {  	[smem:$0x3F9E] =	sst lr;
	_ =	strace $0xD0000000  }
0x3: {  	_ = 	snop  }
0x4: {  	_ = 	snop  }
0x5: {  	_ = 	snop  }
0x6: {  	_ = 	snop  }
0x7: {  	_ = 	snop  }
__scs_overlays_trampoline_lowered:
0x8: {  	[smem:$0x3FAD] =	sst s0  }
0x9: {  	[smem:$0x3FAE] =	sst s1  }
0xa: {  	[smem:$0x3FAF] =	sst s2  }
0xb: {  	[smem:$0x3FB0] =	sst s3  }
0xc: {  	[smem:$0x3FB1] =	sst s4  }
0xd: {  	[smem:$0x3FB2] =	sst s5  }
0xe: {  	[smem:$0x3FB3] =	sst s6  }
0xf: {  	[smem:$0x3FB4] =	sst s7  }
0x10: {  	[smem:$0x3FB5] =	sst s8  }
0x11: {  	[smem:$0x3FB6] =	sst s9;
	s0 =	simm.s32 @!p0 $0x0  }
0x12: {  	s1 =	sld [smem:$0x3F9C];
	s0 =	simm.s32 @p0 $0x1  }
0x13: {  	[smem:$0x3FB7] =	sst s0;
	s0 =	simm.s32 @!p1 $0x0  }
0x14: {  	s2 =	sld [smem:$0x3F9B];
	s0 =	simm.s32 @p1 $0x1  }
0x15: {  	[smem:$0x3FB8] =	sst s0;
	s0 =	simm.s32 @!p2 $0x0  }
0x16: {  	s3 =	sld [smem:$0x3FDB];
	s0 =	simm.s32 @p2 $0x1  }
0x17: {  	s4 =	simm.s32 $0x1BF5;
	[smem:$0x3FBA] =	sst s0  }
0x18: {  	s0 =	sld [smem:$0x3F9D];
	_ =	swait.ge [sflag:s4], $0x0  }
0x19: {  	s7 =	sld [smem:$0x3F9E]  }
0x1a: {  	s8 =	sadd.s32 $0xFFFFE003, lr  }
0x1b: {  	s9 =	sadd.s32 $0xFFFFFEF7, lr;
	s5 =	simm.s32 $0xFFFFFFFF;
	p2 =	slt.u32 s8, $0xFFFFF086  }
0x1c: {  	p1 =	slt.u32 s9, $0xF7A;
	s5 =	simm.s32 @!p2 $0x0  }
0x1d: {  	s5 =	simm.s32 @p1 $0x1;
	p0 =	seq.s32 s7, s2  }
0x1e: {  	s7 =	smul.u32 @!p0 $0xF7A, s2;
	p2 =	seq.s32 @!p0 s5, $0x0  }
0x1f: {  	s9 =	smul.u32 $0xF7A, s1;
	s8 =	simm.s32 @!p0 $0x1BF5;
	p2 =	por !p2, p0  }
0x20: {  	[sflag:s8] =	ssyncset.s32 @!p0 $0xFFFFF086;
	s6 =	sadd.s32 @!p0 s3, s7;
	s7 =	simm.s32 @!p0 $0x108  }
0x21: {  	s3 =	sadd.s32 s3, s9;
	s6 =	sadd.s32 @!p0 $0x88, s6;
	s7 =	simm.s32 @p2 $0x1082  }
0x22: {  	[simem:s7], [sflag:s8] =	dma.local @!p0 [hbm:s6], $0xF7A  }
0x23: {  	s9 =	sor.u32 $0xD0000000, s2;
	s6 =	simm.s32 $0x108;
	_ =	swait.ge @!p0 [sflag:s8], $0x0  }
0x24: {  	s3 =	sadd.s32 $0x88, s3;
	s6 =	simm.s32 @!p1 $0x1082;
	[sflag:s4] =	ssyncset.s32 $0xFFFFF086  }
0x25: {  	[simem:s6], [sflag:s4] =	dma.local [hbm:s3], $0xF7A  }
0x26: {  	[smem:$0x3F9E] =	sst s1;
	(tag) =	ssettag s2;
	_ =	strace s9  }
0x27: {  	s1 =	sld [smem:$0x3FAE]  }
0x28: {  	s2 =	sld [smem:$0x3FAF]  }
0x29: {  	s4 =	sld [smem:$0x3FB1]  }
0x2a: {  	p0 =	seq.s32 s5, $0x0;
	s5 =	sld [smem:$0x3FB2]  }
0x2b: {  	s6 =	sld [smem:$0x3FB3]  }
0x2c: {  	s7 =	sld [smem:$0x3FB4]  }
0x2d: {  	s3 =	simm.s32 $0x108;
	s8 =	sld [smem:$0x3FB5]  }
0x2e: {  	s3 =	simm.s32 @!p0 $0x1082;
	s9 =	sld [smem:$0x3FB6]  }
0x2f: {  	lr =	sadd.s32 s0, s3;
	s0 =	sld [smem:$0x3FAD]  }
0x30: {  	s3 =	sld [smem:$0x3FB0]  }
0x31: {  	[smem:$0x3FB9] =	sst s10  }
0x32: {  	s10 =	sld [smem:$0x3FB7];
	_ =	sdelay $0x3  }
0x33: {  	p0 =	seq.s32 s10, $0x1;
	s10 =	sld [smem:$0x3FB9];
	_ =	sdelay $0x3  }
0x34: {  	[smem:$0x3FB9] =	sst s10  }
0x35: {  	s10 =	sld [smem:$0x3FB8];
	_ =	sdelay $0x3  }
0x36: {  	p1 =	seq.s32 s10, $0x1;
	s10 =	sld [smem:$0x3FB9];
	_ =	sdelay $0x3  }
0x37: {  	[smem:$0x3FB9] =	sst s10  }
0x38: {  	s10 =	sld [smem:$0x3FBA]  }
0x39: {  	_ = 	snop;
	(pc) =	sbr.ind lr, $3  }
0x3a: {  	_ = 	snop  }
0x3b: {  	_ = 	snop  }
0x3c: {  	p2 =	seq.s32 s10, $0x1;
	s10 =	sld [smem:$0x3FB9]  }
0x3d: {  	_ =	shalt  }
0x3e: {  	_ =	shalt  }
0x3f: {  	_ =	shalt  }
0x40: {  	_ =	shalt  }
0x41: {  	_ =	shalt  }
0x42: {  	_ =	shalt  }
0x43: {  	_ =	shalt  }
0x44: {  	_ =	shalt  }
0x45: {  	_ =	shalt  }
0x46: {  	_ =	shalt  }
0x47: {  	_ =	shalt  }
0x48: {  	_ =	shalt  }
0x49: {  	_ =	shalt  }
0x4a: {  	_ =	shalt  }
0x4b: {  	_ =	shalt  }
0x4c: {  	_ =	shalt  }
0x4d: {  	_ =	shalt  }
0x4e: {  	_ =	shalt  }
0x4f: {  	_ =	shalt  }
0x50: {  	_ =	shalt  }
0x51: {  	_ =	shalt  }
0x52: {  	_ =	shalt  }
0x53: {  	_ =	shalt  }
0x54: {  	_ =	shalt  }
0x55: {  	_ =	shalt  }
0x56: {  	_ =	shalt  }
0x57: {  	_ =	shalt  }
0x58: {  	_ =	shalt  }
0x59: {  	_ =	shalt  }
0x5a: {  	_ =	shalt  }
0x5b: {  	_ =	shalt  }
0x5c: {  	_ =	shalt  }
0x5d: {  	_ =	shalt  }
0x5e: {  	_ =	shalt  }
0x5f: {  	_ =	shalt  }
0x60: {  	_ =	shalt  }
0x61: {  	_ =	shalt  }
0x62: {  	_ =	shalt  }
0x63: {  	_ =	shalt  }
0x64: {  	_ =	shalt  }
0x65: {  	_ =	shalt  }
0x66: {  	_ =	shalt  }
0x67: {  	_ =	shalt  }
0x68: {  	_ =	shalt  }
0x69: {  	_ =	shalt  }
0x6a: {  	_ =	shalt  }
0x6b: {  	_ =	shalt  }
0x6c: {  	_ =	shalt  }
0x6d: {  	_ =	shalt  }
0x6e: {  	_ =	shalt  }
0x6f: {  	_ =	shalt  }
0x70: {  	_ =	shalt  }
0x71: {  	_ =	shalt  }
0x72: {  	_ =	shalt  }
0x73: {  	_ =	shalt  }
0x74: {  	_ =	shalt  }
0x75: {  	_ =	shalt  }
0x76: {  	_ =	shalt  }
0x77: {  	_ =	shalt  }
0x78: {  	_ =	shalt  }
0x79: {  	_ =	shalt  }
0x7a: {  	_ =	shalt  }
0x7b: {  	_ =	shalt  }
0x7c: {  	_ =	shalt  }
0x7d: {  	_ =	shalt  }
0x7e: {  	_ =	shalt  }
0x7f: {  	_ =	shalt  }
0x80: {  	_ =	shalt  }
0x81: {  	_ =	shalt  }
0x82: {  	_ =	shalt  }
0x83: {  	_ =	shalt  }
0x84: {  	_ =	shalt  }
0x85: {  	_ =	shalt  }
0x86: {  	_ =	shalt  }
0x87: {  	_ =	shalt  }
.Lfunc_end0:
.L_simem_size_0:
called_computation_lowered:
.L_overlay_start_0:
0x88: {  	s2 =	sld [smem:$0x3FD9]  }
0x89: {  	s3 =	sld [smem:$0x3FFE];
	_ =	sdelay $0x1  }
0x8a: {  	s1 =	srdreg.scid  }
0x8b: {  	s0 =	sand.u32 $0x1, s1  }
0x8c: {  	s17 =	sshll.u32 s0, $0xA;
	s2 =	sadd.s32 s3, s2  }
0x8d: {  	s2 =	sadd.s32 s2, s17  }
0x8e: {  	[smem:$0x3FC5] =	sst s2  }
0x8f: {  	_ = 	snop  }
0x90: {  	s2 =	sld [smem:$0x3FC9]  }
0x91: {  	s18 =	sld [smem:$0x3FC8]  }
0x92: {  	s4 =	sld [smem:$0x3FC7];
	(tm) =	ssettm $0x1  }
0x93: {  	s5 =	sld [smem:$0x3FFB];
	_ =	sdelay $0x3  }
0x94: {  	_ =	strace s5  }
0x95: {  	s5 =	sld [smem:$0x3FFC];
	_ =	sdelay $0x3  }
0x96: {  	_ =	strace s5  }
0x97: {  	s5 =	sld [smem:$0x3FFD];
	_ =	sdelay $0x3  }
0x98: {  	_ =	strace s5  }
0x99: {  	_ =	strace $0x8FFFFFFF  }
0x9a: {  	s19 =	sld [smem:$0x3FDB];
	_ =	sdelay $0x1  }
0x9b: {  	s6 =	simm.s32 $_scs_section_size  }
0x9c: {  	s7 =	simm.s32 $_size__tile_overlayer_lowered;
	s8 =	simm.s32 $_tile_overlayer_lowered  }
0x9d: {  	s22 =	simm.s32 $0x1BFF;
	s21 =	sshll.u32 s8, $0x1;
	s5 =	sadd.s32 s6, s19  }
0x9e: {  	s9 =	simm.s32 $0x0;
	s20 =	sshll.u32 s7, $0x1;
	s7 =	sadd.s32 s21, s5  }
0x9f: {  	[timem:s9], [sflag:s22] =	dma.local [hbm:s7], s20  }
0xa0: {  	_ =	swait.ge [sflag:s22], s20  }
0xa1: {  	s6 =	ssub.s32 $0x0, s20;
	[sflag:s22] =	ssyncset.done $0x0  }
0xa2: {  	[sflag:s22] =	ssyncadd.s32 s6;
	_ =	sdelay $0x1  }
0xa3: {  	s23 =	simm.s32 $0x1B8B  }
0xa4: {  	_ =	swait.ge [sflag:s23], $0x1  }
0xa5: {  	[sflag:s23] =	ssyncset.done $0x0  }
0xa6: {  	s25 =	simm.s32 $0x1B8E;
	s24 =	sld [smem:$0x3FFE];
	[sflag:s23] =	ssyncadd.s32 $0xFFFFFFFF  }
0xa7: {  	s26 =	simm.s32 $execute0_lowered;
	[smem:$0x3FD2] =	sst s25  }
0xa8: {  	s7 =	sshll.u32 s26, $0x1;
	_ =	strace $0x80000046;
	[dreg:$0x1] =	wrdreg $0xFFFFFFFF  }
0xa9: {  	s28 =	simm.s32 $_size_execute0_lowered;
	s5 =	sadd.s32 s5, s7;
	[dreg:$0x0] =	wrdreg $0x0  }
0xaa: {  	s7 =	sshll.u32 s28, $0x1;
	[dreg:$0x2] =	wrdreg s5  }
0xab: {  	[dreg:$0x3] =	wrdreg s7  }
0xac: {  	[dreg:$0x4] =	wrdreg $0xC0  }
0xad: {  	_ =	task [dreg:s9], $0x5FFFF  }
0xae: {  	[dreg:$0x1] =	wrdreg $0xFFFFFFFF  }
0xaf: {  	[dreg:$0x0] =	wrdreg $0x60  }
0xb0: {  	[dreg:$0x2] =	wrdreg s2  }
0xb1: {  	[dreg:$0x3] =	wrdreg s18  }
0xb2: {  	[dreg:$0x4] =	wrdreg s4  }
0xb3: {  	[dreg:$0x5] =	wrdreg s24  }
0xb4: {  	[dreg:$0x6] =	wrdreg $0x9  }
0xb5: {  	_ =	task.clear_ibuf [dreg:s9], $0x7FFFF;
	_ =	strace $0x90000046  }
0xb6: {  	s29 =	simm.s32 $0x9;
	_ =	strace $0x80000048  }
0xb7: {  	_ =	swait.ge [sflag:s29], $0x1  }
0xb8: {  	[sflag:s29] =	ssyncadd.s32 $0xFFFFFFFF  }
0xb9: {  	_ =	strace $0x90000048  }
0xba: {  	_ =	sfence  }
0xbb: {  	s30 =	sld [smem:$0x0];
	_ =	sdelay $0x2  }
0xbc: {  	s31 =	sshll.u32 s1, $0xD;
	s1 =	sshrl.u32 s1, $0x2  }
0xbd: {  	s3 =	sand.u32 $0x4000, s31;
	s1 =	sadd.s32 s1, s30  }
0xbe: {  	s0 =	sor.u32 s3, s0;
	s1 =	sshll.u32 s1, $0x11  }
0xbf: {  	s0 =	sor.u32 s1, s0  }
0xc0: {  	s0 =	sadd.s32 $0x8F2B, s0  }
0xc1: {  	[sflag:s0] =	ssyncadd.remote.s32 $0x1  }
0xc2: {  	_ =	sfence.sel $0xFFFF  }
0xc3: {  	[dreg:$0x0] =	wrdreg $0xFFFFFFFF;
	(pc) =	sbr.abs _section_cstart, $3  }
0xc4: {  	[dreg:$0x1] =	wrdreg $0xFFFFFFFF  }
0xc5: {  	_ =	task.clear_ibuf [dreg:s9], $0x2FFFF;
	_ =	strace $0x9FFFFFFF  }
0xc6: {  	(tm) =	ssettm $0x7FFFFFFF  }
0xc7: {  	_ =	shalt  }
tec
execute0_lowered:
.L_overlay_start_1:
0x0: {  	(tag) =	ssettag $0x1  }
0x1: {  	s1 =	srdreg.scid;
	s0 =	stileid.u32  }
0x2: {  	s3 =	sand.u32 $0x1, s1;
	s14 =	sshll.u32 s0, $0x1  }
0x3: {  	s4 =	sor.u32 s3, s14  }
0x4: {  	s2 =	rddreg [dreg:$0x0];
	s15 =	sshll.u32 s0, $0x5;
	s6 =	sand.u32 $0x7, s4  }
0x5: {  	s5 =	rddreg [dreg:$0x1];
	s8 =	sand.u32 $0x180, s15;
	s16 =	sshll.u32 s6, $0x9  }
0x6: {  	s7 =	rddreg [dreg:$0x2];
	v0 =	vlaneseq.u32;
	s10 =	sor.u32 s8, s16  }
0x7: {  	s9 =	rddreg [dreg:$0x3];
	s28 =	simm.s32 $0x400;
	s29 =	simm.s32 $0x80;
	v1 =	vor.u32 s10, v0  }
0x8: {  	s30 =	simm.s32 $0x800;
	s31 =	simm.s32 $0x880;
	[dreg:$0x5] =	wrdreg s2;
	v1 =	vshrl.u32 v1, $0x3  }
0x9: {  	vm0 =	vmmov $0x1;
	s1 =	rddreg [dreg:$0x4];
	s2 =	simm.s32 $0x0;
	s17 =	sor.u32 $0x20, s10;
	v1 =	vmul.u32 $0xFA, v1  }
0xa: {  	vm1 =	vmmov $0x3;
	vm2 =	vmmov $0x7;
	s13 =	simm.s32 $0x1;
	[smem:$0x7FF] =	sst s2;
	s12 =	ssub.s32 $0x2, s3;
	v53 =	vor.u32 s17, v0  }
0xb: {  	vm3 =	vmmov $0xf;
	vm4 =	vmmov $0x1f;
	s14 =	simm.s32 $0x4C80;
	_ =	strace $0x80000047;
	s18 =	sor.u32 $0x30, s10;
	[tilespmem:$0x1FF80] =	vst v1;
	v1 =	vshrl.u32 v53, $0x3  }
0xc: {  	vm5 =	vmmov $0x3f;
	s4 =	sshll.u32 s4, $0x5;
	[dreg:$0x9] =	wrdreg s28;
	s11 =	sor.u32 $0x10, s10;
	v54 =	vor.u32 s18, v0;
	v1 =	vmul.u32 $0xFA, v1  }
0xd: {  	vm6 =	vmmov $0x7f;
	s20 =	sshrl.u32 s12, $0x1;
	[dreg:$0xa] =	wrdreg s29;
	s19 =	sor.u32 $0x40, s10;
	v2 =	vor.u32 s11, v0;
	v55 =	vshrl.u32 v54, $0x3  }
0xe: {  	s5 =	sadd.s32 s5, s8;
	[dreg:$0xb] =	wrdreg s30;
	s22 =	sor.u32 $0x50, s10;
	v3 =	vor.u32 s19, v0;
	v2 =	vshrl.u32 v2, $0x3;
	[tilespmem:$0x1FFA0] =	vst v1;
	v1 =	vmul.u32 $0xFA, v55  }
0xf: {  	s21 =	sadd.s32 s7, s8;
	[dreg:$0xc] =	wrdreg s31;
	s24 =	sor.u32 $0x70, s10;
	v58 =	vor.u32 s22, v0;
	v56 =	vshrl.u32 v3, $0x3;
	v52 =	vmul.u32 $0xFA, v2  }
0x10: {  	[dreg:$0xd] =	wrdreg s14;
	s9 =	sadd.s32 s4, s9;
	s23 =	sor.u32 $0x60, s10;
	v60 =	vor.u32 s24, v0;
	v57 =	vmul.u32 $0xFA, v56;
	[tilespmem:$0x1FFB0] =	vst v1;
	v1 =	vshrl.u32 v58, $0x3  }
0x11: {  	[dreg:$0x6] =	wrdreg s5;
	s3 =	sshll.u32 s6, $0x7;
	s25 =	ssub.s32 s12, s20;
	v59 =	vor.u32 s23, v0;
	v62 =	vshrl.u32 v60, $0x3;
	[tilespmem:$0x1FF90] =	vst v52;
	v1 =	vmul.u32 $0xFA, v1  }
0x12: {  	vm7 =	vmmov $0xff;
	[dreg:$0x7] =	wrdreg s21;
	s12 =	simm.s32 $0x2;
	s4 =	sor.u32 $0x10, s3;
	v61 =	vshrl.u32 v59, $0x3;
	v63 =	vmul.u32 $0xFA, v62;
	[tilespmem:$0x1FFC0] =	vst v57  }
0x13: {  	vm8 =	vmmov $0x1ff;
	vm9 =	vmmov $0x3ff;
	s5 =	sor.u32 $0x20, s3;
	s6 =	sor.u32 $0x30, s3;
	s26 =	sadd.s32 $0x600, s9;
	[tilespmem:$0x1FFD0] =	vst v1;
	v1 =	vmul.u32 $0xFA, v61  }
0x14: {  	vm10 =	vmmov $0x7ff;
	vm11 =	vmmov $0xfff;
	vm12 =	vmmov $0x1fff;
	s7 =	sor.u32 $0x40, s3;
	s8 =	sor.u32 $0x50, s3;
	s9 =	sor.u32 $0x60, s3;
	[tilespmem:$0x1FFF0] =	vst v63  }
0x15: {  	vm13 =	vmmov $0x3fff;
	vm14 =	vmmov $0x7fff;
	v8 =	vand.u32 $0x7, v0;
	[dreg:$0x8] =	wrdreg s26;
	s10 =	sor.u32 $0x70, s3;
	s11 =	smax.u32 s25, $0x1;
	[tilespmem:$0x1FFE0] =	vst v1  }
.LBB2_1:
0x16: {  	s14 =	rddreg [dreg:$0x6]  }
0x17: {  	[tilespmem:s2], [sflag:$0x2] =	stream.linear.gather [hbm4b:s14+s2], $0x400, $0x38;
	[tilespmem:$0x4D80] =	vst v63  }
0x18: {  	_ =	swait.ge [sflag:s12], $0x400  }
0x19: {  	s23 =	rddreg [dreg:$0x7];
	[sflag:s12] =	ssyncset.done $0x0  }
0x1a: {  	s15 =	rddreg [dreg:$0x9];
	[sflag:s12] =	ssyncadd.s32 $0xFFFFFC00  }
0x1b: {  	[tilespmem:s15], [sflag:$0x2] =	stream.linear.gather [hbm4b:s23+s2], $0x400, $0x38;
	[tilespmem:$0x4D80] =	vst v63  }
0x1c: {  	_ =	swait.ge [sflag:s12], $0x400  }
0x1d: {  	[sflag:s12] =	ssyncset.done $0x0  }
0x1e: {  	[sflag:s12] =	ssyncadd.s32 $0xFFFFFC00  }
0x1f: {  	v0 =	vld [tilespmem:s3+$0x0]  }
0x20: {  	v1 =	vld [tilespmem:$0x1FF80];
	_ =	sdelay $0x3  }
0x21: {  	v0 =	vshrl.u32 v0, $0x7  }
0x22: {  	v0 =	vadd.s32 v1, v0  }
0x23: {  	v0 =	vshll.u32 v0, $0x3  }
0x24: {  	v0 =	vor.u32 v8, v0  }
0x25: {  	[tilespmem:$0x800] =	vst v0  }
0x26: {  	v0 =	vld [tilespmem:s4+$0x0]  }
0x27: {  	v56 =	vld [tilespmem:$0x1FF90];
	_ =	sdelay $0x3  }
0x28: {  	v0 =	vshrl.u32 v0, $0x7  }
0x29: {  	v0 =	vadd.s32 v56, v0  }
0x2a: {  	v0 =	vshll.u32 v0, $0x3  }
0x2b: {  	v0 =	vor.u32 v8, v0  }
0x2c: {  	[tilespmem:$0x810] =	vst v0  }
0x2d: {  	v0 =	vld [tilespmem:s5+$0x0]  }
0x2e: {  	v57 =	vld [tilespmem:$0x1FFA0];
	_ =	sdelay $0x3  }
0x2f: {  	v0 =	vshrl.u32 v0, $0x7  }
0x30: {  	v0 =	vadd.s32 v57, v0  }
0x31: {  	v0 =	vshll.u32 v0, $0x3  }
0x32: {  	v0 =	vor.u32 v8, v0  }
0x33: {  	[tilespmem:$0x820] =	vst v0  }
0x34: {  	v0 =	vld [tilespmem:s6+$0x0]  }
0x35: {  	v58 =	vld [tilespmem:$0x1FFB0];
	_ =	sdelay $0x3  }
0x36: {  	v0 =	vshrl.u32 v0, $0x7  }
0x37: {  	v0 =	vadd.s32 v58, v0  }
0x38: {  	v0 =	vshll.u32 v0, $0x3  }
0x39: {  	v0 =	vor.u32 v8, v0  }
0x3a: {  	[tilespmem:$0x830] =	vst v0  }
0x3b: {  	v0 =	vld [tilespmem:s7+$0x0]  }
0x3c: {  	v59 =	vld [tilespmem:$0x1FFC0];
	_ =	sdelay $0x3  }
0x3d: {  	v0 =	vshrl.u32 v0, $0x7  }
0x3e: {  	v0 =	vadd.s32 v59, v0  }
0x3f: {  	v0 =	vshll.u32 v0, $0x3  }
0x40: {  	v0 =	vor.u32 v8, v0  }
0x41: {  	[tilespmem:$0x840] =	vst v0  }
0x42: {  	v0 =	vld [tilespmem:s8+$0x0]  }
0x43: {  	v60 =	vld [tilespmem:$0x1FFD0];
	_ =	sdelay $0x3  }
0x44: {  	v0 =	vshrl.u32 v0, $0x7  }
0x45: {  	v0 =	vadd.s32 v60, v0  }
0x46: {  	v0 =	vshll.u32 v0, $0x3  }
0x47: {  	v0 =	vor.u32 v8, v0  }
0x48: {  	[tilespmem:$0x850] =	vst v0  }
0x49: {  	v0 =	vld [tilespmem:s9+$0x0]  }
0x4a: {  	v61 =	vld [tilespmem:$0x1FFE0];
	_ =	sdelay $0x3  }
0x4b: {  	v0 =	vshrl.u32 v0, $0x7  }
0x4c: {  	v0 =	vadd.s32 v61, v0  }
0x4d: {  	v0 =	vshll.u32 v0, $0x3  }
0x4e: {  	v0 =	vor.u32 v8, v0  }
0x4f: {  	[tilespmem:$0x860] =	vst v0  }
0x50: {  	v0 =	vld [tilespmem:s10+$0x0]  }
0x51: {  	v62 =	vld [tilespmem:$0x1FFF0];
	_ =	sdelay $0x3  }
0x52: {  	v0 =	vshrl.u32 v0, $0x7  }
0x53: {  	s24 =	rddreg [dreg:$0x5];
	v0 =	vadd.s32 v62, v0  }
0x54: {  	s25 =	rddreg [dreg:$0xa];
	v0 =	vshll.u32 v0, $0x3  }
0x55: {  	s16 =	rddreg [dreg:$0xb];
	v0 =	vor.u32 v8, v0  }
0x56: {  	s17 =	rddreg [dreg:$0xc];
	[tilespmem:$0x870] =	vst v0  }
0x57: {  	[tilespmem:s17], [sflag:$0x1] =	stream.indirect.gather [hbm4b:s24+s25], $0x80, s16, s25, $0xb8;
	[tilespmem:$0x4D80] =	vst v63  }
0x58: {  	_ =	swait.ge [sflag:s13], $0x4000  }
0x59: {  	[sflag:s13] =	ssyncset.done $0x0  }
0x5a: {  	[sflag:s13] =	ssyncadd.s32 $0xFFFFC000  }
0x5b: {  	v63 =	vld [tilespmem:s3+$0x0];
	_ =	sdelay $0x4  }
0x5c: {  	v0 =	vand.u32 $0x7F, v63  }
0x5d: {  	(v2sf) =	vpush v0, $0x0  }
0x5e: {  	(v2sf) =	vpush v0, $0x1  }
0x5f: {  	(v2sf) =	vpush v0, $0x2  }
0x60: {  	(v2sf) =	vpush v0, $0x3  }
0x61: {  	(v2sf) =	vpush v0, $0x4  }
0x62: {  	(v2sf) =	vpush v0, $0x5  }
0x63: {  	(v2sf) =	vpush v0, $0x6  }
0x64: {  	(v2sf) =	vpush v0, $0x7  }
0x65: {  	v4 =	vld [tilespmem:s4+$0x0];
	(v2sf) =	vpush v0, $0x8  }
0x66: {  	v20 =	vld [tilespmem:s5+$0x0];
	(v2sf) =	vpush v0, $0x9  }
0x67: {  	v25 =	vld [tilespmem:s3+$0x400];
	(v2sf) =	vpush v0, $0xA  }
0x68: {  	v31 =	vld [tilespmem:s6+$0x0];
	(v2sf) =	vpush v0, $0xB  }
0x69: {  	v39 =	vld [tilespmem:s4+$0x400];
	(v2sf) =	vpush v0, $0xC  }
0x6a: {  	v57 =	vld [tilespmem:s7+$0x0];
	(v2sf) =	vpush v0, $0xD  }
0x6b: {  	v1 =	vld [tilespmem:s9+$0x0]  }
0x6c: {  	[tilespmem:$0x1FF20] =	vst v25;
	v25 =	vld [tilespmem:s5+$0x400];
	s26 =	spop (v2sf);
	(v2sf) =	vpush v0, $0xE  }
0x6d: {  	v22 =	vld [tilespmem:s26+$0x880];
	s28 =	spop (v2sf);
	(v2sf) =	vpush v0, $0xF  }
0x6e: {  	v5 =	vand.u32 $0x7F, v4;
	v29 =	vld [tilespmem:s28+$0x8FF];
	s29 =	spop (v2sf)  }
0x6f: {  	v21 =	vld [tilespmem:s29+$0x97E];
	s30 =	spop (v2sf);
	(v2sf) =	vpush v5, $0x0  }
0x70: {  	v26 =	vld [tilespmem:s30+$0x9FD];
	s31 =	spop (v2sf);
	(v2sf) =	vpush v5, $0x1  }
0x71: {  	v23 =	vld [tilespmem:s31+$0xA7C];
	s15 =	spop (v2sf);
	(v2sf) =	vpush v5, $0x2  }
0x72: {  	v32 =	vld [tilespmem:s15+$0xAFB];
	s16 =	spop (v2sf);
	(v2sf) =	vpush v5, $0x3  }
0x73: {  	v12 =	vld [tilespmem:s16+$0xB7A];
	s17 =	spop (v2sf);
	(v2sf) =	vpush v5, $0x4  }
0x74: {  	v13 =	vld [tilespmem:s17+$0xBF9];
	s18 =	spop (v2sf);
	(v2sf) =	vpush v5, $0x5  }
0x75: {  	v14 =	vld [tilespmem:s18+$0xC78];
	s19 =	spop (v2sf);
	(v2sf) =	vpush v5, $0x6  }
0x76: {  	v15 =	vld [tilespmem:s19+$0xCF7];
	s20 =	spop (v2sf)  }
0x77: {  	(v2sf) =	vpush v5, $0x7;
	v16 =	vld [tilespmem:s20+$0xD76];
	s21 =	spop (v2sf)  }
0x78: {  	v17 =	vld [tilespmem:s21+$0xDF5];
	s22 =	spop (v2sf)  }
0x79: {  	(v2sf) =	vpush v5, $0x8;
	v18 =	vld [tilespmem:s22+$0xE74];
	s23 =	spop (v2sf)  }
0x7a: {  	(v2sf) =	vpush v5, $0x9;
	v19 =	vld [tilespmem:s23+$0xEF3]  }
0x7b: {  	(v2sf) =	vpush v5, $0xA;
	[tilespmem:$0x1FE70] =	vst v14;
	v14 =	vld [tilespmem:s6+$0x400];
	s24 =	spop (v2sf)  }
0x7c: {  	(v2sf) =	vpush v5, $0xB;
	v2 =	vld [tilespmem:s24+$0xF72];
	s25 =	spop (v2sf)  }
0x7d: {  	(v2sf) =	vpush v5, $0xC;
	v24 =	vld [tilespmem:s25+$0xFF1]  }
0x7e: {  	[tilespmem:$0x1FEA0] =	vst v17;
	v17 =	vld [tilespmem:s8+$0x0];
	s26 =	spop (v2sf)  }
0x7f: {  	(v2sf) =	vpush v5, $0xD;
	v61 =	vld [tilespmem:s26+$0x1080];
	s28 =	spop (v2sf)  }
0x80: {  	[tilespmem:$0x1FE50] =	vst v12;
	(v2sf) =	vpush v5, $0xE;
	v12 =	vld [tilespmem:s28+$0x10FF];
	s29 =	spop (v2sf)  }
0x81: {  	v27 =	vand.u32 $0x7F, v20;
	(v2sf) =	vpush v5, $0xF;
	v62 =	vld [tilespmem:s29+$0x117E];
	s30 =	spop (v2sf)  }
0x82: {  	(v2sf) =	vpush v27, $0x0;
	v59 =	vld [tilespmem:s30+$0x11FD];
	s31 =	spop (v2sf)  }
0x83: {  	v56 =	vld [tilespmem:s31+$0x127C];
	s15 =	spop (v2sf)  }
0x84: {  	(v2sf) =	vpush v27, $0x1;
	[tilespmem:$0x1FEE0] =	vst v24;
	v24 =	vsel vm0, v22, v29;
	v53 =	vld [tilespmem:s15+$0x12FB];
	s16 =	spop (v2sf)  }
0x85: {  	(v2sf) =	vpush v27, $0x2;
	v24 =	vsel vm1, v24, v21;
	v49 =	vld [tilespmem:s16+$0x137A]  }
0x86: {  	v24 =	vsel vm2, v24, v26;
	s17 =	spop (v2sf);
	v61 =	vsel vm0, v61, v12;
	v12 =	vld [tilespmem:s7+$0x400]  }
0x87: {  	(v2sf) =	vpush v27, $0x3;
	v24 =	vsel vm3, v24, v23;
	v45 =	vld [tilespmem:s17+$0x13F9]  }
0x88: {  	s18 =	spop (v2sf);
	v21 =	vsel vm4, v24, v32;
	v32 =	vld [tilespmem:$0x1FE50]  }
0x89: {  	(v2sf) =	vpush v27, $0x4;
	v40 =	vld [tilespmem:s18+$0x1478];
	s19 =	spop (v2sf)  }
0x8a: {  	(v2sf) =	vpush v27, $0x5;
	v37 =	vld [tilespmem:s19+$0x14F7];
	s20 =	spop (v2sf)  }
0x8b: {  	v35 =	vld [tilespmem:s20+$0x1576];
	s21 =	spop (v2sf)  }
0x8c: {  	(v2sf) =	vpush v27, $0x6;
	v34 =	vld [tilespmem:s21+$0x15F5];
	s22 =	spop (v2sf)  }
0x8d: {  	[tilespmem:$0x1FE60] =	vst v13;
	v28 =	vld [tilespmem:s22+$0x1674]  }
0x8e: {  	v61 =	vsel vm1, v61, v62;
	(v2sf) =	vpush v27, $0x7;
	s23 =	spop (v2sf);
	v21 =	vsel vm5, v21, v32;
	v32 =	vld [tilespmem:$0x1FE60]  }
0x8f: {  	v61 =	vsel vm2, v61, v59;
	(v2sf) =	vpush v27, $0x8;
	v30 =	vld [tilespmem:s23+$0x16F3];
	s24 =	spop (v2sf)  }
0x90: {  	v61 =	vsel vm3, v61, v56;
	(v2sf) =	vpush v27, $0x9;
	v33 =	vld [tilespmem:s24+$0x1772];
	s25 =	spop (v2sf)  }
0x91: {  	v61 =	vsel vm4, v61, v53;
	v36 =	vld [tilespmem:s25+$0x17F1];
	s26 =	spop (v2sf)  }
0x92: {  	v61 =	vsel vm5, v61, v49;
	(v2sf) =	vpush v27, $0xA;
	v13 =	vld [tilespmem:s26+$0x1880]  }
0x93: {  	v61 =	vsel vm6, v61, v45;
	(v2sf) =	vpush v27, $0xB;
	s28 =	spop (v2sf);
	v21 =	vsel vm6, v21, v32;
	v32 =	vld [tilespmem:$0x1FE70]  }
0x94: {  	v61 =	vsel vm7, v61, v40;
	v5 =	vld [tilespmem:s28+$0x18FF];
	s29 =	spop (v2sf)  }
0x95: {  	(v2sf) =	vpush v27, $0xC;
	v61 =	vsel vm8, v61, v37;
	[tilespmem:$0x1FF00] =	vst v30;
	v10 =	vld [tilespmem:s29+$0x197E]  }
0x96: {  	[tilespmem:$0x1FE90] =	vst v16;
	v35 =	vsel vm9, v61, v35;
	s30 =	spop (v2sf);
	v61 =	vld [tilespmem:$0x1FF00]  }
0x97: {  	(v2sf) =	vpush v27, $0xD;
	[tilespmem:$0x1FF10] =	vst v33;
	v16 =	vld [tilespmem:s30+$0x19FD]  }
0x98: {  	(v2sf) =	vpush v27, $0xE;
	s31 =	spop (v2sf);
	v62 =	vld [tilespmem:$0x1FF10]  }
0x99: {  	v20 =	vld [tilespmem:s31+$0x1A7C];
	s15 =	spop (v2sf)  }
0x9a: {  	[tilespmem:$0x1FE80] =	vst v15;
	(v2sf) =	vpush v27, $0xF;
	v63 =	vld [tilespmem:s15+$0x1AFB]  }
0x9b: {  	v38 =	vand.u32 $0x7F, v31;
	v21 =	vsel vm7, v21, v32;
	v32 =	vld [tilespmem:$0x1FE80];
	s16 =	spop (v2sf)  }
0x9c: {  	[tilespmem:$0x1FEF0] =	vst v28;
	(v2sf) =	vpush v38, $0x0;
	v5 =	vsel vm0, v13, v5;
	v30 =	vld [tilespmem:s16+$0x1B7A]  }
0x9d: {  	(v2sf) =	vpush v38, $0x1;
	s17 =	spop (v2sf);
	v5 =	vsel vm1, v5, v10;
	v10 =	vld [tilespmem:$0x1FEF0]  }
0x9e: {  	(v2sf) =	vpush v38, $0x2;
	v58 =	vld [tilespmem:s17+$0x1BF9];
	s18 =	spop (v2sf)  }
0x9f: {  	(v2sf) =	vpush v38, $0x3;
	v55 =	vld [tilespmem:s18+$0x1C78];
	s19 =	spop (v2sf)  }
0xa0: {  	(v2sf) =	vpush v38, $0x4;
	v51 =	vld [tilespmem:s19+$0x1CF7]  }
0xa1: {  	(v2sf) =	vpush v38, $0x5;
	s20 =	spop (v2sf);
	v21 =	vsel vm8, v21, v32;
	v32 =	vld [tilespmem:$0x1FE90]  }
0xa2: {  	(v2sf) =	vpush v38, $0x6;
	v52 =	vld [tilespmem:s20+$0x1D76];
	s21 =	spop (v2sf)  }
0xa3: {  	v35 =	vsel vm10, v35, v34;
	[tilespmem:$0x1FF30] =	vst v36;
	(v2sf) =	vpush v38, $0x7;
	v48 =	vld [tilespmem:s21+$0x1DF5]  }
0xa4: {  	v5 =	vsel vm2, v5, v16;
	(v2sf) =	vpush v38, $0x8;
	s22 =	spop (v2sf);
	v10 =	vsel vm11, v35, v10;
	v35 =	vld [tilespmem:$0x1FF30]  }
0xa5: {  	v5 =	vsel vm3, v5, v20;
	(v2sf) =	vpush v38, $0x9;
	v46 =	vld [tilespmem:s22+$0x1E74]  }
0xa6: {  	v5 =	vsel vm4, v5, v63;
	s23 =	spop (v2sf);
	(v2sf) =	vpush v38, $0xA;
	v10 =	vsel vm12, v10, v61;
	v61 =	vld [tilespmem:s10+$0x0]  }
0xa7: {  	v5 =	vsel vm5, v5, v30;
	v41 =	vld [tilespmem:s23+$0x1EF3];
	(v2sf) =	vpush v38, $0xB;
	s24 =	spop (v2sf)  }
0xa8: {  	v5 =	vsel vm6, v5, v58;
	(v2sf) =	vpush v38, $0xC;
	v42 =	vld [tilespmem:s24+$0x1F72]  }
0xa9: {  	v5 =	vsel vm7, v5, v55;
	s25 =	spop (v2sf);
	v21 =	vsel vm9, v21, v32;
	v32 =	vld [tilespmem:$0x1FEA0];
	(v2sf) =	vpush v38, $0xD  }
0xaa: {  	v5 =	vsel vm8, v5, v51;
	v60 =	vld [tilespmem:s25+$0x1FF1]  }
0xab: {  	s26 =	spop (v2sf);
	v51 =	vsel vm9, v5, v52;
	v5 =	vld [tilespmem:s8+$0x400];
	(v2sf) =	vpush v38, $0xE  }
0xac: {  	v31 =	vld [tilespmem:s26+$0x2080];
	s28 =	spop (v2sf);
	(v2sf) =	vpush v38, $0xF  }
0xad: {  	v4 =	vand.u32 $0x7F, v57;
	v27 =	vld [tilespmem:s28+$0x20FF];
	s29 =	spop (v2sf)  }
0xae: {  	[tilespmem:$0x1FEB0] =	vst v18;
	v28 =	vld [tilespmem:s29+$0x217E];
	s30 =	spop (v2sf);
	(v2sf) =	vpush v4, $0x0  }
0xaf: {  	v21 =	vsel vm10, v21, v32;
	v32 =	vld [tilespmem:$0x1FEB0];
	s31 =	spop (v2sf);
	(v2sf) =	vpush v4, $0x1  }
0xb0: {  	[tilespmem:$0x1FF40] =	vst v60;
	v33 =	vld [tilespmem:s30+$0x21FD];
	s15 =	spop (v2sf);
	(v2sf) =	vpush v4, $0x2  }
0xb1: {  	v52 =	vld [tilespmem:$0x1FF40];
	s16 =	spop (v2sf);
	(v2sf) =	vpush v4, $0x3  }
0xb2: {  	v36 =	vld [tilespmem:s31+$0x227C];
	s17 =	spop (v2sf);
	(v2sf) =	vpush v4, $0x4  }
0xb3: {  	v38 =	vld [tilespmem:s15+$0x22FB];
	s18 =	spop (v2sf);
	(v2sf) =	vpush v4, $0x5  }
0xb4: {  	[tilespmem:$0x1FEC0] =	vst v19;
	v60 =	vld [tilespmem:s16+$0x237A];
	s19 =	spop (v2sf);
	(v2sf) =	vpush v4, $0x6  }
0xb5: {  	v21 =	vsel vm11, v21, v32;
	v32 =	vld [tilespmem:$0x1FEC0];
	s20 =	spop (v2sf);
	(v2sf) =	vpush v4, $0x7  }
0xb6: {  	v57 =	vld [tilespmem:s17+$0x23F9];
	s21 =	spop (v2sf);
	(v2sf) =	vpush v4, $0x8  }
0xb7: {  	v54 =	vld [tilespmem:s18+$0x2478];
	s22 =	spop (v2sf);
	(v2sf) =	vpush v4, $0x9  }
0xb8: {  	v50 =	vld [tilespmem:s19+$0x24F7];
	s23 =	spop (v2sf);
	(v2sf) =	vpush v4, $0xA  }
0xb9: {  	v47 =	vld [tilespmem:s20+$0x2576];
	(v2sf) =	vpush v4, $0xB  }
0xba: {  	[tilespmem:$0x1FED0] =	vst v2;
	v43 =	vld [tilespmem:s21+$0x25F5];
	s24 =	spop (v2sf);
	(v2sf) =	vpush v4, $0xC  }
0xbb: {  	v21 =	vsel vm12, v21, v32;
	v32 =	vld [tilespmem:$0x1FED0];
	s25 =	spop (v2sf);
	(v2sf) =	vpush v4, $0xD  }
0xbc: {  	v44 =	vld [tilespmem:s22+$0x2674]  }
0xbd: {  	v27 =	vsel vm0, v31, v27;
	v15 =	vld [tilespmem:s23+$0x26F3];
	(v2sf) =	vpush v4, $0xE;
	s26 =	spop (v2sf)  }
0xbe: {  	v27 =	vsel vm1, v27, v28;
	v18 =	vld [tilespmem:s24+$0x2772];
	s28 =	spop (v2sf)  }
0xbf: {  	v0 =	vand.u32 $0x7F, v17;
	v27 =	vsel vm2, v27, v33;
	v19 =	vld [tilespmem:s25+$0x27F1];
	(v2sf) =	vpush v4, $0xF;
	s29 =	spop (v2sf)  }
0xc0: {  	v27 =	vsel vm3, v27, v36;
	v21 =	vsel vm13, v21, v32;
	v32 =	vld [tilespmem:$0x1FEE0];
	s30 =	spop (v2sf);
	(v2sf) =	vpush v0, $0x0  }
0xc1: {  	v27 =	vsel vm4, v27, v38;
	v4 =	vld [tilespmem:s26+$0x2880];
	s31 =	spop (v2sf);
	(v2sf) =	vpush v0, $0x1  }
0xc2: {  	v27 =	vsel vm5, v27, v60;
	[tilespmem:$0x1FF50] =	vst v15;
	v2 =	vld [tilespmem:s28+$0x28FF];
	s16 =	spop (v2sf);
	(v2sf) =	vpush v0, $0x2  }
0xc3: {  	v27 =	vsel vm6, v27, v57;
	v57 =	vld [tilespmem:$0x1FF50];
	s17 =	spop (v2sf);
	(v2sf) =	vpush v0, $0x3  }
0xc4: {  	v3 =	vld [tilespmem:s29+$0x297E];
	s18 =	spop (v2sf);
	(v2sf) =	vpush v0, $0x4  }
0xc5: {  	v6 =	vld [tilespmem:s30+$0x29FD];
	s19 =	spop (v2sf);
	(v2sf) =	vpush v0, $0x5  }
0xc6: {  	v21 =	vsel vm14, v21, v32;
	v32 =	vsel vm13, v10, v62;
	v62 =	vld [tilespmem:$0x1FF20];
	s20 =	spop (v2sf);
	(v2sf) =	vpush v0, $0x6  }
0xc7: {  	v7 =	vld [tilespmem:s31+$0x2A7C];
	s21 =	spop (v2sf);
	(v2sf) =	vpush v0, $0x7  }
0xc8: {  	v9 =	vld [tilespmem:s16+$0x2AFB];
	s22 =	spop (v2sf);
	(v2sf) =	vpush v0, $0x8  }
0xc9: {  	v11 =	vld [tilespmem:s17+$0x2B7A];
	s23 =	spop (v2sf);
	(v2sf) =	vpush v0, $0x9  }
0xca: {  	v15 =	vld [tilespmem:s18+$0x2BF9];
	s24 =	spop (v2sf);
	(v2sf) =	vpush v0, $0xA  }
0xcb: {  	v17 =	vld [tilespmem:s19+$0x2C78];
	(v2sf) =	vpush v0, $0xB  }
0xcc: {  	v21 =	vmul.f32 v62, v21;
	v60 =	vadd.f32 $0.0e+00, v62;
	v62 =	vld [tilespmem:s9+$0x400];
	s25 =	spop (v2sf);
	(v2sf) =	vpush v0, $0xC  }
0xcd: {  	[tilespmem:$0x1FF60] =	vst v18;
	v18 =	vld [tilespmem:s20+$0x2CF7]  }
0xce: {  	[tilespmem:$0x1FF70] =	vst v19;
	v19 =	vld [tilespmem:s21+$0x2D76];
	s26 =	spop (v2sf);
	(v2sf) =	vpush v0, $0xD  }
0xcf: {  	v29 =	vld [tilespmem:s22+$0x2DF5];
	s28 =	spop (v2sf);
	(v2sf) =	vpush v0, $0xE  }
0xd0: {  	v22 =	vld [tilespmem:s23+$0x2E74];
	s29 =	spop (v2sf)  }
0xd1: {  	v1 =	vand.u32 $0x7F, v1;
	v26 =	vld [tilespmem:s24+$0x2EF3];
	(v2sf) =	vpush v0, $0xF;
	s30 =	spop (v2sf)  }
0xd2: {  	v24 =	vld [tilespmem:s25+$0x2F72];
	(v2sf) =	vpush v1, $0x0;
	s31 =	spop (v2sf)  }
0xd3: {  	v23 =	vld [tilespmem:s26+$0x2FF1];
	(v2sf) =	vpush v1, $0x1;
	s16 =	spop (v2sf)  }
0xd4: {  	v0 =	vld [tilespmem:s28+$0x3080];
	(v2sf) =	vpush v1, $0x2;
	s17 =	spop (v2sf)  }
0xd5: {  	v59 =	vld [tilespmem:s29+$0x30FF];
	s18 =	spop (v2sf);
	(v2sf) =	vpush v1, $0x3  }
0xd6: {  	v56 =	vld [tilespmem:s30+$0x317E];
	s19 =	spop (v2sf);
	(v2sf) =	vpush v1, $0x4  }
0xd7: {  	v53 =	vld [tilespmem:s31+$0x31FD];
	s20 =	spop (v2sf);
	(v2sf) =	vpush v1, $0x5  }
0xd8: {  	v49 =	vld [tilespmem:s16+$0x327C];
	s21 =	spop (v2sf);
	(v2sf) =	vpush v1, $0x6  }
0xd9: {  	v45 =	vld [tilespmem:s17+$0x32FB];
	s22 =	spop (v2sf);
	(v2sf) =	vpush v1, $0x7  }
0xda: {  	v40 =	vld [tilespmem:s18+$0x337A];
	s23 =	spop (v2sf);
	(v2sf) =	vpush v1, $0x8  }
0xdb: {  	v37 =	vld [tilespmem:s19+$0x33F9];
	s24 =	spop (v2sf);
	(v2sf) =	vpush v1, $0x9  }
0xdc: {  	v13 =	vld [tilespmem:s20+$0x3478];
	(v2sf) =	vpush v1, $0xA  }
0xdd: {  	v34 =	vld [tilespmem:s21+$0x34F7];
	s25 =	spop (v2sf);
	(v2sf) =	vpush v1, $0xB  }
0xde: {  	v16 =	vld [tilespmem:s22+$0x3576];
	s26 =	spop (v2sf);
	(v2sf) =	vpush v1, $0xC  }
0xdf: {  	v63 =	vsel vm14, v32, v35;
	v20 =	vld [tilespmem:s23+$0x35F5];
	(v2sf) =	vpush v1, $0xD  }
0xe0: {  	v63 =	vmul.f32 v39, v63;
	v21 =	vadd.f32 $0.0e+00, v21;
	v10 =	vld [tilespmem:s24+$0x3674];
	s28 =	spop (v2sf);
	(v2sf) =	vpush v1, $0xE  }
0xe1: {  	v30 =	vld [tilespmem:s25+$0x36F3];
	s29 =	spop (v2sf);
	(v2sf) =	vpush v1, $0xF  }
0xe2: {  	v32 =	vld [tilespmem:s26+$0x3772];
	v1 =	vadd.f32 v63, v21;
	s30 =	spop (v2sf);
	v63 =	vand.u32 $0x7F, v61  }
0xe3: {  	v35 =	vld [tilespmem:s28+$0x37F1];
	s31 =	spop (v2sf);
	(v2sf) =	vpush v63, $0x0  }
0xe4: {  	v58 =	vsel vm10, v51, v48;
	v48 =	vld [tilespmem:s29+$0x3880];
	(v2sf) =	vpush v63, $0x1;
	s15 =	spop (v2sf)  }
0xe5: {  	v21 =	vsel vm11, v58, v46;
	v58 =	vld [tilespmem:$0x1FF60];
	(v2sf) =	vpush v63, $0x2;
	s16 =	spop (v2sf)  }
0xe6: {  	v31 =	vld [tilespmem:s30+$0x38FF];
	(v2sf) =	vpush v63, $0x3;
	s17 =	spop (v2sf)  }
0xe7: {  	v28 =	vld [tilespmem:s31+$0x397E];
	s18 =	spop (v2sf);
	(v2sf) =	vpush v63, $0x4  }
0xe8: {  	v2 =	vsel vm0, v4, v2;
	v33 =	vld [tilespmem:s15+$0x39FD];
	s19 =	spop (v2sf);
	(v2sf) =	vpush v63, $0x5  }
0xe9: {  	v2 =	vsel vm1, v2, v3;
	v36 =	vld [tilespmem:s16+$0x3A7C];
	s20 =	spop (v2sf);
	(v2sf) =	vpush v63, $0x6  }
0xea: {  	v2 =	vsel vm2, v2, v6;
	v55 =	vld [tilespmem:s17+$0x3AFB];
	s21 =	spop (v2sf);
	(v2sf) =	vpush v63, $0x7  }
0xeb: {  	v2 =	vsel vm3, v2, v7;
	v3 =	vld [tilespmem:s18+$0x3B7A];
	s22 =	spop (v2sf);
	(v2sf) =	vpush v63, $0x8  }
0xec: {  	v2 =	vsel vm4, v2, v9;
	v6 =	vld [tilespmem:s19+$0x3BF9];
	s23 =	spop (v2sf);
	(v2sf) =	vpush v63, $0x9  }
0xed: {  	v2 =	vsel vm5, v2, v11;
	v7 =	vld [tilespmem:s20+$0x3C78];
	s24 =	spop (v2sf);
	(v2sf) =	vpush v63, $0xA  }
0xee: {  	v2 =	vsel vm6, v2, v15;
	v9 =	vld [tilespmem:s21+$0x3CF7];
	s25 =	spop (v2sf);
	(v2sf) =	vpush v63, $0xB  }
0xef: {  	v27 =	vsel vm7, v27, v54;
	v2 =	vsel vm7, v2, v17;
	v11 =	vld [tilespmem:s22+$0x3D76];
	s26 =	spop (v2sf);
	(v2sf) =	vpush v63, $0xC  }
0xf0: {  	v27 =	vsel vm8, v27, v50;
	v2 =	vsel vm8, v2, v18;
	v15 =	vld [tilespmem:s23+$0x3DF5];
	s28 =	spop (v2sf);
	(v2sf) =	vpush v63, $0xD  }
0xf1: {  	v27 =	vsel vm9, v27, v47;
	v2 =	vsel vm9, v2, v19;
	v17 =	vld [tilespmem:s24+$0x3E74];
	(v2sf) =	vpush v63, $0xE  }
0xf2: {  	v27 =	vsel vm10, v27, v43;
	v2 =	vsel vm10, v2, v29;
	s29 =	spop (v2sf);
	(v2sf) =	vpush v63, $0xF;
	v63 =	vld [tilespmem:$0x1FF70]  }
0xf3: {  	v27 =	vsel vm11, v27, v44;
	v2 =	vsel vm11, v2, v22;
	v21 =	vsel vm12, v21, v41;
	v18 =	vld [tilespmem:s25+$0x3EF3]  }
0xf4: {  	v27 =	vsel vm12, v27, v57;
	v2 =	vsel vm12, v2, v26;
	v21 =	vsel vm13, v21, v42;
	v19 =	vld [tilespmem:s26+$0x3F72]  }
0xf5: {  	v2 =	vsel vm13, v2, v24;
	v0 =	vsel vm0, v0, v59;
	v21 =	vsel vm14, v21, v52;
	v61 =	vld [tilespmem:s28+$0x3FF1]  }
0xf6: {  	v0 =	vsel vm1, v0, v56;
	v21 =	vmul.f32 v25, v21;
	v27 =	vsel vm13, v27, v58;
	s30 =	spop (v2sf);
	v42 =	vld [tilespmem:s29+$0x4080]  }
0xf7: {  	v2 =	vsel vm14, v2, v23;
	v0 =	vsel vm2, v0, v53;
	s31 =	spop (v2sf);
	v44 =	vld [tilespmem:s30+$0x40FF];
	v27 =	vsel vm14, v27, v63  }
0xf8: {  	v0 =	vsel vm3, v0, v49;
	v1 =	vadd.f32 v21, v1;
	s16 =	spop (v2sf);
	v46 =	vld [tilespmem:s31+$0x417E];
	v43 =	vmul.f32 v14, v27  }
0xf9: {  	v2 =	vmul.f32 v12, v2;
	v0 =	vsel vm4, v0, v45;
	v47 =	vld [tilespmem:s16+$0x41FD];
	s17 =	spop (v2sf)  }
0xfa: {  	v0 =	vsel vm5, v0, v40;
	v48 =	vsel vm0, v48, v31;
	s18 =	spop (v2sf);
	v50 =	vld [tilespmem:s17+$0x427C];
	v1 =	vadd.f32 v43, v1  }
0xfb: {  	v38 =	vadd.f32 v39, v60;
	v0 =	vsel vm6, v0, v37;
	v51 =	vsel vm1, v48, v28;
	s19 =	spop (v2sf);
	v52 =	vld [tilespmem:s18+$0x42FB]  }
0xfc: {  	v24 =	vsel vm0, v42, v44;
	s20 =	spop (v2sf);
	v53 =	vld [tilespmem:s19+$0x437A];
	v1 =	vadd.f32 v2, v1;
	v2 =	vsel vm2, v51, v33  }
0xfd: {  	v0 =	vsel vm7, v0, v13;
	v23 =	vsel vm1, v24, v46;
	s21 =	spop (v2sf);
	v54 =	vld [tilespmem:s20+$0x43F9];
	v2 =	vsel vm3, v2, v36  }
0xfe: {  	v0 =	vsel vm8, v0, v34;
	s22 =	spop (v2sf);
	v56 =	vld [tilespmem:s21+$0x4478];
	v2 =	vsel vm4, v2, v55;
	v55 =	vsel vm2, v23, v47  }
0xff: {  	v0 =	vsel vm9, v0, v16;
	s23 =	spop (v2sf);
	v58 =	vld [tilespmem:s22+$0x44F7];
	v2 =	vsel vm5, v2, v3;
	v57 =	vsel vm3, v55, v50  }
0x100: {  	v0 =	vsel vm10, v0, v20;
	s24 =	spop (v2sf);
	v2 =	vsel vm6, v2, v6;
	v3 =	vsel vm4, v57, v52;
	v6 =	vld [tilespmem:s23+$0x4576]  }
0x101: {  	v0 =	vsel vm11, v0, v10;
	s25 =	spop (v2sf);
	v2 =	vsel vm7, v2, v7;
	v3 =	vsel vm5, v3, v53;
	v7 =	vld [tilespmem:s24+$0x45F5]  }
0x102: {  	v0 =	vsel vm12, v0, v30;
	s26 =	spop (v2sf);
	v2 =	vsel vm8, v2, v9;
	v3 =	vsel vm6, v3, v54;
	v9 =	vld [tilespmem:s25+$0x4674]  }
0x103: {  	v0 =	vsel vm13, v0, v32;
	s28 =	spop (v2sf);
	v10 =	vld [tilespmem:s26+$0x46F3];
	v2 =	vsel vm9, v2, v11;
	v3 =	vsel vm7, v3, v56  }
0x104: {  	v25 =	vadd.f32 v25, v38;
	v59 =	vld [tilespmem:s28+$0x4772];
	s29 =	spop (v2sf);
	v2 =	vsel vm10, v2, v15;
	v3 =	vsel vm8, v3, v58  }
0x105: {  	v0 =	vsel vm14, v0, v35;
	v2 =	vsel vm11, v2, v17;
	v3 =	vsel vm9, v3, v6;
	v6 =	vld [tilespmem:s29+$0x47F1]  }
0x106: {  	v14 =	vadd.f32 v14, v25;
	v2 =	vsel vm12, v2, v18;
	v3 =	vsel vm10, v3, v7;
	v7 =	vld [tilespmem:s10+$0x400]  }
0x107: {  	v0 =	vmul.f32 v5, v0;
	v2 =	vsel vm13, v2, v19;
	v3 =	vsel vm11, v3, v9  }
0x108: {  	v9 =	vadd.f32 v12, v14;
	v2 =	vsel vm14, v2, v61;
	v3 =	vsel vm12, v3, v10  }
0x109: {  	v0 =	vadd.f32 v0, v1;
	v60 =	vsel vm13, v3, v59;
	v2 =	vmul.f32 v62, v2  }
0x10a: {  	v61 =	vadd.f32 v5, v9;
	v1 =	vsel vm14, v60, v6  }
0x10b: {  	v0 =	vadd.f32 v2, v0;
	v1 =	vmul.f32 v7, v1  }
0x10c: {  	v62 =	vadd.f32 v62, v61  }
0x10d: {  	v0 =	vadd.f32 v1, v0  }
0x10e: {  	v63 =	vadd.f32 v7, v62  }
0x10f: {  	p0 =	sne.s32 s11, $0x1;
	s30 =	rddreg [dreg:$0x8];
	[tilespmem:$0x4C80] =	vst v0  }
.Ltmp0:
0x110: {  	s31 =	rddreg [dreg:$0xd];
	[tilespmem:$0x4D00] =	vst v63;
	(pc) =	sbr.rel @p0 .LBB2_1-.Ltmp0, $4  }
0x111: {  	[hbm4b:s30+s2] =	stream.linear.scatter [tilespmem:s31], [sflag:$0x2], $0x100, $0x38;
	[tilespmem:$0x4D80] =	vst v63  }
0x112: {  	_ =	swait.ge [sflag:s12], $0x100  }
0x113: {  	[sflag:s12] =	ssyncset.done $0x0  }
0x114: {  	s11 =	sadd.s32 $0xFFFFFFFF, s11;
	[sflag:s12] =	ssyncadd.s32 $0xFFFFFF00  }
0x115: {  	_ =	sfence.sel $0x180000  }
0x116: {  	[bflag:$0x0] =	sbarrier.arrive $0xFFFF  }
0x117: {  	p0 =	sne.s32 s0, $0x0;
	_ =	strace $0x90000047  }
0x118: {  	s0 =	sadd.s32 @!p0 $0x100000, s1;
	[bflag:$0x2] =	sbarrier.arrive $0xFFFF  }
0x119: {  	[sflag:s0] =	ssyncadd.tile.s32 @!p0 $0x1;
	_ =	shalt  }
.Lfunc_end2:
_tile_overlayer_lowered:
.L_overlay_start_2:
0x11a: {  	(tag) =	ssettag $0x2  }
0x11b: {  	s0 =	rddreg [dreg:$0x0];
	s2 =	stileid.u32  }
0x11c: {  	s1 =	rddreg [dreg:$0x1];
	p0 =	sne.s32 s2, $0x0  }
0x11d: {  	s3 =	rddreg [dreg:$0x2];
	[bflag:$0x3] =	sbarrier.arrive $0xFFFF;
	s2 =	simm.s32 @!p0 $0x1C02  }
0x11e: {  	[timem:s3], [sflag:s2] =	dma.local @!p0 [hbm:s0], s1  }
0x11f: {  	s0 =	simm.s32 @!p0 $0x2  }
0x120: {  	_ =	swait.ge @!p0 [sflag:s0], s1  }
0x121: {  	s1 =	ssub.s32 @!p0 $0x0, s1;
	[sflag:s0] =	ssyncset.done @!p0 $0x0  }
0x122: {  	[sflag:s0] =	ssyncadd.s32 @!p0 s1  }
0x123: {  	[bflag:$0x3] =	sbarrier.arrive $0xFFFF  }
0x124: {  	_ =	shalt  }

</sc_bundles>
